<compile_context>
chip_gen: v7x
topology: tpu7x:2x2x1
jax: 0.10.2.dev20260603
libtpu: 0.0.44.dev20260713+nightly
codegen_flags: <defaults>
</compile_context>

<pallas_src>
import functools

import jax
import jax.numpy as jnp
from jax import lax
from jax.experimental import pallas as pl
from jax.experimental.pallas import tpu as pltpu
from jax.experimental.pallas import tpu_sc as plsc

N_NODES = 10000
N_REL = 4
N_EDGES_PER_REL = 80000
F = 128
N_BASIS = 2

NC = 2
NS = 16
L = 16

CHUNK = 48
NBLK = 20
N_BLOCKS = 21
N_CHUNKS = NBLK * N_BLOCKS
E_PER_TILE = CHUNK * N_CHUNKS
E_REL_PAD = E_PER_TILE * NS // N_REL
NROT = 4
AHEAD = 3
N_PAD = 10240
ROWS_PER_TILE = N_PAD // NS


def _splat(i):
    return jnp.full((L,), i, dtype=jnp.int32)


def _sc_body(inp_hbm, src_hbm, dst_hbm, w_hbm, coeff_hbm, zeros_hbm, z_hbm,
             src_buf, dst_buf, w_buf, coeff_v, rows_v, acc,
             gsem, ssem, isem):
    cid = lax.axis_index("c")
    sid = lax.axis_index("s")

    pltpu.sync_copy(coeff_hbm, coeff_v)
    row0 = sid * ROWS_PER_TILE
    pltpu.sync_copy(zeros_hbm.at[pl.ds(row0, ROWS_PER_TILE)],
                    acc.at[pl.ds(row0, ROWS_PER_TILE)])

    rel = sid // (NS // N_REL)
    cvec = plsc.load_gather(coeff_v, [_splat(rel * N_BASIS + cid)])
    plsc.subcore_barrier()

    def _issue_idx_loads(b, pb):
        pltpu.async_copy(src_hbm.at[sid, b], src_buf.at[pb], isem.at[0])
        pltpu.async_copy(dst_hbm.at[sid, b], dst_buf.at[pb], isem.at[1])
        pltpu.async_copy(w_hbm.at[sid, b], w_buf.at[pl.ds(pb * NBLK, NBLK)],
                         isem.at[2])

    _issue_idx_loads(0, 0)
    pltpu.make_async_copy(src_hbm.at[sid, 0], src_buf.at[0],
                          isem.at[0]).wait()
    for p0 in range(AHEAD):
        pltpu.async_copy(inp_hbm.at[src_buf.at[0].at[p0]], rows_v.at[p0],
                         gsem.at[p0])

    LASTG = NBLK // NROT - 1

    def _block(b, carry):
        pb = lax.rem(b, 2)
        pltpu.make_async_copy(dst_hbm.at[sid, b], dst_buf.at[pb],
                              isem.at[1]).wait()
        pltpu.make_async_copy(w_hbm.at[sid, b],
                              w_buf.at[pl.ds(pb * NBLK, NBLK)],
                              isem.at[2]).wait()

        @pl.when(b + 1 < N_BLOCKS)
        def _():
            _issue_idx_loads(b + 1, 1 - pb)

        sb = src_buf.at[pb]
        db = dst_buf.at[pb]
        sb_next = src_buf.at[1 - pb]

        def _gather(c, p):
            return pltpu.async_copy(inp_hbm.at[sb.at[c]], rows_v.at[p],
                                    gsem.at[p])

        def _group(g, carry2):
            for j in range(NROT):
                c = NROT * g + j
                p = j
                q = (j + AHEAD) % NROT
                pltpu.make_async_copy(inp_hbm.at[sb.at[c]], rows_v.at[p],
                                      gsem.at[p]).wait()
                wrow = pb * NBLK + c

                @plsc.parallel_loop(0, CHUNK, unroll=4)
                def _scale(e, p=p, wrow=wrow):
                    wv = plsc.load_gather(
                        w_buf, [_splat(wrow), _splat(e)]) * cvec
                    for jj in range(F // L):
                        sl = pl.ds(jj * L, L)
                        rows_v[p, e, sl] = rows_v[p, e, sl] * wv

                pltpu.async_copy(rows_v.at[p], acc.at[db.at[c]], ssem.at[p],
                                 add=True)
                if j == 0:
                    @pl.when((g > 0) | (b > 0))
                    def _():
                        pltpu.make_async_copy(
                            rows_v.at[q], acc.at[db.at[c - 1]],
                            ssem.at[q]).wait()
                    _gather(c + AHEAD, q)
                else:
                    @pl.when(g < LASTG)
                    def _():
                        pltpu.make_async_copy(
                            rows_v.at[q], acc.at[db.at[c - 1]],
                            ssem.at[q]).wait()
                        _gather(c + AHEAD, q)

                    @pl.when(g == LASTG)
                    def _():
                        pltpu.make_async_copy(
                            rows_v.at[q], acc.at[db.at[c - 1]],
                            ssem.at[q]).wait()

                        @pl.when(b + 1 < N_BLOCKS)
                        def _():
                            if j == 1:
                                pltpu.make_async_copy(
                                    src_hbm.at[sid, b + 1],
                                    src_buf.at[1 - pb], isem.at[0]).wait()
                            pltpu.async_copy(
                                inp_hbm.at[sb_next.at[j - 1]],
                                rows_v.at[q], gsem.at[q])
            return carry2

        lax.fori_loop(0, NBLK // NROT, _group, 0)
        return carry

    lax.fori_loop(0, N_BLOCKS, _block, 0)
    pltpu.make_async_copy(rows_v.at[NROT - 1],
                          acc.at[dst_buf.at[0].at[NBLK - 1]],
                          ssem.at[(NBLK - 1) % NROT]).wait()
    plsc.subcore_barrier()
    pltpu.sync_copy(acc.at[pl.ds(row0, ROWS_PER_TILE)],
                    z_hbm.at[cid, pl.ds(row0, ROWS_PER_TILE)])


@functools.partial(
    pl.kernel,
    out_type=jax.ShapeDtypeStruct((N_BASIS, N_PAD, F), jnp.float32),
    mesh=plsc.VectorSubcoreMesh(core_axis_name="c", subcore_axis_name="s"),
    scratch_types=[
        pltpu.VMEM((2, NBLK, CHUNK), jnp.int32),
        pltpu.VMEM((2, NBLK, CHUNK), jnp.int32),
        pltpu.VMEM((2 * NBLK, CHUNK), jnp.float32),
        pltpu.VMEM((L,), jnp.float32),
        pltpu.VMEM((NROT, CHUNK, F), jnp.float32),
        pltpu.VMEM_SHARED((N_PAD, F), jnp.float32),
        pltpu.SemaphoreType.DMA((NROT,)),
        pltpu.SemaphoreType.DMA((NROT,)),
        pltpu.SemaphoreType.DMA((3,)),
    ],
    compiler_params=pltpu.CompilerParams(needs_layout_passes=False),
)
def _sc_scatter(inp, src, dst, w, coeff, zeros, z_out,
                src_buf, dst_buf, w_buf, coeff_v, rows_v, acc,
                gsem, ssem, isem):
    _sc_body(inp, src, dst, w, coeff, zeros, z_out,
             src_buf, dst_buf, w_buf, coeff_v, rows_v, acc,
             gsem, ssem, isem)


ROW_BLK = 400


def _mm_body(z_ref, bw_ref, o_ref):
    o_ref[...] = (
        jnp.dot(z_ref[0], bw_ref[0], preferred_element_type=jnp.float32)
        + jnp.dot(z_ref[1], bw_ref[1], preferred_element_type=jnp.float32)
    )


def _basis_matmul(z, basis_weights):
    return pl.pallas_call(
        _mm_body,
        grid=(N_NODES // ROW_BLK,),
        in_specs=[
            pl.BlockSpec((N_BASIS, ROW_BLK, F), lambda i: (0, i, 0)),
            pl.BlockSpec((N_BASIS, F, F), lambda i: (0, 0, 0)),
        ],
        out_specs=pl.BlockSpec((ROW_BLK, F), lambda i: (i, 0)),
        out_shape=jax.ShapeDtypeStruct((N_NODES, F), jnp.float32),
    )(z, basis_weights)


def kernel(inp, edge_index, edge_weight, basis_coeff, basis_weights):
    pad = E_REL_PAD - N_EDGES_PER_REL
    dst = jnp.pad(edge_index[:, 0, :].astype(jnp.int32), ((0, 0), (0, pad)))
    src = jnp.pad(edge_index[:, 1, :].astype(jnp.int32), ((0, 0), (0, pad)))
    w = jnp.pad(edge_weight.astype(jnp.float32), ((0, 0), (0, pad)))
    dst = dst.reshape(NS, N_BLOCKS, NBLK, CHUNK)
    src = src.reshape(NS, N_BLOCKS, NBLK, CHUNK)
    w = w.reshape(NS, N_BLOCKS, NBLK, CHUNK)
    coeff = jnp.pad(basis_coeff.reshape(-1), (0, L - N_REL * N_BASIS))
    zeros = jnp.zeros((N_PAD, F), jnp.float32)
    z = _sc_scatter(inp, src, dst, w, coeff, zeros)
    return _basis_matmul(z, basis_weights)

# --- scband reference (transcript-rebuilt; emitter-appended) ---
"""Pipeline reference for scband-gcnlayer-45114336477588 (READ-ONLY COPY).

The authoritative reference and input builder live on the scoring server;
editing this copy changes nothing except your own understanding.
"""

import jax, jax.numpy as jnp
import numpy as np

N_NODES = 10000
N_REL = 4
N_EDGES_PER_REL = 80000
IN_SIZE = 128
OUT_SIZE = 128
N_BASIS = 2


def setup_inputs(seed: int = 0) -> dict:
    key = jax.random.key(seed)
    k1, k2, k3, k4, k5 = jax.random.split(key, 5)
    inp = jax.random.normal(k1, (N_NODES, IN_SIZE), dtype=jnp.float32)
    edge_index = jax.random.randint(k2, (N_REL, 2, N_EDGES_PER_REL), 0, N_NODES, dtype=jnp.int64)
    edge_weight = jax.random.uniform(k3, (N_REL, N_EDGES_PER_REL), dtype=jnp.float32)
    # learned parameters (xavier-uniform-like init)
    bw_bound = float(np.sqrt(6.0 / (IN_SIZE + OUT_SIZE)))
    basis_weights = jax.random.uniform(k4, (N_BASIS, IN_SIZE, OUT_SIZE), dtype=jnp.float32, minval=-bw_bound, maxval=bw_bound)
    bc_bound = float(np.sqrt(6.0 / (N_REL + N_BASIS)))
    basis_coeff = jax.random.uniform(k5, (N_REL, N_BASIS), dtype=jnp.float32, minval=-bc_bound, maxval=bc_bound)
    return {"inp": inp, "edge_index": edge_index, "edge_weight": edge_weight, "basis_coeff": basis_coeff, "basis_weights": basis_weights}


def reference(inp, edge_index, edge_weight, basis_coeff, basis_weights):
    # rel_weights = einsum('rb,bio->rio')
    rel_weights = jnp.einsum('rb,bio->rio', basis_coeff, basis_weights)
    out = jnp.zeros((N_NODES, OUT_SIZE), dtype=inp.dtype)
    for i in range(N_REL):
        dst = edge_index[i, 0]
        src = edge_index[i, 1]
        # sparse.mm(adj, inp): gather source features, scale by edge value, scatter-add to dst rows
        msgs = jnp.take(inp, src, axis=0) * edge_weight[i][:, None]
        emb_acc = jnp.zeros((N_NODES, inp.shape[1]), dtype=inp.dtype).at[dst].add(msgs)
        out = out + jnp.matmul(emb_acc, rel_weights[i])
    return out

if __name__ == "__main__":
    import jax
    _d = setup_inputs()
    print(jax.jit(kernel)(*tuple(_d.values())))

</pallas_src>

<mosaic_0001>
#map = affine_map<(d0, d1) -> (0, 0)>
#map1 = affine_map<(d0, d1) -> (0, 0, 0, 0)>
#map2 = affine_map<(d0, d1) -> (0)>
#map3 = affine_map<(d0, d1) -> (0, 0, 0)>
module attributes {stable_mosaic.version = 14 : i64} {
  func.func @_sc_scatter(%arg0: i32, %arg1: i32, %arg2: memref<10000x128xf32, #tpu.memory_space<hbm>>, %arg3: memref<16x21x20x48xi32, #tpu.memory_space<hbm>>, %arg4: memref<16x21x20x48xi32, #tpu.memory_space<hbm>>, %arg5: memref<16x21x20x48xf32, #tpu.memory_space<hbm>>, %arg6: memref<16xf32, #tpu.memory_space<hbm>>, %arg7: memref<10240x128xf32, #tpu.memory_space<hbm>>, %arg8: memref<2x10240x128xf32, #tpu.memory_space<hbm>>, %arg9: memref<2x20x48xi32, #tpu.memory_space<vmem>>, %arg10: memref<2x20x48xi32, #tpu.memory_space<vmem>>, %arg11: memref<40x48xf32, #tpu.memory_space<vmem>>, %arg12: memref<16xf32, #tpu.memory_space<vmem>>, %arg13: memref<4x48x128xf32, #tpu.memory_space<vmem>>, %arg14: memref<10240x128xf32, #tpu.memory_space<vmem_shared>>, %arg15: memref<4x!tpu.dma_semaphore, #tpu.memory_space<semaphore_mem>>, %arg16: memref<4x!tpu.dma_semaphore, #tpu.memory_space<semaphore_mem>>, %arg17: memref<3x!tpu.dma_semaphore, #tpu.memory_space<semaphore_mem>>) attributes {dimension_semantics = [#tpu.dimension_semantics<core_parallel>, #tpu.dimension_semantics<subcore_parallel>], iteration_bounds = array<i64: 2, 16>, scalar_prefetch = 0 : i64, scratch_operands = 9 : i64, tpu.core_type = #tpu.core_type<sc_vector_subcore>, window_params = [{transform_indices = #map}, {transform_indices = #map1}, {transform_indices = #map1}, {transform_indices = #map1}, {transform_indices = #map2}, {transform_indices = #map}, {transform_indices = #map3}]} {
    "tpu.region"() ({
      %run_scoped3A = tpu.sem_alloc : memref<!tpu.dma_semaphore, #tpu.memory_space<semaphore_mem>>
      tpu.enqueue_dma source(%arg6 : memref<16xf32, #tpu.memory_space<hbm>>) target(%arg12 : memref<16xf32, #tpu.memory_space<vmem>>) target_semaphore(%run_scoped3A : memref<!tpu.dma_semaphore, #tpu.memory_space<semaphore_mem>>)
      tpu.wait_dma2 semaphore(%run_scoped3A : memref<!tpu.dma_semaphore, #tpu.memory_space<semaphore_mem>>) src(%arg6 : memref<16xf32, #tpu.memory_space<hbm>>) dst(%arg12 : memref<16xf32, #tpu.memory_space<vmem>>)
      tpu.yield
    }) : () -> ()
    %mul3A = arith.constant 640 : i32
    %mul3A_0 = arith.muli %arg1, %mul3A : i32
    "tpu.region"() ({
      %run_scoped3A = tpu.sem_alloc : memref<!tpu.dma_semaphore, #tpu.memory_space<semaphore_mem>>
      %dma_start3A_184 = arith.constant 0 : i32
      %dma_start3A_185 = tpu.memref_slice %arg14[%mul3A_0, %dma_start3A_184] : memref<10240x128xf32, #tpu.memory_space<vmem_shared>> -> memref<640x128xf32, #tpu.memory_space<vmem_shared>>
      %dma_start3A_186 = arith.constant 0 : i32
      %dma_start3A_187 = tpu.memref_slice %arg7[%mul3A_0, %dma_start3A_186] : memref<10240x128xf32, #tpu.memory_space<hbm>> -> memref<640x128xf32, #tpu.memory_space<hbm>>
      tpu.enqueue_dma source(%dma_start3A_187 : memref<640x128xf32, #tpu.memory_space<hbm>>) target(%dma_start3A_185 : memref<640x128xf32, #tpu.memory_space<vmem_shared>>) target_semaphore(%run_scoped3A : memref<!tpu.dma_semaphore, #tpu.memory_space<semaphore_mem>>)
      %dma_wait3A_188 = arith.constant 0 : i32
      %dma_wait3A_189 = tpu.memref_slice %arg14[%mul3A_0, %dma_wait3A_188] : memref<10240x128xf32, #tpu.memory_space<vmem_shared>> -> memref<640x128xf32, #tpu.memory_space<vmem_shared>>
      %dma_wait3A_190 = arith.constant 0 : i32
      %dma_wait3A_191 = tpu.memref_slice %arg7[%mul3A_0, %dma_wait3A_190] : memref<10240x128xf32, #tpu.memory_space<hbm>> -> memref<640x128xf32, #tpu.memory_space<hbm>>
      tpu.wait_dma2 semaphore(%run_scoped3A : memref<!tpu.dma_semaphore, #tpu.memory_space<semaphore_mem>>) src(%dma_wait3A_191 : memref<640x128xf32, #tpu.memory_space<hbm>>) dst(%dma_wait3A_189 : memref<640x128xf32, #tpu.memory_space<vmem_shared>>)
      tpu.yield
    }) : () -> ()
    %jit3A = arith.constant 4 : i32
    %div3A = arith.divsi %arg1, %jit3A : i32
    %sign3A = arith.constant 0 : i32
    %sign3A_1 = arith.cmpi sgt, %arg1, %sign3A : i32
    %sign3A_2 = arith.extui %sign3A_1 : i1 to i32
    %sign3A_3 = arith.constant 0 : i32
    %sign3A_4 = arith.cmpi slt, %arg1, %sign3A_3 : i32
    %sign3A_5 = arith.extui %sign3A_4 : i1 to i32
    %sign3A_6 = arith.subi %sign3A_2, %sign3A_5 : i32
    %sign3A_7 = arith.constant 0 : i32
    %sign3A_8 = arith.cmpi sgt, %jit3A, %sign3A_7 : i32
    %sign3A_9 = arith.extui %sign3A_8 : i1 to i32
    %sign3A_10 = arith.constant 0 : i32
    %sign3A_11 = arith.cmpi slt, %jit3A, %sign3A_10 : i32
    %sign3A_12 = arith.extui %sign3A_11 : i1 to i32
    %sign3A_13 = arith.subi %sign3A_9, %sign3A_12 : i32
    %ne3A = arith.cmpi ne, %sign3A_6, %sign3A_13 : i32
    %rem3A = arith.remsi %arg1, %jit3A : i32
    %ne3A_14 = arith.constant 0 : i32
    %ne3A_15 = arith.cmpi ne, %rem3A, %ne3A_14 : i32
    %and3A = arith.andi %ne3A, %ne3A_15 : i1
    %sub3A = arith.constant 1 : i32
    %sub3A_16 = arith.subi %div3A, %sub3A : i32
    %select_n3A = arith.select %and3A, %sub3A_16, %div3A : i32
    %mul3A_17 = arith.constant 2 : i32
    %mul3A_18 = arith.muli %select_n3A, %mul3A_17 : i32
    %add3A = arith.addi %mul3A_18, %arg0 : i32
    %broadcast_in_dim3A = vector.broadcast %add3A : i32 to vector<16xi32>
    %gather3A = tpu.vector_load_idx %arg12[%broadcast_in_dim3A] : memref<16xf32, #tpu.memory_space<vmem>>[vector<16xi32>], vector<16xf32>,
    %barrier3A = arith.constant 0 : index
    tpu.barrier barrier_id(%barrier3A)
    %dma_start3A = arith.constant 0 : i32
    %dma_start3A_19 = arith.constant 0 : i32
    %dma_start3A_20 = arith.constant 0 : i32
    %dma_start3A_21 = arith.constant 0 : i32
    %dma_start3A_22 = arith.constant 0 : i32
    %dma_start3A_23 = tpu.memref_slice %arg9[%dma_start3A_19, %dma_start3A_21, %dma_start3A_22] : memref<2x20x48xi32, #tpu.memory_space<vmem>> -> memref<1x20x48xi32, #tpu.memory_space<vmem>>
    %dma_start3A_24 = tpu.memref_squeeze %dma_start3A_23 : memref<1x20x48xi32, #tpu.memory_space<vmem>> -> memref<20x48xi32, #tpu.memory_space<vmem>>
    %dma_start3A_25 = arith.constant 0 : i32
    %dma_start3A_26 = arith.constant 0 : i32
    %dma_start3A_27 = tpu.memref_slice %arg3[%arg1, %dma_start3A, %dma_start3A_25, %dma_start3A_26] : memref<16x21x20x48xi32, #tpu.memory_space<hbm>> -> memref<1x1x20x48xi32, #tpu.memory_space<hbm>>
    %dma_start3A_28 = tpu.memref_squeeze %dma_start3A_27 : memref<1x1x20x48xi32, #tpu.memory_space<hbm>> -> memref<20x48xi32, #tpu.memory_space<hbm>>
    %dma_start3A_29 = tpu.memref_slice %arg17[%dma_start3A_20] : memref<3x!tpu.dma_semaphore, #tpu.memory_space<semaphore_mem>> -> memref<1x!tpu.dma_semaphore, #tpu.memory_space<semaphore_mem>>
    %dma_start3A_30 = tpu.memref_squeeze %dma_start3A_29 : memref<1x!tpu.dma_semaphore, #tpu.memory_space<semaphore_mem>> -> memref<!tpu.dma_semaphore, #tpu.memory_space<semaphore_mem>>
    %dma_start3A_31 = arith.constant 0 : i32
    %dma_start3A_32 = arith.constant 0 : i32
    %dma_start3A_33 = tpu.memref_slice %arg9[%dma_start3A_19, %dma_start3A_31, %dma_start3A_32] : memref<2x20x48xi32, #tpu.memory_space<vmem>> -> memref<1x20x48xi32, #tpu.memory_space<vmem>>
    %dma_start3A_34 = tpu.memref_squeeze %dma_start3A_33 : memref<1x20x48xi32, #tpu.memory_space<vmem>> -> memref<20x48xi32, #tpu.memory_space<vmem>>
    %dma_start3A_35 = arith.constant 0 : i32
    %dma_start3A_36 = arith.constant 0 : i32
    %dma_start3A_37 = tpu.memref_slice %arg3[%arg1, %dma_start3A, %dma_start3A_35, %dma_start3A_36] : memref<16x21x20x48xi32, #tpu.memory_space<hbm>> -> memref<1x1x20x48xi32, #tpu.memory_space<hbm>>
    %dma_start3A_38 = tpu.memref_squeeze %dma_start3A_37 : memref<1x1x20x48xi32, #tpu.memory_space<hbm>> -> memref<20x48xi32, #tpu.memory_space<hbm>>
    tpu.enqueue_dma source(%dma_start3A_38 : memref<20x48xi32, #tpu.memory_space<hbm>>) target(%dma_start3A_34 : memref<20x48xi32, #tpu.memory_space<vmem>>) target_semaphore(%dma_start3A_30 : memref<!tpu.dma_semaphore, #tpu.memory_space<semaphore_mem>>)
    %dma_start3A_39 = arith.constant 0 : i32
    %dma_start3A_40 = arith.constant 0 : i32
    %dma_start3A_41 = arith.constant 1 : i32
    %dma_start3A_42 = arith.constant 0 : i32
    %dma_start3A_43 = arith.constant 0 : i32
    %dma_start3A_44 = tpu.memref_slice %arg10[%dma_start3A_40, %dma_start3A_42, %dma_start3A_43] : memref<2x20x48xi32, #tpu.memory_space<vmem>> -> memref<1x20x48xi32, #tpu.memory_space<vmem>>
    %dma_start3A_45 = tpu.memref_squeeze %dma_start3A_44 : memref<1x20x48xi32, #tpu.memory_space<vmem>> -> memref<20x48xi32, #tpu.memory_space<vmem>>
    %dma_start3A_46 = arith.constant 0 : i32
    %dma_start3A_47 = arith.constant 0 : i32
    %dma_start3A_48 = tpu.memref_slice %arg4[%arg1, %dma_start3A_39, %dma_start3A_46, %dma_start3A_47] : memref<16x21x20x48xi32, #tpu.memory_space<hbm>> -> memref<1x1x20x48xi32, #tpu.memory_space<hbm>>
    %dma_start3A_49 = tpu.memref_squeeze %dma_start3A_48 : memref<1x1x20x48xi32, #tpu.memory_space<hbm>> -> memref<20x48xi32, #tpu.memory_space<hbm>>
    %dma_start3A_50 = tpu.memref_slice %arg17[%dma_start3A_41] : memref<3x!tpu.dma_semaphore, #tpu.memory_space<semaphore_mem>> -> memref<1x!tpu.dma_semaphore, #tpu.memory_space<semaphore_mem>>
    %dma_start3A_51 = tpu.memref_squeeze %dma_start3A_50 : memref<1x!tpu.dma_semaphore, #tpu.memory_space<semaphore_mem>> -> memref<!tpu.dma_semaphore, #tpu.memory_space<semaphore_mem>>
    %dma_start3A_52 = arith.constant 0 : i32
    %dma_start3A_53 = arith.constant 0 : i32
    %dma_start3A_54 = tpu.memref_slice %arg10[%dma_start3A_40, %dma_start3A_52, %dma_start3A_53] : memref<2x20x48xi32, #tpu.memory_space<vmem>> -> memref<1x20x48xi32, #tpu.memory_space<vmem>>
    %dma_start3A_55 = tpu.memref_squeeze %dma_start3A_54 : memref<1x20x48xi32, #tpu.memory_space<vmem>> -> memref<20x48xi32, #tpu.memory_space<vmem>>
    %dma_start3A_56 = arith.constant 0 : i32
    %dma_start3A_57 = arith.constant 0 : i32
    %dma_start3A_58 = tpu.memref_slice %arg4[%arg1, %dma_start3A_39, %dma_start3A_56, %dma_start3A_57] : memref<16x21x20x48xi32, #tpu.memory_space<hbm>> -> memref<1x1x20x48xi32, #tpu.memory_space<hbm>>
    %dma_start3A_59 = tpu.memref_squeeze %dma_start3A_58 : memref<1x1x20x48xi32, #tpu.memory_space<hbm>> -> memref<20x48xi32, #tpu.memory_space<hbm>>
    tpu.enqueue_dma source(%dma_start3A_59 : memref<20x48xi32, #tpu.memory_space<hbm>>) target(%dma_start3A_55 : memref<20x48xi32, #tpu.memory_space<vmem>>) target_semaphore(%dma_start3A_51 : memref<!tpu.dma_semaphore, #tpu.memory_space<semaphore_mem>>)
    %dma_start3A_60 = arith.constant 0 : i32
    %dma_start3A_61 = arith.constant 2 : i32
    %dma_start3A_62 = arith.constant 0 : i32
    %dma_start3A_63 = arith.constant 0 : i32
    %dma_start3A_64 = tpu.memref_slice %arg11[%dma_start3A_62, %dma_start3A_63] : memref<40x48xf32, #tpu.memory_space<vmem>> -> memref<20x48xf32, #tpu.memory_space<vmem>>
    %dma_start3A_65 = arith.constant 0 : i32
    %dma_start3A_66 = arith.constant 0 : i32
    %dma_start3A_67 = tpu.memref_slice %arg5[%arg1, %dma_start3A_60, %dma_start3A_65, %dma_start3A_66] : memref<16x21x20x48xf32, #tpu.memory_space<hbm>> -> memref<1x1x20x48xf32, #tpu.memory_space<hbm>>
    %dma_start3A_68 = tpu.memref_squeeze %dma_start3A_67 : memref<1x1x20x48xf32, #tpu.memory_space<hbm>> -> memref<20x48xf32, #tpu.memory_space<hbm>>
    %dma_start3A_69 = tpu.memref_slice %arg17[%dma_start3A_61] : memref<3x!tpu.dma_semaphore, #tpu.memory_space<semaphore_mem>> -> memref<1x!tpu.dma_semaphore, #tpu.memory_space<semaphore_mem>>
    %dma_start3A_70 = tpu.memref_squeeze %dma_start3A_69 : memref<1x!tpu.dma_semaphore, #tpu.memory_space<semaphore_mem>> -> memref<!tpu.dma_semaphore, #tpu.memory_space<semaphore_mem>>
    %dma_start3A_71 = arith.constant 0 : i32
    %dma_start3A_72 = arith.constant 0 : i32
    %dma_start3A_73 = tpu.memref_slice %arg11[%dma_start3A_71, %dma_start3A_72] : memref<40x48xf32, #tpu.memory_space<vmem>> -> memref<20x48xf32, #tpu.memory_space<vmem>>
    %dma_start3A_74 = arith.constant 0 : i32
    %dma_start3A_75 = arith.constant 0 : i32
    %dma_start3A_76 = tpu.memref_slice %arg5[%arg1, %dma_start3A_60, %dma_start3A_74, %dma_start3A_75] : memref<16x21x20x48xf32, #tpu.memory_space<hbm>> -> memref<1x1x20x48xf32, #tpu.memory_space<hbm>>
    %dma_start3A_77 = tpu.memref_squeeze %dma_start3A_76 : memref<1x1x20x48xf32, #tpu.memory_space<hbm>> -> memref<20x48xf32, #tpu.memory_space<hbm>>
    tpu.enqueue_dma source(%dma_start3A_77 : memref<20x48xf32, #tpu.memory_space<hbm>>) target(%dma_start3A_73 : memref<20x48xf32, #tpu.memory_space<vmem>>) target_semaphore(%dma_start3A_70 : memref<!tpu.dma_semaphore, #tpu.memory_space<semaphore_mem>>)
    %dma_wait3A = arith.constant 0 : i32
    %dma_wait3A_78 = arith.constant 0 : i32
    %dma_wait3A_79 = arith.constant 0 : i32
    %dma_wait3A_80 = arith.constant 0 : i32
    %dma_wait3A_81 = arith.constant 0 : i32
    %dma_wait3A_82 = tpu.memref_slice %arg9[%dma_wait3A_78, %dma_wait3A_80, %dma_wait3A_81] : memref<2x20x48xi32, #tpu.memory_space<vmem>> -> memref<1x20x48xi32, #tpu.memory_space<vmem>>
    %dma_wait3A_83 = tpu.memref_squeeze %dma_wait3A_82 : memref<1x20x48xi32, #tpu.memory_space<vmem>> -> memref<20x48xi32, #tpu.memory_space<vmem>>
    %dma_wait3A_84 = arith.constant 0 : i32
    %dma_wait3A_85 = arith.constant 0 : i32
    %dma_wait3A_86 = tpu.memref_slice %arg3[%arg1, %dma_wait3A, %dma_wait3A_84, %dma_wait3A_85] : memref<16x21x20x48xi32, #tpu.memory_space<hbm>> -> memref<1x1x20x48xi32, #tpu.memory_space<hbm>>
    %dma_wait3A_87 = tpu.memref_squeeze %dma_wait3A_86 : memref<1x1x20x48xi32, #tpu.memory_space<hbm>> -> memref<20x48xi32, #tpu.memory_space<hbm>>
    %dma_wait3A_88 = tpu.memref_slice %arg17[%dma_wait3A_79] : memref<3x!tpu.dma_semaphore, #tpu.memory_space<semaphore_mem>> -> memref<1x!tpu.dma_semaphore, #tpu.memory_space<semaphore_mem>>
    %dma_wait3A_89 = tpu.memref_squeeze %dma_wait3A_88 : memref<1x!tpu.dma_semaphore, #tpu.memory_space<semaphore_mem>> -> memref<!tpu.dma_semaphore, #tpu.memory_space<semaphore_mem>>
    %dma_wait3A_90 = arith.constant 0 : i32
    %dma_wait3A_91 = arith.constant 0 : i32
    %dma_wait3A_92 = tpu.memref_slice %arg9[%dma_wait3A_78, %dma_wait3A_90, %dma_wait3A_91] : memref<2x20x48xi32, #tpu.memory_space<vmem>> -> memref<1x20x48xi32, #tpu.memory_space<vmem>>
    %dma_wait3A_93 = tpu.memref_squeeze %dma_wait3A_92 : memref<1x20x48xi32, #tpu.memory_space<vmem>> -> memref<20x48xi32, #tpu.memory_space<vmem>>
    %dma_wait3A_94 = arith.constant 0 : i32
    %dma_wait3A_95 = arith.constant 0 : i32
    %dma_wait3A_96 = tpu.memref_slice %arg3[%arg1, %dma_wait3A, %dma_wait3A_94, %dma_wait3A_95] : memref<16x21x20x48xi32, #tpu.memory_space<hbm>> -> memref<1x1x20x48xi32, #tpu.memory_space<hbm>>
    %dma_wait3A_97 = tpu.memref_squeeze %dma_wait3A_96 : memref<1x1x20x48xi32, #tpu.memory_space<hbm>> -> memref<20x48xi32, #tpu.memory_space<hbm>>
    tpu.wait_dma2 semaphore(%dma_wait3A_89 : memref<!tpu.dma_semaphore, #tpu.memory_space<semaphore_mem>>) src(%dma_wait3A_97 : memref<20x48xi32, #tpu.memory_space<hbm>>) dst(%dma_wait3A_93 : memref<20x48xi32, #tpu.memory_space<vmem>>)
    %dma_start3A_98 = arith.constant 0 : i32
    %dma_start3A_99 = arith.constant 0 : i32
    %dma_start3A_100 = arith.constant 0 : i32
    %dma_start3A_101 = arith.constant 0 : i32
    %dma_start3A_102 = arith.constant 0 : i32
    %dma_start3A_103 = arith.constant 0 : i32
    %dma_start3A_104 = tpu.memref_slice %arg13[%dma_start3A_100, %dma_start3A_102, %dma_start3A_103] : memref<4x48x128xf32, #tpu.memory_space<vmem>> -> memref<1x48x128xf32, #tpu.memory_space<vmem>>
    %dma_start3A_105 = tpu.memref_squeeze %dma_start3A_104 : memref<1x48x128xf32, #tpu.memory_space<vmem>> -> memref<48x128xf32, #tpu.memory_space<vmem>>
    %dma_start3A_106 = arith.constant 0 : i32
    %dma_start3A_107 = arith.constant 0 : i32
    %dma_start3A_108 = tpu.memref_slice %arg9[%dma_start3A_98, %dma_start3A_106, %dma_start3A_107] : memref<2x20x48xi32, #tpu.memory_space<vmem>> -> memref<1x20x48xi32, #tpu.memory_space<vmem>>
    %dma_start3A_109 = tpu.memref_squeeze %dma_start3A_108 : memref<1x20x48xi32, #tpu.memory_space<vmem>> -> memref<20x48xi32, #tpu.memory_space<vmem>>
    %dma_start3A_110 = arith.constant 0 : i32
    %dma_start3A_111 = tpu.memref_slice %dma_start3A_109[%dma_start3A_99, %dma_start3A_110] : memref<20x48xi32, #tpu.memory_space<vmem>> -> memref<1x48xi32, #tpu.memory_space<vmem>>
    %dma_start3A_112 = tpu.memref_squeeze %dma_start3A_111 : memref<1x48xi32, #tpu.memory_space<vmem>> -> memref<48xi32, #tpu.memory_space<vmem>>
    %dma_start3A_113 = arith.constant 0 : i32
    %dma_start3A_114 = arith.constant 0 : i32
    %dma_start3A_115 = tpu.memref_slice %arg2[%dma_start3A_113, %dma_start3A_114] : memref<10000x128xf32, #tpu.memory_space<hbm>> -> memref<10000x128xf32, #tpu.memory_space<hbm>>
    %dma_start3A_116 = tpu.memref_slice %arg15[%dma_start3A_101] : memref<4x!tpu.dma_semaphore, #tpu.memory_space<semaphore_mem>> -> memref<1x!tpu.dma_semaphore, #tpu.memory_space<semaphore_mem>>
    %dma_start3A_117 = tpu.memref_squeeze %dma_start3A_116 : memref<1x!tpu.dma_semaphore, #tpu.memory_space<semaphore_mem>> -> memref<!tpu.dma_semaphore, #tpu.memory_space<semaphore_mem>>
    tpu.enqueue_indirect_dma source(%dma_start3A_115 : memref<10000x128xf32, #tpu.memory_space<hbm>>) target(%dma_start3A_105 : memref<48x128xf32, #tpu.memory_space<vmem>>) offsets(%dma_start3A_112 : memref<48xi32, #tpu.memory_space<vmem>>) semaphore(%dma_start3A_117 : memref<!tpu.dma_semaphore, #tpu.memory_space<semaphore_mem>>)
    %dma_start3A_118 = arith.constant 0 : i32
    %dma_start3A_119 = arith.constant 1 : i32
    %dma_start3A_120 = arith.constant 1 : i32
    %dma_start3A_121 = arith.constant 1 : i32
    %dma_start3A_122 = arith.constant 0 : i32
    %dma_start3A_123 = arith.constant 0 : i32
    %dma_start3A_124 = tpu.memref_slice %arg13[%dma_start3A_120, %dma_start3A_122, %dma_start3A_123] : memref<4x48x128xf32, #tpu.memory_space<vmem>> -> memref<1x48x128xf32, #tpu.memory_space<vmem>>
    %dma_start3A_125 = tpu.memref_squeeze %dma_start3A_124 : memref<1x48x128xf32, #tpu.memory_space<vmem>> -> memref<48x128xf32, #tpu.memory_space<vmem>>
    %dma_start3A_126 = arith.constant 0 : i32
    %dma_start3A_127 = arith.constant 0 : i32
    %dma_start3A_128 = tpu.memref_slice %arg9[%dma_start3A_118, %dma_start3A_126, %dma_start3A_127] : memref<2x20x48xi32, #tpu.memory_space<vmem>> -> memref<1x20x48xi32, #tpu.memory_space<vmem>>
    %dma_start3A_129 = tpu.memref_squeeze %dma_start3A_128 : memref<1x20x48xi32, #tpu.memory_space<vmem>> -> memref<20x48xi32, #tpu.memory_space<vmem>>
    %dma_start3A_130 = arith.constant 0 : i32
    %dma_start3A_131 = tpu.memref_slice %dma_start3A_129[%dma_start3A_119, %dma_start3A_130] : memref<20x48xi32, #tpu.memory_space<vmem>> -> memref<1x48xi32, #tpu.memory_space<vmem>>
    %dma_start3A_132 = tpu.memref_squeeze %dma_start3A_131 : memref<1x48xi32, #tpu.memory_space<vmem>> -> memref<48xi32, #tpu.memory_space<vmem>>
    %dma_start3A_133 = arith.constant 0 : i32
    %dma_start3A_134 = arith.constant 0 : i32
    %dma_start3A_135 = tpu.memref_slice %arg2[%dma_start3A_133, %dma_start3A_134] : memref<10000x128xf32, #tpu.memory_space<hbm>> -> memref<10000x128xf32, #tpu.memory_space<hbm>>
    %dma_start3A_136 = tpu.memref_slice %arg15[%dma_start3A_121] : memref<4x!tpu.dma_semaphore, #tpu.memory_space<semaphore_mem>> -> memref<1x!tpu.dma_semaphore, #tpu.memory_space<semaphore_mem>>
    %dma_start3A_137 = tpu.memref_squeeze %dma_start3A_136 : memref<1x!tpu.dma_semaphore, #tpu.memory_space<semaphore_mem>> -> memref<!tpu.dma_semaphore, #tpu.memory_space<semaphore_mem>>
    tpu.enqueue_indirect_dma source(%dma_start3A_135 : memref<10000x128xf32, #tpu.memory_space<hbm>>) target(%dma_start3A_125 : memref<48x128xf32, #tpu.memory_space<vmem>>) offsets(%dma_start3A_132 : memref<48xi32, #tpu.memory_space<vmem>>) semaphore(%dma_start3A_137 : memref<!tpu.dma_semaphore, #tpu.memory_space<semaphore_mem>>)
    %dma_start3A_138 = arith.constant 0 : i32
    %dma_start3A_139 = arith.constant 2 : i32
    %dma_start3A_140 = arith.constant 2 : i32
    %dma_start3A_141 = arith.constant 2 : i32
    %dma_start3A_142 = arith.constant 0 : i32
    %dma_start3A_143 = arith.constant 0 : i32
    %dma_start3A_144 = tpu.memref_slice %arg13[%dma_start3A_140, %dma_start3A_142, %dma_start3A_143] : memref<4x48x128xf32, #tpu.memory_space<vmem>> -> memref<1x48x128xf32, #tpu.memory_space<vmem>>
    %dma_start3A_145 = tpu.memref_squeeze %dma_start3A_144 : memref<1x48x128xf32, #tpu.memory_space<vmem>> -> memref<48x128xf32, #tpu.memory_space<vmem>>
    %dma_start3A_146 = arith.constant 0 : i32
    %dma_start3A_147 = arith.constant 0 : i32
    %dma_start3A_148 = tpu.memref_slice %arg9[%dma_start3A_138, %dma_start3A_146, %dma_start3A_147] : memref<2x20x48xi32, #tpu.memory_space<vmem>> -> memref<1x20x48xi32, #tpu.memory_space<vmem>>
    %dma_start3A_149 = tpu.memref_squeeze %dma_start3A_148 : memref<1x20x48xi32, #tpu.memory_space<vmem>> -> memref<20x48xi32, #tpu.memory_space<vmem>>
    %dma_start3A_150 = arith.constant 0 : i32
    %dma_start3A_151 = tpu.memref_slice %dma_start3A_149[%dma_start3A_139, %dma_start3A_150] : memref<20x48xi32, #tpu.memory_space<vmem>> -> memref<1x48xi32, #tpu.memory_space<vmem>>
    %dma_start3A_152 = tpu.memref_squeeze %dma_start3A_151 : memref<1x48xi32, #tpu.memory_space<vmem>> -> memref<48xi32, #tpu.memory_space<vmem>>
    %dma_start3A_153 = arith.constant 0 : i32
    %dma_start3A_154 = arith.constant 0 : i32
    %dma_start3A_155 = tpu.memref_slice %arg2[%dma_start3A_153, %dma_start3A_154] : memref<10000x128xf32, #tpu.memory_space<hbm>> -> memref<10000x128xf32, #tpu.memory_space<hbm>>
    %dma_start3A_156 = tpu.memref_slice %arg15[%dma_start3A_141] : memref<4x!tpu.dma_semaphore, #tpu.memory_space<semaphore_mem>> -> memref<1x!tpu.dma_semaphore, #tpu.memory_space<semaphore_mem>>
    %dma_start3A_157 = tpu.memref_squeeze %dma_start3A_156 : memref<1x!tpu.dma_semaphore, #tpu.memory_space<semaphore_mem>> -> memref<!tpu.dma_semaphore, #tpu.memory_space<semaphore_mem>>
    tpu.enqueue_indirect_dma source(%dma_start3A_155 : memref<10000x128xf32, #tpu.memory_space<hbm>>) target(%dma_start3A_145 : memref<48x128xf32, #tpu.memory_space<vmem>>) offsets(%dma_start3A_152 : memref<48xi32, #tpu.memory_space<vmem>>) semaphore(%dma_start3A_157 : memref<!tpu.dma_semaphore, #tpu.memory_space<semaphore_mem>>)
    %scan3A = arith.constant 0 : i32
    %scan3A_158 = arith.constant 0 : i32
    %scan3A_159 = arith.constant 21 : i32
    %scan3A_160 = arith.addi %scan3A_158, %scan3A_159 : i32
    %scan3A_161 = arith.constant 1 : i32
    scf.for %scan3A_184 = %scan3A_158 to %scan3A_160 step %scan3A_161  : i32 {
      %rem3A_185 = arith.constant 2 : i32
      %rem3A_186 = arith.remsi %scan3A_184, %rem3A_185 : i32
      %dma_wait3A_187 = arith.constant 1 : i32
      %dma_wait3A_188 = arith.constant 0 : i32
      %dma_wait3A_189 = arith.constant 0 : i32
      %dma_wait3A_190 = tpu.memref_slice %arg10[%rem3A_186, %dma_wait3A_188, %dma_wait3A_189] : memref<2x20x48xi32, #tpu.memory_space<vmem>> -> memref<1x20x48xi32, #tpu.memory_space<vmem>>
      %dma_wait3A_191 = tpu.memref_squeeze %dma_wait3A_190 : memref<1x20x48xi32, #tpu.memory_space<vmem>> -> memref<20x48xi32, #tpu.memory_space<vmem>>
      %dma_wait3A_192 = arith.constant 0 : i32
      %dma_wait3A_193 = arith.constant 0 : i32
      %dma_wait3A_194 = tpu.memref_slice %arg4[%arg1, %scan3A_184, %dma_wait3A_192, %dma_wait3A_193] : memref<16x21x20x48xi32, #tpu.memory_space<hbm>> -> memref<1x1x20x48xi32, #tpu.memory_space<hbm>>
      %dma_wait3A_195 = tpu.memref_squeeze %dma_wait3A_194 : memref<1x1x20x48xi32, #tpu.memory_space<hbm>> -> memref<20x48xi32, #tpu.memory_space<hbm>>
      %dma_wait3A_196 = tpu.memref_slice %arg17[%dma_wait3A_187] : memref<3x!tpu.dma_semaphore, #tpu.memory_space<semaphore_mem>> -> memref<1x!tpu.dma_semaphore, #tpu.memory_space<semaphore_mem>>
      %dma_wait3A_197 = tpu.memref_squeeze %dma_wait3A_196 : memref<1x!tpu.dma_semaphore, #tpu.memory_space<semaphore_mem>> -> memref<!tpu.dma_semaphore, #tpu.memory_space<semaphore_mem>>
      %dma_wait3A_198 = arith.constant 0 : i32
      %dma_wait3A_199 = arith.constant 0 : i32
      %dma_wait3A_200 = tpu.memref_slice %arg10[%rem3A_186, %dma_wait3A_198, %dma_wait3A_199] : memref<2x20x48xi32, #tpu.memory_space<vmem>> -> memref<1x20x48xi32, #tpu.memory_space<vmem>>
      %dma_wait3A_201 = tpu.memref_squeeze %dma_wait3A_200 : memref<1x20x48xi32, #tpu.memory_space<vmem>> -> memref<20x48xi32, #tpu.memory_space<vmem>>
      %dma_wait3A_202 = arith.constant 0 : i32
      %dma_wait3A_203 = arith.constant 0 : i32
      %dma_wait3A_204 = tpu.memref_slice %arg4[%arg1, %scan3A_184, %dma_wait3A_202, %dma_wait3A_203] : memref<16x21x20x48xi32, #tpu.memory_space<hbm>> -> memref<1x1x20x48xi32, #tpu.memory_space<hbm>>
      %dma_wait3A_205 = tpu.memref_squeeze %dma_wait3A_204 : memref<1x1x20x48xi32, #tpu.memory_space<hbm>> -> memref<20x48xi32, #tpu.memory_space<hbm>>
      tpu.wait_dma2 semaphore(%dma_wait3A_197 : memref<!tpu.dma_semaphore, #tpu.memory_space<semaphore_mem>>) src(%dma_wait3A_205 : memref<20x48xi32, #tpu.memory_space<hbm>>) dst(%dma_wait3A_201 : memref<20x48xi32, #tpu.memory_space<vmem>>)
      %mul3A_206 = arith.constant 20 : i32
      %mul3A_207 = arith.muli %rem3A_186, %mul3A_206 : i32
      %dma_wait3A_208 = arith.constant 2 : i32
      %dma_wait3A_209 = arith.constant 0 : i32
      %dma_wait3A_210 = tpu.memref_slice %arg11[%mul3A_207, %dma_wait3A_209] : memref<40x48xf32, #tpu.memory_space<vmem>> -> memref<20x48xf32, #tpu.memory_space<vmem>>
      %dma_wait3A_211 = arith.constant 0 : i32
      %dma_wait3A_212 = arith.constant 0 : i32
      %dma_wait3A_213 = tpu.memref_slice %arg5[%arg1, %scan3A_184, %dma_wait3A_211, %dma_wait3A_212] : memref<16x21x20x48xf32, #tpu.memory_space<hbm>> -> memref<1x1x20x48xf32, #tpu.memory_space<hbm>>
      %dma_wait3A_214 = tpu.memref_squeeze %dma_wait3A_213 : memref<1x1x20x48xf32, #tpu.memory_space<hbm>> -> memref<20x48xf32, #tpu.memory_space<hbm>>
      %dma_wait3A_215 = tpu.memref_slice %arg17[%dma_wait3A_208] : memref<3x!tpu.dma_semaphore, #tpu.memory_space<semaphore_mem>> -> memref<1x!tpu.dma_semaphore, #tpu.memory_space<semaphore_mem>>
      %dma_wait3A_216 = tpu.memref_squeeze %dma_wait3A_215 : memref<1x!tpu.dma_semaphore, #tpu.memory_space<semaphore_mem>> -> memref<!tpu.dma_semaphore, #tpu.memory_space<semaphore_mem>>
      %dma_wait3A_217 = arith.constant 0 : i32
      %dma_wait3A_218 = tpu.memref_slice %arg11[%mul3A_207, %dma_wait3A_217] : memref<40x48xf32, #tpu.memory_space<vmem>> -> memref<20x48xf32, #tpu.memory_space<vmem>>
      %dma_wait3A_219 = arith.constant 0 : i32
      %dma_wait3A_220 = arith.constant 0 : i32
      %dma_wait3A_221 = tpu.memref_slice %arg5[%arg1, %scan3A_184, %dma_wait3A_219, %dma_wait3A_220] : memref<16x21x20x48xf32, #tpu.memory_space<hbm>> -> memref<1x1x20x48xf32, #tpu.memory_space<hbm>>
      %dma_wait3A_222 = tpu.memref_squeeze %dma_wait3A_221 : memref<1x1x20x48xf32, #tpu.memory_space<hbm>> -> memref<20x48xf32, #tpu.memory_space<hbm>>
      tpu.wait_dma2 semaphore(%dma_wait3A_216 : memref<!tpu.dma_semaphore, #tpu.memory_space<semaphore_mem>>) src(%dma_wait3A_222 : memref<20x48xf32, #tpu.memory_space<hbm>>) dst(%dma_wait3A_218 : memref<20x48xf32, #tpu.memory_space<vmem>>)
      %add3A_223 = arith.constant 1 : i32
      %add3A_224 = arith.addi %scan3A_184, %add3A_223 : i32
      %lt3A = arith.constant 21 : i32
      %lt3A_225 = arith.cmpi slt, %add3A_224, %lt3A : i32
      %convert_element_type3A = arith.extui %lt3A_225 : i1 to i32
      %cond3A = arith.constant 0 : i32
      %cond3A_226 = arith.cmpi ne, %convert_element_type3A, %cond3A : i32
      scf.if %cond3A_226 {
        %add3A_235 = arith.constant 1 : i32
        %add3A_236 = arith.addi %scan3A_184, %add3A_235 : i32
        %sub3A_237 = arith.constant 1 : i32
        %sub3A_238 = arith.subi %sub3A_237, %rem3A_186 : i32
        %dma_start3A_239 = arith.constant 0 : i32
        %dma_start3A_240 = arith.constant 0 : i32
        %dma_start3A_241 = arith.constant 0 : i32
        %dma_start3A_242 = tpu.memref_slice %arg9[%sub3A_238, %dma_start3A_240, %dma_start3A_241] : memref<2x20x48xi32, #tpu.memory_space<vmem>> -> memref<1x20x48xi32, #tpu.memory_space<vmem>>
        %dma_start3A_243 = tpu.memref_squeeze %dma_start3A_242 : memref<1x20x48xi32, #tpu.memory_space<vmem>> -> memref<20x48xi32, #tpu.memory_space<vmem>>
        %dma_start3A_244 = arith.constant 0 : i32
        %dma_start3A_245 = arith.constant 0 : i32
        %dma_start3A_246 = tpu.memref_slice %arg3[%arg1, %add3A_236, %dma_start3A_244, %dma_start3A_245] : memref<16x21x20x48xi32, #tpu.memory_space<hbm>> -> memref<1x1x20x48xi32, #tpu.memory_space<hbm>>
        %dma_start3A_247 = tpu.memref_squeeze %dma_start3A_246 : memref<1x1x20x48xi32, #tpu.memory_space<hbm>> -> memref<20x48xi32, #tpu.memory_space<hbm>>
        %dma_start3A_248 = tpu.memref_slice %arg17[%dma_start3A_239] : memref<3x!tpu.dma_semaphore, #tpu.memory_space<semaphore_mem>> -> memref<1x!tpu.dma_semaphore, #tpu.memory_space<semaphore_mem>>
        %dma_start3A_249 = tpu.memref_squeeze %dma_start3A_248 : memref<1x!tpu.dma_semaphore, #tpu.memory_space<semaphore_mem>> -> memref<!tpu.dma_semaphore, #tpu.memory_space<semaphore_mem>>
        %dma_start3A_250 = arith.constant 0 : i32
        %dma_start3A_251 = arith.constant 0 : i32
        %dma_start3A_252 = tpu.memref_slice %arg9[%sub3A_238, %dma_start3A_250, %dma_start3A_251] : memref<2x20x48xi32, #tpu.memory_space<vmem>> -> memref<1x20x48xi32, #tpu.memory_space<vmem>>
        %dma_start3A_253 = tpu.memref_squeeze %dma_start3A_252 : memref<1x20x48xi32, #tpu.memory_space<vmem>> -> memref<20x48xi32, #tpu.memory_space<vmem>>
        %dma_start3A_254 = arith.constant 0 : i32
        %dma_start3A_255 = arith.constant 0 : i32
        %dma_start3A_256 = tpu.memref_slice %arg3[%arg1, %add3A_236, %dma_start3A_254, %dma_start3A_255] : memref<16x21x20x48xi32, #tpu.memory_space<hbm>> -> memref<1x1x20x48xi32, #tpu.memory_space<hbm>>
        %dma_start3A_257 = tpu.memref_squeeze %dma_start3A_256 : memref<1x1x20x48xi32, #tpu.memory_space<hbm>> -> memref<20x48xi32, #tpu.memory_space<hbm>>
        tpu.enqueue_dma source(%dma_start3A_257 : memref<20x48xi32, #tpu.memory_space<hbm>>) target(%dma_start3A_253 : memref<20x48xi32, #tpu.memory_space<vmem>>) target_semaphore(%dma_start3A_249 : memref<!tpu.dma_semaphore, #tpu.memory_space<semaphore_mem>>)
        %dma_start3A_258 = arith.constant 1 : i32
        %dma_start3A_259 = arith.constant 0 : i32
        %dma_start3A_260 = arith.constant 0 : i32
        %dma_start3A_261 = tpu.memref_slice %arg10[%sub3A_238, %dma_start3A_259, %dma_start3A_260] : memref<2x20x48xi32, #tpu.memory_space<vmem>> -> memref<1x20x48xi32, #tpu.memory_space<vmem>>
        %dma_start3A_262 = tpu.memref_squeeze %dma_start3A_261 : memref<1x20x48xi32, #tpu.memory_space<vmem>> -> memref<20x48xi32, #tpu.memory_space<vmem>>
        %dma_start3A_263 = arith.constant 0 : i32
        %dma_start3A_264 = arith.constant 0 : i32
        %dma_start3A_265 = tpu.memref_slice %arg4[%arg1, %add3A_236, %dma_start3A_263, %dma_start3A_264] : memref<16x21x20x48xi32, #tpu.memory_space<hbm>> -> memref<1x1x20x48xi32, #tpu.memory_space<hbm>>
        %dma_start3A_266 = tpu.memref_squeeze %dma_start3A_265 : memref<1x1x20x48xi32, #tpu.memory_space<hbm>> -> memref<20x48xi32, #tpu.memory_space<hbm>>
        %dma_start3A_267 = tpu.memref_slice %arg17[%dma_start3A_258] : memref<3x!tpu.dma_semaphore, #tpu.memory_space<semaphore_mem>> -> memref<1x!tpu.dma_semaphore, #tpu.memory_space<semaphore_mem>>
        %dma_start3A_268 = tpu.memref_squeeze %dma_start3A_267 : memref<1x!tpu.dma_semaphore, #tpu.memory_space<semaphore_mem>> -> memref<!tpu.dma_semaphore, #tpu.memory_space<semaphore_mem>>
        %dma_start3A_269 = arith.constant 0 : i32
        %dma_start3A_270 = arith.constant 0 : i32
        %dma_start3A_271 = tpu.memref_slice %arg10[%sub3A_238, %dma_start3A_269, %dma_start3A_270] : memref<2x20x48xi32, #tpu.memory_space<vmem>> -> memref<1x20x48xi32, #tpu.memory_space<vmem>>
        %dma_start3A_272 = tpu.memref_squeeze %dma_start3A_271 : memref<1x20x48xi32, #tpu.memory_space<vmem>> -> memref<20x48xi32, #tpu.memory_space<vmem>>
        %dma_start3A_273 = arith.constant 0 : i32
        %dma_start3A_274 = arith.constant 0 : i32
        %dma_start3A_275 = tpu.memref_slice %arg4[%arg1, %add3A_236, %dma_start3A_273, %dma_start3A_274] : memref<16x21x20x48xi32, #tpu.memory_space<hbm>> -> memref<1x1x20x48xi32, #tpu.memory_space<hbm>>
        %dma_start3A_276 = tpu.memref_squeeze %dma_start3A_275 : memref<1x1x20x48xi32, #tpu.memory_space<hbm>> -> memref<20x48xi32, #tpu.memory_space<hbm>>
        tpu.enqueue_dma source(%dma_start3A_276 : memref<20x48xi32, #tpu.memory_space<hbm>>) target(%dma_start3A_272 : memref<20x48xi32, #tpu.memory_space<vmem>>) target_semaphore(%dma_start3A_268 : memref<!tpu.dma_semaphore, #tpu.memory_space<semaphore_mem>>)
        %mul3A_277 = arith.constant 20 : i32
        %mul3A_278 = arith.muli %sub3A_238, %mul3A_277 : i32
        %dma_start3A_279 = arith.constant 2 : i32
        %dma_start3A_280 = arith.constant 0 : i32
        %dma_start3A_281 = tpu.memref_slice %arg11[%mul3A_278, %dma_start3A_280] : memref<40x48xf32, #tpu.memory_space<vmem>> -> memref<20x48xf32, #tpu.memory_space<vmem>>
        %dma_start3A_282 = arith.constant 0 : i32
        %dma_start3A_283 = arith.constant 0 : i32
        %dma_start3A_284 = tpu.memref_slice %arg5[%arg1, %add3A_236, %dma_start3A_282, %dma_start3A_283] : memref<16x21x20x48xf32, #tpu.memory_space<hbm>> -> memref<1x1x20x48xf32, #tpu.memory_space<hbm>>
        %dma_start3A_285 = tpu.memref_squeeze %dma_start3A_284 : memref<1x1x20x48xf32, #tpu.memory_space<hbm>> -> memref<20x48xf32, #tpu.memory_space<hbm>>
        %dma_start3A_286 = tpu.memref_slice %arg17[%dma_start3A_279] : memref<3x!tpu.dma_semaphore, #tpu.memory_space<semaphore_mem>> -> memref<1x!tpu.dma_semaphore, #tpu.memory_space<semaphore_mem>>
        %dma_start3A_287 = tpu.memref_squeeze %dma_start3A_286 : memref<1x!tpu.dma_semaphore, #tpu.memory_space<semaphore_mem>> -> memref<!tpu.dma_semaphore, #tpu.memory_space<semaphore_mem>>
        %dma_start3A_288 = arith.constant 0 : i32
        %dma_start3A_289 = tpu.memref_slice %arg11[%mul3A_278, %dma_start3A_288] : memref<40x48xf32, #tpu.memory_space<vmem>> -> memref<20x48xf32, #tpu.memory_space<vmem>>
        %dma_start3A_290 = arith.constant 0 : i32
        %dma_start3A_291 = arith.constant 0 : i32
        %dma_start3A_292 = tpu.memref_slice %arg5[%arg1, %add3A_236, %dma_start3A_290, %dma_start3A_291] : memref<16x21x20x48xf32, #tpu.memory_space<hbm>> -> memref<1x1x20x48xf32, #tpu.memory_space<hbm>>
        %dma_start3A_293 = tpu.memref_squeeze %dma_start3A_292 : memref<1x1x20x48xf32, #tpu.memory_space<hbm>> -> memref<20x48xf32, #tpu.memory_space<hbm>>
        tpu.enqueue_dma source(%dma_start3A_293 : memref<20x48xf32, #tpu.memory_space<hbm>>) target(%dma_start3A_289 : memref<20x48xf32, #tpu.memory_space<vmem>>) target_semaphore(%dma_start3A_287 : memref<!tpu.dma_semaphore, #tpu.memory_space<semaphore_mem>>)
      } else {
      }
      %sub3A_227 = arith.constant 1 : i32
      %sub3A_228 = arith.subi %sub3A_227, %rem3A_186 : i32
      %scan3A_229 = arith.constant 0 : i32
      %scan3A_230 = arith.constant 0 : i32
      %scan3A_231 = arith.constant 5 : i32
      %scan3A_232 = arith.addi %scan3A_230, %scan3A_231 : i32
      %scan3A_233 = arith.constant 1 : i32
      scf.for %scan3A_235 = %scan3A_230 to %scan3A_232 step %scan3A_233  : i32 {
        %mul3A_236 = arith.constant 4 : i32
        %mul3A_237 = arith.muli %mul3A_236, %scan3A_235 : i32
        %add3A_238 = arith.constant 0 : i32
        %add3A_239 = arith.addi %mul3A_237, %add3A_238 : i32
        %dma_wait3A_240 = arith.constant 0 : i32
        %dma_wait3A_241 = arith.constant 0 : i32
        %dma_wait3A_242 = arith.constant 0 : i32
        %dma_wait3A_243 = arith.constant 0 : i32
        %dma_wait3A_244 = tpu.memref_slice %arg13[%dma_wait3A_240, %dma_wait3A_242, %dma_wait3A_243] : memref<4x48x128xf32, #tpu.memory_space<vmem>> -> memref<1x48x128xf32, #tpu.memory_space<vmem>>
        %dma_wait3A_245 = tpu.memref_squeeze %dma_wait3A_244 : memref<1x48x128xf32, #tpu.memory_space<vmem>> -> memref<48x128xf32, #tpu.memory_space<vmem>>
        %dma_wait3A_246 = arith.constant 0 : i32
        %dma_wait3A_247 = arith.constant 0 : i32
        %dma_wait3A_248 = tpu.memref_slice %arg9[%rem3A_186, %dma_wait3A_246, %dma_wait3A_247] : memref<2x20x48xi32, #tpu.memory_space<vmem>> -> memref<1x20x48xi32, #tpu.memory_space<vmem>>
        %dma_wait3A_249 = tpu.memref_squeeze %dma_wait3A_248 : memref<1x20x48xi32, #tpu.memory_space<vmem>> -> memref<20x48xi32, #tpu.memory_space<vmem>>
        %dma_wait3A_250 = arith.constant 0 : i32
        %dma_wait3A_251 = tpu.memref_slice %dma_wait3A_249[%add3A_239, %dma_wait3A_250] : memref<20x48xi32, #tpu.memory_space<vmem>> -> memref<1x48xi32, #tpu.memory_space<vmem>>
        %dma_wait3A_252 = tpu.memref_squeeze %dma_wait3A_251 : memref<1x48xi32, #tpu.memory_space<vmem>> -> memref<48xi32, #tpu.memory_space<vmem>>
        %dma_wait3A_253 = arith.constant 0 : i32
        %dma_wait3A_254 = arith.constant 0 : i32
        %dma_wait3A_255 = tpu.memref_slice %arg2[%dma_wait3A_253, %dma_wait3A_254] : memref<10000x128xf32, #tpu.memory_space<hbm>> -> memref<10000x128xf32, #tpu.memory_space<hbm>>
        %dma_wait3A_256 = tpu.memref_slice %arg15[%dma_wait3A_241] : memref<4x!tpu.dma_semaphore, #tpu.memory_space<semaphore_mem>> -> memref<1x!tpu.dma_semaphore, #tpu.memory_space<semaphore_mem>>
        %dma_wait3A_257 = tpu.memref_squeeze %dma_wait3A_256 : memref<1x!tpu.dma_semaphore, #tpu.memory_space<semaphore_mem>> -> memref<!tpu.dma_semaphore, #tpu.memory_space<semaphore_mem>>
        tpu.wait_indirect_dma semaphore(%dma_wait3A_257 : memref<!tpu.dma_semaphore, #tpu.memory_space<semaphore_mem>>) src(%dma_wait3A_255 : memref<10000x128xf32, #tpu.memory_space<hbm>>) dst(%dma_wait3A_245 : memref<48x128xf32, #tpu.memory_space<vmem>>)
        %mul3A_258 = arith.constant 20 : i32
        %mul3A_259 = arith.muli %rem3A_186, %mul3A_258 : i32
        %add3A_260 = arith.addi %mul3A_259, %add3A_239 : i32
        %parallel_loop3A = arith.constant 0 : i32
        %parallel_loop3A_261 = arith.constant 48 : i32
        %parallel_loop3A_262 = arith.constant 1 : i32
        scf.for %parallel_loop3A_474 = %parallel_loop3A to %parallel_loop3A_261 step %parallel_loop3A_262  : i32 {
          %parallel_loop3A_475 = vector.broadcast %add3A_260 : i32 to vector<16xi32>
          %parallel_loop3A_476 = vector.broadcast %parallel_loop3A_474 : i32 to vector<16xi32>
          %parallel_loop3A_477 = tpu.vector_load_idx %arg11[%parallel_loop3A_475, %parallel_loop3A_476] : memref<40x48xf32, #tpu.memory_space<vmem>>[vector<16xi32>, vector<16xi32>], vector<16xf32>,
          %parallel_loop3A_478 = arith.mulf %parallel_loop3A_477, %gather3A : vector<16xf32>
          %parallel_loop3A_479 = arith.constant 0 : i32
          %parallel_loop3A_480 = arith.index_cast %parallel_loop3A_479 : i32 to index
          %parallel_loop3A_481 = arith.index_cast %parallel_loop3A_474 : i32 to index
          %parallel_loop3A_482 = arith.constant 0 : index
          %parallel_loop3A_483 = tpu.vector_load %arg13[%parallel_loop3A_480, %parallel_loop3A_481, %parallel_loop3A_482] {strides = array<i32>} : memref<4x48x128xf32, #tpu.memory_space<vmem>>, vector<16xf32>,
          %parallel_loop3A_484 = arith.mulf %parallel_loop3A_483, %parallel_loop3A_478 : vector<16xf32>
          %parallel_loop3A_485 = arith.constant 0 : i32
          %parallel_loop3A_486 = arith.index_cast %parallel_loop3A_485 : i32 to index
          %parallel_loop3A_487 = arith.index_cast %parallel_loop3A_474 : i32 to index
          %parallel_loop3A_488 = arith.constant 0 : index
          %parallel_loop3A_489 = tpu.vector_load %arg13[%parallel_loop3A_486, %parallel_loop3A_487, %parallel_loop3A_488] {strides = array<i32>} : memref<4x48x128xf32, #tpu.memory_space<vmem>>, vector<16xf32>,
          tpu.vector_store %arg13[%parallel_loop3A_486, %parallel_loop3A_487, %parallel_loop3A_488], %parallel_loop3A_484 {strides = array<i32>} : memref<4x48x128xf32, #tpu.memory_space<vmem>>, vector<16xf32>,
          %parallel_loop3A_490 = arith.constant 0 : i32
          %parallel_loop3A_491 = arith.index_cast %parallel_loop3A_490 : i32 to index
          %parallel_loop3A_492 = arith.index_cast %parallel_loop3A_474 : i32 to index
          %parallel_loop3A_493 = arith.constant 16 : index
          %parallel_loop3A_494 = tpu.vector_load %arg13[%parallel_loop3A_491, %parallel_loop3A_492, %parallel_loop3A_493] {strides = array<i32>} : memref<4x48x128xf32, #tpu.memory_space<vmem>>, vector<16xf32>,
          %parallel_loop3A_495 = arith.mulf %parallel_loop3A_494, %parallel_loop3A_478 : vector<16xf32>
          %parallel_loop3A_496 = arith.constant 0 : i32
          %parallel_loop3A_497 = arith.index_cast %parallel_loop3A_496 : i32 to index
          %parallel_loop3A_498 = arith.index_cast %parallel_loop3A_474 : i32 to index
          %parallel_loop3A_499 = arith.constant 16 : index
          %parallel_loop3A_500 = tpu.vector_load %arg13[%parallel_loop3A_497, %parallel_loop3A_498, %parallel_loop3A_499] {strides = array<i32>} : memref<4x48x128xf32, #tpu.memory_space<vmem>>, vector<16xf32>,
          tpu.vector_store %arg13[%parallel_loop3A_497, %parallel_loop3A_498, %parallel_loop3A_499], %parallel_loop3A_495 {strides = array<i32>} : memref<4x48x128xf32, #tpu.memory_space<vmem>>, vector<16xf32>,
          %parallel_loop3A_501 = arith.constant 0 : i32
          %parallel_loop3A_502 = arith.index_cast %parallel_loop3A_501 : i32 to index
          %parallel_loop3A_503 = arith.index_cast %parallel_loop3A_474 : i32 to index
          %parallel_loop3A_504 = arith.constant 32 : index
          %parallel_loop3A_505 = tpu.vector_load %arg13[%parallel_loop3A_502, %parallel_loop3A_503, %parallel_loop3A_504] {strides = array<i32>} : memref<4x48x128xf32, #tpu.memory_space<vmem>>, vector<16xf32>,
          %parallel_loop3A_506 = arith.mulf %parallel_loop3A_505, %parallel_loop3A_478 : vector<16xf32>
          %parallel_loop3A_507 = arith.constant 0 : i32
          %parallel_loop3A_508 = arith.index_cast %parallel_loop3A_507 : i32 to index
          %parallel_loop3A_509 = arith.index_cast %parallel_loop3A_474 : i32 to index
          %parallel_loop3A_510 = arith.constant 32 : index
          %parallel_loop3A_511 = tpu.vector_load %arg13[%parallel_loop3A_508, %parallel_loop3A_509, %parallel_loop3A_510] {strides = array<i32>} : memref<4x48x128xf32, #tpu.memory_space<vmem>>, vector<16xf32>,
          tpu.vector_store %arg13[%parallel_loop3A_508, %parallel_loop3A_509, %parallel_loop3A_510], %parallel_loop3A_506 {strides = array<i32>} : memref<4x48x128xf32, #tpu.memory_space<vmem>>, vector<16xf32>,
          %parallel_loop3A_512 = arith.constant 0 : i32
          %parallel_loop3A_513 = arith.index_cast %parallel_loop3A_512 : i32 to index
          %parallel_loop3A_514 = arith.index_cast %parallel_loop3A_474 : i32 to index
          %parallel_loop3A_515 = arith.constant 48 : index
          %parallel_loop3A_516 = tpu.vector_load %arg13[%parallel_loop3A_513, %parallel_loop3A_514, %parallel_loop3A_515] {strides = array<i32>} : memref<4x48x128xf32, #tpu.memory_space<vmem>>, vector<16xf32>,
          %parallel_loop3A_517 = arith.mulf %parallel_loop3A_516, %parallel_loop3A_478 : vector<16xf32>
          %parallel_loop3A_518 = arith.constant 0 : i32
          %parallel_loop3A_519 = arith.index_cast %parallel_loop3A_518 : i32 to index
          %parallel_loop3A_520 = arith.index_cast %parallel_loop3A_474 : i32 to index
          %parallel_loop3A_521 = arith.constant 48 : index
          %parallel_loop3A_522 = tpu.vector_load %arg13[%parallel_loop3A_519, %parallel_loop3A_520, %parallel_loop3A_521] {strides = array<i32>} : memref<4x48x128xf32, #tpu.memory_space<vmem>>, vector<16xf32>,
          tpu.vector_store %arg13[%parallel_loop3A_519, %parallel_loop3A_520, %parallel_loop3A_521], %parallel_loop3A_517 {strides = array<i32>} : memref<4x48x128xf32, #tpu.memory_space<vmem>>, vector<16xf32>,
          %parallel_loop3A_523 = arith.constant 0 : i32
          %parallel_loop3A_524 = arith.index_cast %parallel_loop3A_523 : i32 to index
          %parallel_loop3A_525 = arith.index_cast %parallel_loop3A_474 : i32 to index
          %parallel_loop3A_526 = arith.constant 64 : index
          %parallel_loop3A_527 = tpu.vector_load %arg13[%parallel_loop3A_524, %parallel_loop3A_525, %parallel_loop3A_526] {strides = array<i32>} : memref<4x48x128xf32, #tpu.memory_space<vmem>>, vector<16xf32>,
          %parallel_loop3A_528 = arith.mulf %parallel_loop3A_527, %parallel_loop3A_478 : vector<16xf32>
          %parallel_loop3A_529 = arith.constant 0 : i32
          %parallel_loop3A_530 = arith.index_cast %parallel_loop3A_529 : i32 to index
          %parallel_loop3A_531 = arith.index_cast %parallel_loop3A_474 : i32 to index
          %parallel_loop3A_532 = arith.constant 64 : index
          %parallel_loop3A_533 = tpu.vector_load %arg13[%parallel_loop3A_530, %parallel_loop3A_531, %parallel_loop3A_532] {strides = array<i32>} : memref<4x48x128xf32, #tpu.memory_space<vmem>>, vector<16xf32>,
          tpu.vector_store %arg13[%parallel_loop3A_530, %parallel_loop3A_531, %parallel_loop3A_532], %parallel_loop3A_528 {strides = array<i32>} : memref<4x48x128xf32, #tpu.memory_space<vmem>>, vector<16xf32>,
          %parallel_loop3A_534 = arith.constant 0 : i32
          %parallel_loop3A_535 = arith.index_cast %parallel_loop3A_534 : i32 to index
          %parallel_loop3A_536 = arith.index_cast %parallel_loop3A_474 : i32 to index
          %parallel_loop3A_537 = arith.constant 80 : index
          %parallel_loop3A_538 = tpu.vector_load %arg13[%parallel_loop3A_535, %parallel_loop3A_536, %parallel_loop3A_537] {strides = array<i32>} : memref<4x48x128xf32, #tpu.memory_space<vmem>>, vector<16xf32>,
          %parallel_loop3A_539 = arith.mulf %parallel_loop3A_538, %parallel_loop3A_478 : vector<16xf32>
          %parallel_loop3A_540 = arith.constant 0 : i32
          %parallel_loop3A_541 = arith.index_cast %parallel_loop3A_540 : i32 to index
          %parallel_loop3A_542 = arith.index_cast %parallel_loop3A_474 : i32 to index
          %parallel_loop3A_543 = arith.constant 80 : index
          %parallel_loop3A_544 = tpu.vector_load %arg13[%parallel_loop3A_541, %parallel_loop3A_542, %parallel_loop3A_543] {strides = array<i32>} : memref<4x48x128xf32, #tpu.memory_space<vmem>>, vector<16xf32>,
          tpu.vector_store %arg13[%parallel_loop3A_541, %parallel_loop3A_542, %parallel_loop3A_543], %parallel_loop3A_539 {strides = array<i32>} : memref<4x48x128xf32, #tpu.memory_space<vmem>>, vector<16xf32>,
          %parallel_loop3A_545 = arith.constant 0 : i32
          %parallel_loop3A_546 = arith.index_cast %parallel_loop3A_545 : i32 to index
          %parallel_loop3A_547 = arith.index_cast %parallel_loop3A_474 : i32 to index
          %parallel_loop3A_548 = arith.constant 96 : index
          %parallel_loop3A_549 = tpu.vector_load %arg13[%parallel_loop3A_546, %parallel_loop3A_547, %parallel_loop3A_548] {strides = array<i32>} : memref<4x48x128xf32, #tpu.memory_space<vmem>>, vector<16xf32>,
          %parallel_loop3A_550 = arith.mulf %parallel_loop3A_549, %parallel_loop3A_478 : vector<16xf32>
          %parallel_loop3A_551 = arith.constant 0 : i32
          %parallel_loop3A_552 = arith.index_cast %parallel_loop3A_551 : i32 to index
          %parallel_loop3A_553 = arith.index_cast %parallel_loop3A_474 : i32 to index
          %parallel_loop3A_554 = arith.constant 96 : index
          %parallel_loop3A_555 = tpu.vector_load %arg13[%parallel_loop3A_552, %parallel_loop3A_553, %parallel_loop3A_554] {strides = array<i32>} : memref<4x48x128xf32, #tpu.memory_space<vmem>>, vector<16xf32>,
          tpu.vector_store %arg13[%parallel_loop3A_552, %parallel_loop3A_553, %parallel_loop3A_554], %parallel_loop3A_550 {strides = array<i32>} : memref<4x48x128xf32, #tpu.memory_space<vmem>>, vector<16xf32>,
          %parallel_loop3A_556 = arith.constant 0 : i32
          %parallel_loop3A_557 = arith.index_cast %parallel_loop3A_556 : i32 to index
          %parallel_loop3A_558 = arith.index_cast %parallel_loop3A_474 : i32 to index
          %parallel_loop3A_559 = arith.constant 112 : index
          %parallel_loop3A_560 = tpu.vector_load %arg13[%parallel_loop3A_557, %parallel_loop3A_558, %parallel_loop3A_559] {strides = array<i32>} : memref<4x48x128xf32, #tpu.memory_space<vmem>>, vector<16xf32>,
          %parallel_loop3A_561 = arith.mulf %parallel_loop3A_560, %parallel_loop3A_478 : vector<16xf32>
          %parallel_loop3A_562 = arith.constant 0 : i32
          %parallel_loop3A_563 = arith.index_cast %parallel_loop3A_562 : i32 to index
          %parallel_loop3A_564 = arith.index_cast %parallel_loop3A_474 : i32 to index
          %parallel_loop3A_565 = arith.constant 112 : index
          %parallel_loop3A_566 = tpu.vector_load %arg13[%parallel_loop3A_563, %parallel_loop3A_564, %parallel_loop3A_565] {strides = array<i32>} : memref<4x48x128xf32, #tpu.memory_space<vmem>>, vector<16xf32>,
          tpu.vector_store %arg13[%parallel_loop3A_563, %parallel_loop3A_564, %parallel_loop3A_565], %parallel_loop3A_561 {strides = array<i32>} : memref<4x48x128xf32, #tpu.memory_space<vmem>>, vector<16xf32>,
        } {sc.loop_unroll_factor = 4 : i64, sc.parallel_access}
        %dma_start3A_263 = arith.constant 0 : i32
        %dma_start3A_264 = arith.constant 0 : i32
        %dma_start3A_265 = arith.constant 0 : i32
        %dma_start3A_266 = arith.constant 0 : i32
        %dma_start3A_267 = tpu.memref_slice %arg13[%dma_start3A_263, %dma_start3A_265, %dma_start3A_266] : memref<4x48x128xf32, #tpu.memory_space<vmem>> -> memref<1x48x128xf32, #tpu.memory_space<vmem>>
        %dma_start3A_268 = tpu.memref_squeeze %dma_start3A_267 : memref<1x48x128xf32, #tpu.memory_space<vmem>> -> memref<48x128xf32, #tpu.memory_space<vmem>>
        %dma_start3A_269 = arith.constant 0 : i32
        %dma_start3A_270 = arith.constant 0 : i32
        %dma_start3A_271 = tpu.memref_slice %arg10[%rem3A_186, %dma_start3A_269, %dma_start3A_270] : memref<2x20x48xi32, #tpu.memory_space<vmem>> -> memref<1x20x48xi32, #tpu.memory_space<vmem>>
        %dma_start3A_272 = tpu.memref_squeeze %dma_start3A_271 : memref<1x20x48xi32, #tpu.memory_space<vmem>> -> memref<20x48xi32, #tpu.memory_space<vmem>>
        %dma_start3A_273 = arith.constant 0 : i32
        %dma_start3A_274 = tpu.memref_slice %dma_start3A_272[%add3A_239, %dma_start3A_273] : memref<20x48xi32, #tpu.memory_space<vmem>> -> memref<1x48xi32, #tpu.memory_space<vmem>>
        %dma_start3A_275 = tpu.memref_squeeze %dma_start3A_274 : memref<1x48xi32, #tpu.memory_space<vmem>> -> memref<48xi32, #tpu.memory_space<vmem>>
        %dma_start3A_276 = arith.constant 0 : i32
        %dma_start3A_277 = arith.constant 0 : i32
        %dma_start3A_278 = tpu.memref_slice %arg14[%dma_start3A_276, %dma_start3A_277] : memref<10240x128xf32, #tpu.memory_space<vmem_shared>> -> memref<10240x128xf32, #tpu.memory_space<vmem_shared>>
        %dma_start3A_279 = tpu.memref_slice %arg16[%dma_start3A_264] : memref<4x!tpu.dma_semaphore, #tpu.memory_space<semaphore_mem>> -> memref<1x!tpu.dma_semaphore, #tpu.memory_space<semaphore_mem>>
        %dma_start3A_280 = tpu.memref_squeeze %dma_start3A_279 : memref<1x!tpu.dma_semaphore, #tpu.memory_space<semaphore_mem>> -> memref<!tpu.dma_semaphore, #tpu.memory_space<semaphore_mem>>
        tpu.enqueue_indirect_dma source(%dma_start3A_268 : memref<48x128xf32, #tpu.memory_space<vmem>>) target(%dma_start3A_278 : memref<10240x128xf32, #tpu.memory_space<vmem_shared>>) offsets(%dma_start3A_275 : memref<48xi32, #tpu.memory_space<vmem>>) semaphore(%dma_start3A_280 : memref<!tpu.dma_semaphore, #tpu.memory_space<semaphore_mem>>) {add = true}
        %gt3A = arith.constant 0 : i32
        %gt3A_281 = arith.cmpi sgt, %scan3A_235, %gt3A : i32
        %gt3A_282 = arith.constant 0 : i32
        %gt3A_283 = arith.cmpi sgt, %scan3A_184, %gt3A_282 : i32
        %or3A = arith.ori %gt3A_281, %gt3A_283 : i1
        %convert_element_type3A_284 = arith.extui %or3A : i1 to i32
        %cond3A_285 = arith.constant 0 : i32
        %cond3A_286 = arith.cmpi ne, %convert_element_type3A_284, %cond3A_285 : i32
        scf.if %cond3A_286 {
          %sub3A_474 = arith.constant 1 : i32
          %sub3A_475 = arith.subi %add3A_239, %sub3A_474 : i32
          %dma_wait3A_476 = arith.constant 3 : i32
          %dma_wait3A_477 = arith.constant 3 : i32
          %dma_wait3A_478 = arith.constant 0 : i32
          %dma_wait3A_479 = arith.constant 0 : i32
          %dma_wait3A_480 = tpu.memref_slice %arg13[%dma_wait3A_476, %dma_wait3A_478, %dma_wait3A_479] : memref<4x48x128xf32, #tpu.memory_space<vmem>> -> memref<1x48x128xf32, #tpu.memory_space<vmem>>
          %dma_wait3A_481 = tpu.memref_squeeze %dma_wait3A_480 : memref<1x48x128xf32, #tpu.memory_space<vmem>> -> memref<48x128xf32, #tpu.memory_space<vmem>>
          %dma_wait3A_482 = arith.constant 0 : i32
          %dma_wait3A_483 = arith.constant 0 : i32
          %dma_wait3A_484 = tpu.memref_slice %arg10[%rem3A_186, %dma_wait3A_482, %dma_wait3A_483] : memref<2x20x48xi32, #tpu.memory_space<vmem>> -> memref<1x20x48xi32, #tpu.memory_space<vmem>>
          %dma_wait3A_485 = tpu.memref_squeeze %dma_wait3A_484 : memref<1x20x48xi32, #tpu.memory_space<vmem>> -> memref<20x48xi32, #tpu.memory_space<vmem>>
          %dma_wait3A_486 = arith.constant 0 : i32
          %dma_wait3A_487 = tpu.memref_slice %dma_wait3A_485[%sub3A_475, %dma_wait3A_486] : memref<20x48xi32, #tpu.memory_space<vmem>> -> memref<1x48xi32, #tpu.memory_space<vmem>>
          %dma_wait3A_488 = tpu.memref_squeeze %dma_wait3A_487 : memref<1x48xi32, #tpu.memory_space<vmem>> -> memref<48xi32, #tpu.memory_space<vmem>>
          %dma_wait3A_489 = arith.constant 0 : i32
          %dma_wait3A_490 = arith.constant 0 : i32
          %dma_wait3A_491 = tpu.memref_slice %arg14[%dma_wait3A_489, %dma_wait3A_490] : memref<10240x128xf32, #tpu.memory_space<vmem_shared>> -> memref<10240x128xf32, #tpu.memory_space<vmem_shared>>
          %dma_wait3A_492 = tpu.memref_slice %arg16[%dma_wait3A_477] : memref<4x!tpu.dma_semaphore, #tpu.memory_space<semaphore_mem>> -> memref<1x!tpu.dma_semaphore, #tpu.memory_space<semaphore_mem>>
          %dma_wait3A_493 = tpu.memref_squeeze %dma_wait3A_492 : memref<1x!tpu.dma_semaphore, #tpu.memory_space<semaphore_mem>> -> memref<!tpu.dma_semaphore, #tpu.memory_space<semaphore_mem>>
          tpu.wait_indirect_dma semaphore(%dma_wait3A_493 : memref<!tpu.dma_semaphore, #tpu.memory_space<semaphore_mem>>) src(%dma_wait3A_481 : memref<48x128xf32, #tpu.memory_space<vmem>>) dst(%dma_wait3A_491 : memref<10240x128xf32, #tpu.memory_space<vmem_shared>>)
        } else {
        }
        %add3A_287 = arith.constant 3 : i32
        %add3A_288 = arith.addi %add3A_239, %add3A_287 : i32
        %dma_start3A_289 = arith.constant 3 : i32
        %dma_start3A_290 = arith.constant 3 : i32
        %dma_start3A_291 = arith.constant 0 : i32
        %dma_start3A_292 = arith.constant 0 : i32
        %dma_start3A_293 = tpu.memref_slice %arg13[%dma_start3A_289, %dma_start3A_291, %dma_start3A_292] : memref<4x48x128xf32, #tpu.memory_space<vmem>> -> memref<1x48x128xf32, #tpu.memory_space<vmem>>
        %dma_start3A_294 = tpu.memref_squeeze %dma_start3A_293 : memref<1x48x128xf32, #tpu.memory_space<vmem>> -> memref<48x128xf32, #tpu.memory_space<vmem>>
        %dma_start3A_295 = arith.constant 0 : i32
        %dma_start3A_296 = arith.constant 0 : i32
        %dma_start3A_297 = tpu.memref_slice %arg9[%rem3A_186, %dma_start3A_295, %dma_start3A_296] : memref<2x20x48xi32, #tpu.memory_space<vmem>> -> memref<1x20x48xi32, #tpu.memory_space<vmem>>
        %dma_start3A_298 = tpu.memref_squeeze %dma_start3A_297 : memref<1x20x48xi32, #tpu.memory_space<vmem>> -> memref<20x48xi32, #tpu.memory_space<vmem>>
        %dma_start3A_299 = arith.constant 0 : i32
        %dma_start3A_300 = tpu.memref_slice %dma_start3A_298[%add3A_288, %dma_start3A_299] : memref<20x48xi32, #tpu.memory_space<vmem>> -> memref<1x48xi32, #tpu.memory_space<vmem>>
        %dma_start3A_301 = tpu.memref_squeeze %dma_start3A_300 : memref<1x48xi32, #tpu.memory_space<vmem>> -> memref<48xi32, #tpu.memory_space<vmem>>
        %dma_start3A_302 = arith.constant 0 : i32
        %dma_start3A_303 = arith.constant 0 : i32
        %dma_start3A_304 = tpu.memref_slice %arg2[%dma_start3A_302, %dma_start3A_303] : memref<10000x128xf32, #tpu.memory_space<hbm>> -> memref<10000x128xf32, #tpu.memory_space<hbm>>
        %dma_start3A_305 = tpu.memref_slice %arg15[%dma_start3A_290] : memref<4x!tpu.dma_semaphore, #tpu.memory_space<semaphore_mem>> -> memref<1x!tpu.dma_semaphore, #tpu.memory_space<semaphore_mem>>
        %dma_start3A_306 = tpu.memref_squeeze %dma_start3A_305 : memref<1x!tpu.dma_semaphore, #tpu.memory_space<semaphore_mem>> -> memref<!tpu.dma_semaphore, #tpu.memory_space<semaphore_mem>>
        tpu.enqueue_indirect_dma source(%dma_start3A_304 : memref<10000x128xf32, #tpu.memory_space<hbm>>) target(%dma_start3A_294 : memref<48x128xf32, #tpu.memory_space<vmem>>) offsets(%dma_start3A_301 : memref<48xi32, #tpu.memory_space<vmem>>) semaphore(%dma_start3A_306 : memref<!tpu.dma_semaphore, #tpu.memory_space<semaphore_mem>>)
        %mul3A_307 = arith.constant 4 : i32
        %mul3A_308 = arith.muli %mul3A_307, %scan3A_235 : i32
        %add3A_309 = arith.constant 1 : i32
        %add3A_310 = arith.addi %mul3A_308, %add3A_309 : i32
        %dma_wait3A_311 = arith.constant 1 : i32
        %dma_wait3A_312 = arith.constant 1 : i32
        %dma_wait3A_313 = arith.constant 0 : i32
        %dma_wait3A_314 = arith.constant 0 : i32
        %dma_wait3A_315 = tpu.memref_slice %arg13[%dma_wait3A_311, %dma_wait3A_313, %dma_wait3A_314] : memref<4x48x128xf32, #tpu.memory_space<vmem>> -> memref<1x48x128xf32, #tpu.memory_space<vmem>>
        %dma_wait3A_316 = tpu.memref_squeeze %dma_wait3A_315 : memref<1x48x128xf32, #tpu.memory_space<vmem>> -> memref<48x128xf32, #tpu.memory_space<vmem>>
        %dma_wait3A_317 = arith.constant 0 : i32
        %dma_wait3A_318 = arith.constant 0 : i32
        %dma_wait3A_319 = tpu.memref_slice %arg9[%rem3A_186, %dma_wait3A_317, %dma_wait3A_318] : memref<2x20x48xi32, #tpu.memory_space<vmem>> -> memref<1x20x48xi32, #tpu.memory_space<vmem>>
        %dma_wait3A_320 = tpu.memref_squeeze %dma_wait3A_319 : memref<1x20x48xi32, #tpu.memory_space<vmem>> -> memref<20x48xi32, #tpu.memory_space<vmem>>
        %dma_wait3A_321 = arith.constant 0 : i32
        %dma_wait3A_322 = tpu.memref_slice %dma_wait3A_320[%add3A_310, %dma_wait3A_321] : memref<20x48xi32, #tpu.memory_space<vmem>> -> memref<1x48xi32, #tpu.memory_space<vmem>>
        %dma_wait3A_323 = tpu.memref_squeeze %dma_wait3A_322 : memref<1x48xi32, #tpu.memory_space<vmem>> -> memref<48xi32, #tpu.memory_space<vmem>>
        %dma_wait3A_324 = arith.constant 0 : i32
        %dma_wait3A_325 = arith.constant 0 : i32
        %dma_wait3A_326 = tpu.memref_slice %arg2[%dma_wait3A_324, %dma_wait3A_325] : memref<10000x128xf32, #tpu.memory_space<hbm>> -> memref<10000x128xf32, #tpu.memory_space<hbm>>
        %dma_wait3A_327 = tpu.memref_slice %arg15[%dma_wait3A_312] : memref<4x!tpu.dma_semaphore, #tpu.memory_space<semaphore_mem>> -> memref<1x!tpu.dma_semaphore, #tpu.memory_space<semaphore_mem>>
        %dma_wait3A_328 = tpu.memref_squeeze %dma_wait3A_327 : memref<1x!tpu.dma_semaphore, #tpu.memory_space<semaphore_mem>> -> memref<!tpu.dma_semaphore, #tpu.memory_space<semaphore_mem>>
        tpu.wait_indirect_dma semaphore(%dma_wait3A_328 : memref<!tpu.dma_semaphore, #tpu.memory_space<semaphore_mem>>) src(%dma_wait3A_326 : memref<10000x128xf32, #tpu.memory_space<hbm>>) dst(%dma_wait3A_316 : memref<48x128xf32, #tpu.memory_space<vmem>>)
        %mul3A_329 = arith.constant 20 : i32
        %mul3A_330 = arith.muli %rem3A_186, %mul3A_329 : i32
        %add3A_331 = arith.addi %mul3A_330, %add3A_310 : i32
        %parallel_loop3A_332 = arith.constant 0 : i32
        %parallel_loop3A_333 = arith.constant 48 : i32
        %parallel_loop3A_334 = arith.constant 1 : i32
        scf.for %parallel_loop3A_474 = %parallel_loop3A_332 to %parallel_loop3A_333 step %parallel_loop3A_334  : i32 {
          %parallel_loop3A_475 = vector.broadcast %add3A_331 : i32 to vector<16xi32>
          %parallel_loop3A_476 = vector.broadcast %parallel_loop3A_474 : i32 to vector<16xi32>
          %parallel_loop3A_477 = tpu.vector_load_idx %arg11[%parallel_loop3A_475, %parallel_loop3A_476] : memref<40x48xf32, #tpu.memory_space<vmem>>[vector<16xi32>, vector<16xi32>], vector<16xf32>,
          %parallel_loop3A_478 = arith.mulf %parallel_loop3A_477, %gather3A : vector<16xf32>
          %parallel_loop3A_479 = arith.constant 1 : i32
          %parallel_loop3A_480 = arith.index_cast %parallel_loop3A_479 : i32 to index
          %parallel_loop3A_481 = arith.index_cast %parallel_loop3A_474 : i32 to index
          %parallel_loop3A_482 = arith.constant 0 : index
          %parallel_loop3A_483 = tpu.vector_load %arg13[%parallel_loop3A_480, %parallel_loop3A_481, %parallel_loop3A_482] {strides = array<i32>} : memref<4x48x128xf32, #tpu.memory_space<vmem>>, vector<16xf32>,
          %parallel_loop3A_484 = arith.mulf %parallel_loop3A_483, %parallel_loop3A_478 : vector<16xf32>
          %parallel_loop3A_485 = arith.constant 1 : i32
          %parallel_loop3A_486 = arith.index_cast %parallel_loop3A_485 : i32 to index
          %parallel_loop3A_487 = arith.index_cast %parallel_loop3A_474 : i32 to index
          %parallel_loop3A_488 = arith.constant 0 : index
          %parallel_loop3A_489 = tpu.vector_load %arg13[%parallel_loop3A_486, %parallel_loop3A_487, %parallel_loop3A_488] {strides = array<i32>} : memref<4x48x128xf32, #tpu.memory_space<vmem>>, vector<16xf32>,
          tpu.vector_store %arg13[%parallel_loop3A_486, %parallel_loop3A_487, %parallel_loop3A_488], %parallel_loop3A_484 {strides = array<i32>} : memref<4x48x128xf32, #tpu.memory_space<vmem>>, vector<16xf32>,
          %parallel_loop3A_490 = arith.constant 1 : i32
          %parallel_loop3A_491 = arith.index_cast %parallel_loop3A_490 : i32 to index
          %parallel_loop3A_492 = arith.index_cast %parallel_loop3A_474 : i32 to index
          %parallel_loop3A_493 = arith.constant 16 : index
          %parallel_loop3A_494 = tpu.vector_load %arg13[%parallel_loop3A_491, %parallel_loop3A_492, %parallel_loop3A_493] {strides = array<i32>} : memref<4x48x128xf32, #tpu.memory_space<vmem>>, vector<16xf32>,
          %parallel_loop3A_495 = arith.mulf %parallel_loop3A_494, %parallel_loop3A_478 : vector<16xf32>
          %parallel_loop3A_496 = arith.constant 1 : i32
          %parallel_loop3A_497 = arith.index_cast %parallel_loop3A_496 : i32 to index
          %parallel_loop3A_498 = arith.index_cast %parallel_loop3A_474 : i32 to index
          %parallel_loop3A_499 = arith.constant 16 : index
          %parallel_loop3A_500 = tpu.vector_load %arg13[%parallel_loop3A_497, %parallel_loop3A_498, %parallel_loop3A_499] {strides = array<i32>} : memref<4x48x128xf32, #tpu.memory_space<vmem>>, vector<16xf32>,
          tpu.vector_store %arg13[%parallel_loop3A_497, %parallel_loop3A_498, %parallel_loop3A_499], %parallel_loop3A_495 {strides = array<i32>} : memref<4x48x128xf32, #tpu.memory_space<vmem>>, vector<16xf32>,
          %parallel_loop3A_501 = arith.constant 1 : i32
          %parallel_loop3A_502 = arith.index_cast %parallel_loop3A_501 : i32 to index
          %parallel_loop3A_503 = arith.index_cast %parallel_loop3A_474 : i32 to index
          %parallel_loop3A_504 = arith.constant 32 : index
          %parallel_loop3A_505 = tpu.vector_load %arg13[%parallel_loop3A_502, %parallel_loop3A_503, %parallel_loop3A_504] {strides = array<i32>} : memref<4x48x128xf32, #tpu.memory_space<vmem>>, vector<16xf32>,
          %parallel_loop3A_506 = arith.mulf %parallel_loop3A_505, %parallel_loop3A_478 : vector<16xf32>
          %parallel_loop3A_507 = arith.constant 1 : i32
          %parallel_loop3A_508 = arith.index_cast %parallel_loop3A_507 : i32 to index
          %parallel_loop3A_509 = arith.index_cast %parallel_loop3A_474 : i32 to index
          %parallel_loop3A_510 = arith.constant 32 : index
          %parallel_loop3A_511 = tpu.vector_load %arg13[%parallel_loop3A_508, %parallel_loop3A_509, %parallel_loop3A_510] {strides = array<i32>} : memref<4x48x128xf32, #tpu.memory_space<vmem>>, vector<16xf32>,
          tpu.vector_store %arg13[%parallel_loop3A_508, %parallel_loop3A_509, %parallel_loop3A_510], %parallel_loop3A_506 {strides = array<i32>} : memref<4x48x128xf32, #tpu.memory_space<vmem>>, vector<16xf32>,
          %parallel_loop3A_512 = arith.constant 1 : i32
          %parallel_loop3A_513 = arith.index_cast %parallel_loop3A_512 : i32 to index
          %parallel_loop3A_514 = arith.index_cast %parallel_loop3A_474 : i32 to index
          %parallel_loop3A_515 = arith.constant 48 : index
          %parallel_loop3A_516 = tpu.vector_load %arg13[%parallel_loop3A_513, %parallel_loop3A_514, %parallel_loop3A_515] {strides = array<i32>} : memref<4x48x128xf32, #tpu.memory_space<vmem>>, vector<16xf32>,
          %parallel_loop3A_517 = arith.mulf %parallel_loop3A_516, %parallel_loop3A_478 : vector<16xf32>
          %parallel_loop3A_518 = arith.constant 1 : i32
          %parallel_loop3A_519 = arith.index_cast %parallel_loop3A_518 : i32 to index
          %parallel_loop3A_520 = arith.index_cast %parallel_loop3A_474 : i32 to index
          %parallel_loop3A_521 = arith.constant 48 : index
          %parallel_loop3A_522 = tpu.vector_load %arg13[%parallel_loop3A_519, %parallel_loop3A_520, %parallel_loop3A_521] {strides = array<i32>} : memref<4x48x128xf32, #tpu.memory_space<vmem>>, vector<16xf32>,
          tpu.vector_store %arg13[%parallel_loop3A_519, %parallel_loop3A_520, %parallel_loop3A_521], %parallel_loop3A_517 {strides = array<i32>} : memref<4x48x128xf32, #tpu.memory_space<vmem>>, vector<16xf32>,
          %parallel_loop3A_523 = arith.constant 1 : i32
          %parallel_loop3A_524 = arith.index_cast %parallel_loop3A_523 : i32 to index
          %parallel_loop3A_525 = arith.index_cast %parallel_loop3A_474 : i32 to index
          %parallel_loop3A_526 = arith.constant 64 : index
          %parallel_loop3A_527 = tpu.vector_load %arg13[%parallel_loop3A_524, %parallel_loop3A_525, %parallel_loop3A_526] {strides = array<i32>} : memref<4x48x128xf32, #tpu.memory_space<vmem>>, vector<16xf32>,
          %parallel_loop3A_528 = arith.mulf %parallel_loop3A_527, %parallel_loop3A_478 : vector<16xf32>
          %parallel_loop3A_529 = arith.constant 1 : i32
          %parallel_loop3A_530 = arith.index_cast %parallel_loop3A_529 : i32 to index
          %parallel_loop3A_531 = arith.index_cast %parallel_loop3A_474 : i32 to index
          %parallel_loop3A_532 = arith.constant 64 : index
          %parallel_loop3A_533 = tpu.vector_load %arg13[%parallel_loop3A_530, %parallel_loop3A_531, %parallel_loop3A_532] {strides = array<i32>} : memref<4x48x128xf32, #tpu.memory_space<vmem>>, vector<16xf32>,
          tpu.vector_store %arg13[%parallel_loop3A_530, %parallel_loop3A_531, %parallel_loop3A_532], %parallel_loop3A_528 {strides = array<i32>} : memref<4x48x128xf32, #tpu.memory_space<vmem>>, vector<16xf32>,
          %parallel_loop3A_534 = arith.constant 1 : i32
          %parallel_loop3A_535 = arith.index_cast %parallel_loop3A_534 : i32 to index
          %parallel_loop3A_536 = arith.index_cast %parallel_loop3A_474 : i32 to index
          %parallel_loop3A_537 = arith.constant 80 : index
          %parallel_loop3A_538 = tpu.vector_load %arg13[%parallel_loop3A_535, %parallel_loop3A_536, %parallel_loop3A_537] {strides = array<i32>} : memref<4x48x128xf32, #tpu.memory_space<vmem>>, vector<16xf32>,
          %parallel_loop3A_539 = arith.mulf %parallel_loop3A_538, %parallel_loop3A_478 : vector<16xf32>
          %parallel_loop3A_540 = arith.constant 1 : i32
          %parallel_loop3A_541 = arith.index_cast %parallel_loop3A_540 : i32 to index
          %parallel_loop3A_542 = arith.index_cast %parallel_loop3A_474 : i32 to index
          %parallel_loop3A_543 = arith.constant 80 : index
          %parallel_loop3A_544 = tpu.vector_load %arg13[%parallel_loop3A_541, %parallel_loop3A_542, %parallel_loop3A_543] {strides = array<i32>} : memref<4x48x128xf32, #tpu.memory_space<vmem>>, vector<16xf32>,
          tpu.vector_store %arg13[%parallel_loop3A_541, %parallel_loop3A_542, %parallel_loop3A_543], %parallel_loop3A_539 {strides = array<i32>} : memref<4x48x128xf32, #tpu.memory_space<vmem>>, vector<16xf32>,
          %parallel_loop3A_545 = arith.constant 1 : i32
          %parallel_loop3A_546 = arith.index_cast %parallel_loop3A_545 : i32 to index
          %parallel_loop3A_547 = arith.index_cast %parallel_loop3A_474 : i32 to index
          %parallel_loop3A_548 = arith.constant 96 : index
          %parallel_loop3A_549 = tpu.vector_load %arg13[%parallel_loop3A_546, %parallel_loop3A_547, %parallel_loop3A_548] {strides = array<i32>} : memref<4x48x128xf32, #tpu.memory_space<vmem>>, vector<16xf32>,
          %parallel_loop3A_550 = arith.mulf %parallel_loop3A_549, %parallel_loop3A_478 : vector<16xf32>
          %parallel_loop3A_551 = arith.constant 1 : i32
          %parallel_loop3A_552 = arith.index_cast %parallel_loop3A_551 : i32 to index
          %parallel_loop3A_553 = arith.index_cast %parallel_loop3A_474 : i32 to index
          %parallel_loop3A_554 = arith.constant 96 : index
          %parallel_loop3A_555 = tpu.vector_load %arg13[%parallel_loop3A_552, %parallel_loop3A_553, %parallel_loop3A_554] {strides = array<i32>} : memref<4x48x128xf32, #tpu.memory_space<vmem>>, vector<16xf32>,
          tpu.vector_store %arg13[%parallel_loop3A_552, %parallel_loop3A_553, %parallel_loop3A_554], %parallel_loop3A_550 {strides = array<i32>} : memref<4x48x128xf32, #tpu.memory_space<vmem>>, vector<16xf32>,
          %parallel_loop3A_556 = arith.constant 1 : i32
          %parallel_loop3A_557 = arith.index_cast %parallel_loop3A_556 : i32 to index
          %parallel_loop3A_558 = arith.index_cast %parallel_loop3A_474 : i32 to index
          %parallel_loop3A_559 = arith.constant 112 : index
          %parallel_loop3A_560 = tpu.vector_load %arg13[%parallel_loop3A_557, %parallel_loop3A_558, %parallel_loop3A_559] {strides = array<i32>} : memref<4x48x128xf32, #tpu.memory_space<vmem>>, vector<16xf32>,
          %parallel_loop3A_561 = arith.mulf %parallel_loop3A_560, %parallel_loop3A_478 : vector<16xf32>
          %parallel_loop3A_562 = arith.constant 1 : i32
          %parallel_loop3A_563 = arith.index_cast %parallel_loop3A_562 : i32 to index
          %parallel_loop3A_564 = arith.index_cast %parallel_loop3A_474 : i32 to index
          %parallel_loop3A_565 = arith.constant 112 : index
          %parallel_loop3A_566 = tpu.vector_load %arg13[%parallel_loop3A_563, %parallel_loop3A_564, %parallel_loop3A_565] {strides = array<i32>} : memref<4x48x128xf32, #tpu.memory_space<vmem>>, vector<16xf32>,
          tpu.vector_store %arg13[%parallel_loop3A_563, %parallel_loop3A_564, %parallel_loop3A_565], %parallel_loop3A_561 {strides = array<i32>} : memref<4x48x128xf32, #tpu.memory_space<vmem>>, vector<16xf32>,
        } {sc.loop_unroll_factor = 4 : i64, sc.parallel_access}
        %dma_start3A_335 = arith.constant 1 : i32
        %dma_start3A_336 = arith.constant 1 : i32
        %dma_start3A_337 = arith.constant 0 : i32
        %dma_start3A_338 = arith.constant 0 : i32
        %dma_start3A_339 = tpu.memref_slice %arg13[%dma_start3A_335, %dma_start3A_337, %dma_start3A_338] : memref<4x48x128xf32, #tpu.memory_space<vmem>> -> memref<1x48x128xf32, #tpu.memory_space<vmem>>
        %dma_start3A_340 = tpu.memref_squeeze %dma_start3A_339 : memref<1x48x128xf32, #tpu.memory_space<vmem>> -> memref<48x128xf32, #tpu.memory_space<vmem>>
        %dma_start3A_341 = arith.constant 0 : i32
        %dma_start3A_342 = arith.constant 0 : i32
        %dma_start3A_343 = tpu.memref_slice %arg10[%rem3A_186, %dma_start3A_341, %dma_start3A_342] : memref<2x20x48xi32, #tpu.memory_space<vmem>> -> memref<1x20x48xi32, #tpu.memory_space<vmem>>
        %dma_start3A_344 = tpu.memref_squeeze %dma_start3A_343 : memref<1x20x48xi32, #tpu.memory_space<vmem>> -> memref<20x48xi32, #tpu.memory_space<vmem>>
        %dma_start3A_345 = arith.constant 0 : i32
        %dma_start3A_346 = tpu.memref_slice %dma_start3A_344[%add3A_310, %dma_start3A_345] : memref<20x48xi32, #tpu.memory_space<vmem>> -> memref<1x48xi32, #tpu.memory_space<vmem>>
        %dma_start3A_347 = tpu.memref_squeeze %dma_start3A_346 : memref<1x48xi32, #tpu.memory_space<vmem>> -> memref<48xi32, #tpu.memory_space<vmem>>
        %dma_start3A_348 = arith.constant 0 : i32
        %dma_start3A_349 = arith.constant 0 : i32
        %dma_start3A_350 = tpu.memref_slice %arg14[%dma_start3A_348, %dma_start3A_349] : memref<10240x128xf32, #tpu.memory_space<vmem_shared>> -> memref<10240x128xf32, #tpu.memory_space<vmem_shared>>
        %dma_start3A_351 = tpu.memref_slice %arg16[%dma_start3A_336] : memref<4x!tpu.dma_semaphore, #tpu.memory_space<semaphore_mem>> -> memref<1x!tpu.dma_semaphore, #tpu.memory_space<semaphore_mem>>
        %dma_start3A_352 = tpu.memref_squeeze %dma_start3A_351 : memref<1x!tpu.dma_semaphore, #tpu.memory_space<semaphore_mem>> -> memref<!tpu.dma_semaphore, #tpu.memory_space<semaphore_mem>>
        tpu.enqueue_indirect_dma source(%dma_start3A_340 : memref<48x128xf32, #tpu.memory_space<vmem>>) target(%dma_start3A_350 : memref<10240x128xf32, #tpu.memory_space<vmem_shared>>) offsets(%dma_start3A_347 : memref<48xi32, #tpu.memory_space<vmem>>) semaphore(%dma_start3A_352 : memref<!tpu.dma_semaphore, #tpu.memory_space<semaphore_mem>>) {add = true}
        %lt3A_353 = arith.constant 4 : i32
        %lt3A_354 = arith.cmpi slt, %scan3A_235, %lt3A_353 : i32
        %convert_element_type3A_355 = arith.extui %lt3A_354 : i1 to i32
        %cond3A_356 = arith.constant 0 : i32
        %cond3A_357 = arith.cmpi ne, %convert_element_type3A_355, %cond3A_356 : i32
        scf.if %cond3A_357 {
          %sub3A_474 = arith.constant 1 : i32
          %sub3A_475 = arith.subi %add3A_310, %sub3A_474 : i32
          %dma_wait3A_476 = arith.constant 0 : i32
          %dma_wait3A_477 = arith.constant 0 : i32
          %dma_wait3A_478 = arith.constant 0 : i32
          %dma_wait3A_479 = arith.constant 0 : i32
          %dma_wait3A_480 = tpu.memref_slice %arg13[%dma_wait3A_476, %dma_wait3A_478, %dma_wait3A_479] : memref<4x48x128xf32, #tpu.memory_space<vmem>> -> memref<1x48x128xf32, #tpu.memory_space<vmem>>
          %dma_wait3A_481 = tpu.memref_squeeze %dma_wait3A_480 : memref<1x48x128xf32, #tpu.memory_space<vmem>> -> memref<48x128xf32, #tpu.memory_space<vmem>>
          %dma_wait3A_482 = arith.constant 0 : i32
          %dma_wait3A_483 = arith.constant 0 : i32
          %dma_wait3A_484 = tpu.memref_slice %arg10[%rem3A_186, %dma_wait3A_482, %dma_wait3A_483] : memref<2x20x48xi32, #tpu.memory_space<vmem>> -> memref<1x20x48xi32, #tpu.memory_space<vmem>>
          %dma_wait3A_485 = tpu.memref_squeeze %dma_wait3A_484 : memref<1x20x48xi32, #tpu.memory_space<vmem>> -> memref<20x48xi32, #tpu.memory_space<vmem>>
          %dma_wait3A_486 = arith.constant 0 : i32
          %dma_wait3A_487 = tpu.memref_slice %dma_wait3A_485[%sub3A_475, %dma_wait3A_486] : memref<20x48xi32, #tpu.memory_space<vmem>> -> memref<1x48xi32, #tpu.memory_space<vmem>>
          %dma_wait3A_488 = tpu.memref_squeeze %dma_wait3A_487 : memref<1x48xi32, #tpu.memory_space<vmem>> -> memref<48xi32, #tpu.memory_space<vmem>>
          %dma_wait3A_489 = arith.constant 0 : i32
          %dma_wait3A_490 = arith.constant 0 : i32
          %dma_wait3A_491 = tpu.memref_slice %arg14[%dma_wait3A_489, %dma_wait3A_490] : memref<10240x128xf32, #tpu.memory_space<vmem_shared>> -> memref<10240x128xf32, #tpu.memory_space<vmem_shared>>
          %dma_wait3A_492 = tpu.memref_slice %arg16[%dma_wait3A_477] : memref<4x!tpu.dma_semaphore, #tpu.memory_space<semaphore_mem>> -> memref<1x!tpu.dma_semaphore, #tpu.memory_space<semaphore_mem>>
          %dma_wait3A_493 = tpu.memref_squeeze %dma_wait3A_492 : memref<1x!tpu.dma_semaphore, #tpu.memory_space<semaphore_mem>> -> memref<!tpu.dma_semaphore, #tpu.memory_space<semaphore_mem>>
          tpu.wait_indirect_dma semaphore(%dma_wait3A_493 : memref<!tpu.dma_semaphore, #tpu.memory_space<semaphore_mem>>) src(%dma_wait3A_481 : memref<48x128xf32, #tpu.memory_space<vmem>>) dst(%dma_wait3A_491 : memref<10240x128xf32, #tpu.memory_space<vmem_shared>>)
          %add3A_494 = arith.constant 3 : i32
          %add3A_495 = arith.addi %add3A_310, %add3A_494 : i32
          %dma_start3A_496 = arith.constant 0 : i32
          %dma_start3A_497 = arith.constant 0 : i32
          %dma_start3A_498 = arith.constant 0 : i32
          %dma_start3A_499 = arith.constant 0 : i32
          %dma_start3A_500 = tpu.memref_slice %arg13[%dma_start3A_496, %dma_start3A_498, %dma_start3A_499] : memref<4x48x128xf32, #tpu.memory_space<vmem>> -> memref<1x48x128xf32, #tpu.memory_space<vmem>>
          %dma_start3A_501 = tpu.memref_squeeze %dma_start3A_500 : memref<1x48x128xf32, #tpu.memory_space<vmem>> -> memref<48x128xf32, #tpu.memory_space<vmem>>
          %dma_start3A_502 = arith.constant 0 : i32
          %dma_start3A_503 = arith.constant 0 : i32
          %dma_start3A_504 = tpu.memref_slice %arg9[%rem3A_186, %dma_start3A_502, %dma_start3A_503] : memref<2x20x48xi32, #tpu.memory_space<vmem>> -> memref<1x20x48xi32, #tpu.memory_space<vmem>>
          %dma_start3A_505 = tpu.memref_squeeze %dma_start3A_504 : memref<1x20x48xi32, #tpu.memory_space<vmem>> -> memref<20x48xi32, #tpu.memory_space<vmem>>
          %dma_start3A_506 = arith.constant 0 : i32
          %dma_start3A_507 = tpu.memref_slice %dma_start3A_505[%add3A_495, %dma_start3A_506] : memref<20x48xi32, #tpu.memory_space<vmem>> -> memref<1x48xi32, #tpu.memory_space<vmem>>
          %dma_start3A_508 = tpu.memref_squeeze %dma_start3A_507 : memref<1x48xi32, #tpu.memory_space<vmem>> -> memref<48xi32, #tpu.memory_space<vmem>>
          %dma_start3A_509 = arith.constant 0 : i32
          %dma_start3A_510 = arith.constant 0 : i32
          %dma_start3A_511 = tpu.memref_slice %arg2[%dma_start3A_509, %dma_start3A_510] : memref<10000x128xf32, #tpu.memory_space<hbm>> -> memref<10000x128xf32, #tpu.memory_space<hbm>>
          %dma_start3A_512 = tpu.memref_slice %arg15[%dma_start3A_497] : memref<4x!tpu.dma_semaphore, #tpu.memory_space<semaphore_mem>> -> memref<1x!tpu.dma_semaphore, #tpu.memory_space<semaphore_mem>>
          %dma_start3A_513 = tpu.memref_squeeze %dma_start3A_512 : memref<1x!tpu.dma_semaphore, #tpu.memory_space<semaphore_mem>> -> memref<!tpu.dma_semaphore, #tpu.memory_space<semaphore_mem>>
          tpu.enqueue_indirect_dma source(%dma_start3A_511 : memref<10000x128xf32, #tpu.memory_space<hbm>>) target(%dma_start3A_501 : memref<48x128xf32, #tpu.memory_space<vmem>>) offsets(%dma_start3A_508 : memref<48xi32, #tpu.memory_space<vmem>>) semaphore(%dma_start3A_513 : memref<!tpu.dma_semaphore, #tpu.memory_space<semaphore_mem>>)
        } else {
        }
        %eq3A = arith.constant 4 : i32
        %eq3A_358 = arith.cmpi eq, %scan3A_235, %eq3A : i32
        %convert_element_type3A_359 = arith.extui %eq3A_358 : i1 to i32
        %cond3A_360 = arith.constant 0 : i32
        %cond3A_361 = arith.cmpi ne, %convert_element_type3A_359, %cond3A_360 : i32
        scf.if %cond3A_361 {
          %sub3A_474 = arith.constant 1 : i32
          %sub3A_475 = arith.subi %add3A_310, %sub3A_474 : i32
          %dma_wait3A_476 = arith.constant 0 : i32
          %dma_wait3A_477 = arith.constant 0 : i32
          %dma_wait3A_478 = arith.constant 0 : i32
          %dma_wait3A_479 = arith.constant 0 : i32
          %dma_wait3A_480 = tpu.memref_slice %arg13[%dma_wait3A_476, %dma_wait3A_478, %dma_wait3A_479] : memref<4x48x128xf32, #tpu.memory_space<vmem>> -> memref<1x48x128xf32, #tpu.memory_space<vmem>>
          %dma_wait3A_481 = tpu.memref_squeeze %dma_wait3A_480 : memref<1x48x128xf32, #tpu.memory_space<vmem>> -> memref<48x128xf32, #tpu.memory_space<vmem>>
          %dma_wait3A_482 = arith.constant 0 : i32
          %dma_wait3A_483 = arith.constant 0 : i32
          %dma_wait3A_484 = tpu.memref_slice %arg10[%rem3A_186, %dma_wait3A_482, %dma_wait3A_483] : memref<2x20x48xi32, #tpu.memory_space<vmem>> -> memref<1x20x48xi32, #tpu.memory_space<vmem>>
          %dma_wait3A_485 = tpu.memref_squeeze %dma_wait3A_484 : memref<1x20x48xi32, #tpu.memory_space<vmem>> -> memref<20x48xi32, #tpu.memory_space<vmem>>
          %dma_wait3A_486 = arith.constant 0 : i32
          %dma_wait3A_487 = tpu.memref_slice %dma_wait3A_485[%sub3A_475, %dma_wait3A_486] : memref<20x48xi32, #tpu.memory_space<vmem>> -> memref<1x48xi32, #tpu.memory_space<vmem>>
          %dma_wait3A_488 = tpu.memref_squeeze %dma_wait3A_487 : memref<1x48xi32, #tpu.memory_space<vmem>> -> memref<48xi32, #tpu.memory_space<vmem>>
          %dma_wait3A_489 = arith.constant 0 : i32
          %dma_wait3A_490 = arith.constant 0 : i32
          %dma_wait3A_491 = tpu.memref_slice %arg14[%dma_wait3A_489, %dma_wait3A_490] : memref<10240x128xf32, #tpu.memory_space<vmem_shared>> -> memref<10240x128xf32, #tpu.memory_space<vmem_shared>>
          %dma_wait3A_492 = tpu.memref_slice %arg16[%dma_wait3A_477] : memref<4x!tpu.dma_semaphore, #tpu.memory_space<semaphore_mem>> -> memref<1x!tpu.dma_semaphore, #tpu.memory_space<semaphore_mem>>
          %dma_wait3A_493 = tpu.memref_squeeze %dma_wait3A_492 : memref<1x!tpu.dma_semaphore, #tpu.memory_space<semaphore_mem>> -> memref<!tpu.dma_semaphore, #tpu.memory_space<semaphore_mem>>
          tpu.wait_indirect_dma semaphore(%dma_wait3A_493 : memref<!tpu.dma_semaphore, #tpu.memory_space<semaphore_mem>>) src(%dma_wait3A_481 : memref<48x128xf32, #tpu.memory_space<vmem>>) dst(%dma_wait3A_491 : memref<10240x128xf32, #tpu.memory_space<vmem_shared>>)
          %add3A_494 = arith.constant 1 : i32
          %add3A_495 = arith.addi %scan3A_184, %add3A_494 : i32
          %lt3A_496 = arith.constant 21 : i32
          %lt3A_497 = arith.cmpi slt, %add3A_495, %lt3A_496 : i32
          %convert_element_type3A_498 = arith.extui %lt3A_497 : i1 to i32
          %cond3A_499 = arith.constant 0 : i32
          %cond3A_500 = arith.cmpi ne, %convert_element_type3A_498, %cond3A_499 : i32
          scf.if %cond3A_500 {
            %add3A_501 = arith.constant 1 : i32
            %add3A_502 = arith.addi %scan3A_184, %add3A_501 : i32
            %sub3A_503 = arith.constant 1 : i32
            %sub3A_504 = arith.subi %sub3A_503, %rem3A_186 : i32
            %dma_wait3A_505 = arith.constant 0 : i32
            %dma_wait3A_506 = arith.constant 0 : i32
            %dma_wait3A_507 = arith.constant 0 : i32
            %dma_wait3A_508 = tpu.memref_slice %arg9[%sub3A_504, %dma_wait3A_506, %dma_wait3A_507] : memref<2x20x48xi32, #tpu.memory_space<vmem>> -> memref<1x20x48xi32, #tpu.memory_space<vmem>>
            %dma_wait3A_509 = tpu.memref_squeeze %dma_wait3A_508 : memref<1x20x48xi32, #tpu.memory_space<vmem>> -> memref<20x48xi32, #tpu.memory_space<vmem>>
            %dma_wait3A_510 = arith.constant 0 : i32
            %dma_wait3A_511 = arith.constant 0 : i32
            %dma_wait3A_512 = tpu.memref_slice %arg3[%arg1, %add3A_502, %dma_wait3A_510, %dma_wait3A_511] : memref<16x21x20x48xi32, #tpu.memory_space<hbm>> -> memref<1x1x20x48xi32, #tpu.memory_space<hbm>>
            %dma_wait3A_513 = tpu.memref_squeeze %dma_wait3A_512 : memref<1x1x20x48xi32, #tpu.memory_space<hbm>> -> memref<20x48xi32, #tpu.memory_space<hbm>>
            %dma_wait3A_514 = tpu.memref_slice %arg17[%dma_wait3A_505] : memref<3x!tpu.dma_semaphore, #tpu.memory_space<semaphore_mem>> -> memref<1x!tpu.dma_semaphore, #tpu.memory_space<semaphore_mem>>
            %dma_wait3A_515 = tpu.memref_squeeze %dma_wait3A_514 : memref<1x!tpu.dma_semaphore, #tpu.memory_space<semaphore_mem>> -> memref<!tpu.dma_semaphore, #tpu.memory_space<semaphore_mem>>
            %dma_wait3A_516 = arith.constant 0 : i32
            %dma_wait3A_517 = arith.constant 0 : i32
            %dma_wait3A_518 = tpu.memref_slice %arg9[%sub3A_504, %dma_wait3A_516, %dma_wait3A_517] : memref<2x20x48xi32, #tpu.memory_space<vmem>> -> memref<1x20x48xi32, #tpu.memory_space<vmem>>
            %dma_wait3A_519 = tpu.memref_squeeze %dma_wait3A_518 : memref<1x20x48xi32, #tpu.memory_space<vmem>> -> memref<20x48xi32, #tpu.memory_space<vmem>>
            %dma_wait3A_520 = arith.constant 0 : i32
            %dma_wait3A_521 = arith.constant 0 : i32
            %dma_wait3A_522 = tpu.memref_slice %arg3[%arg1, %add3A_502, %dma_wait3A_520, %dma_wait3A_521] : memref<16x21x20x48xi32, #tpu.memory_space<hbm>> -> memref<1x1x20x48xi32, #tpu.memory_space<hbm>>
            %dma_wait3A_523 = tpu.memref_squeeze %dma_wait3A_522 : memref<1x1x20x48xi32, #tpu.memory_space<hbm>> -> memref<20x48xi32, #tpu.memory_space<hbm>>
            tpu.wait_dma2 semaphore(%dma_wait3A_515 : memref<!tpu.dma_semaphore, #tpu.memory_space<semaphore_mem>>) src(%dma_wait3A_523 : memref<20x48xi32, #tpu.memory_space<hbm>>) dst(%dma_wait3A_519 : memref<20x48xi32, #tpu.memory_space<vmem>>)
            %dma_start3A_524 = arith.constant 0 : i32
            %dma_start3A_525 = arith.constant 0 : i32
            %dma_start3A_526 = arith.constant 0 : i32
            %dma_start3A_527 = arith.constant 0 : i32
            %dma_start3A_528 = arith.constant 0 : i32
            %dma_start3A_529 = tpu.memref_slice %arg13[%dma_start3A_525, %dma_start3A_527, %dma_start3A_528] : memref<4x48x128xf32, #tpu.memory_space<vmem>> -> memref<1x48x128xf32, #tpu.memory_space<vmem>>
            %dma_start3A_530 = tpu.memref_squeeze %dma_start3A_529 : memref<1x48x128xf32, #tpu.memory_space<vmem>> -> memref<48x128xf32, #tpu.memory_space<vmem>>
            %dma_start3A_531 = arith.constant 0 : i32
            %dma_start3A_532 = arith.constant 0 : i32
            %dma_start3A_533 = tpu.memref_slice %arg9[%sub3A_228, %dma_start3A_531, %dma_start3A_532] : memref<2x20x48xi32, #tpu.memory_space<vmem>> -> memref<1x20x48xi32, #tpu.memory_space<vmem>>
            %dma_start3A_534 = tpu.memref_squeeze %dma_start3A_533 : memref<1x20x48xi32, #tpu.memory_space<vmem>> -> memref<20x48xi32, #tpu.memory_space<vmem>>
            %dma_start3A_535 = arith.constant 0 : i32
            %dma_start3A_536 = tpu.memref_slice %dma_start3A_534[%dma_start3A_524, %dma_start3A_535] : memref<20x48xi32, #tpu.memory_space<vmem>> -> memref<1x48xi32, #tpu.memory_space<vmem>>
            %dma_start3A_537 = tpu.memref_squeeze %dma_start3A_536 : memref<1x48xi32, #tpu.memory_space<vmem>> -> memref<48xi32, #tpu.memory_space<vmem>>
            %dma_start3A_538 = arith.constant 0 : i32
            %dma_start3A_539 = arith.constant 0 : i32
            %dma_start3A_540 = tpu.memref_slice %arg2[%dma_start3A_538, %dma_start3A_539] : memref<10000x128xf32, #tpu.memory_space<hbm>> -> memref<10000x128xf32, #tpu.memory_space<hbm>>
            %dma_start3A_541 = tpu.memref_slice %arg15[%dma_start3A_526] : memref<4x!tpu.dma_semaphore, #tpu.memory_space<semaphore_mem>> -> memref<1x!tpu.dma_semaphore, #tpu.memory_space<semaphore_mem>>
            %dma_start3A_542 = tpu.memref_squeeze %dma_start3A_541 : memref<1x!tpu.dma_semaphore, #tpu.memory_space<semaphore_mem>> -> memref<!tpu.dma_semaphore, #tpu.memory_space<semaphore_mem>>
            tpu.enqueue_indirect_dma source(%dma_start3A_540 : memref<10000x128xf32, #tpu.memory_space<hbm>>) target(%dma_start3A_530 : memref<48x128xf32, #tpu.memory_space<vmem>>) offsets(%dma_start3A_537 : memref<48xi32, #tpu.memory_space<vmem>>) semaphore(%dma_start3A_542 : memref<!tpu.dma_semaphore, #tpu.memory_space<semaphore_mem>>)
          } else {
          }
        } else {
        }
        %mul3A_362 = arith.constant 4 : i32
        %mul3A_363 = arith.muli %mul3A_362, %scan3A_235 : i32
        %add3A_364 = arith.constant 2 : i32
        %add3A_365 = arith.addi %mul3A_363, %add3A_364 : i32
        %dma_wait3A_366 = arith.constant 2 : i32
        %dma_wait3A_367 = arith.constant 2 : i32
        %dma_wait3A_368 = arith.constant 0 : i32
        %dma_wait3A_369 = arith.constant 0 : i32
        %dma_wait3A_370 = tpu.memref_slice %arg13[%dma_wait3A_366, %dma_wait3A_368, %dma_wait3A_369] : memref<4x48x128xf32, #tpu.memory_space<vmem>> -> memref<1x48x128xf32, #tpu.memory_space<vmem>>
        %dma_wait3A_371 = tpu.memref_squeeze %dma_wait3A_370 : memref<1x48x128xf32, #tpu.memory_space<vmem>> -> memref<48x128xf32, #tpu.memory_space<vmem>>
        %dma_wait3A_372 = arith.constant 0 : i32
        %dma_wait3A_373 = arith.constant 0 : i32
        %dma_wait3A_374 = tpu.memref_slice %arg9[%rem3A_186, %dma_wait3A_372, %dma_wait3A_373] : memref<2x20x48xi32, #tpu.memory_space<vmem>> -> memref<1x20x48xi32, #tpu.memory_space<vmem>>
        %dma_wait3A_375 = tpu.memref_squeeze %dma_wait3A_374 : memref<1x20x48xi32, #tpu.memory_space<vmem>> -> memref<20x48xi32, #tpu.memory_space<vmem>>
        %dma_wait3A_376 = arith.constant 0 : i32
        %dma_wait3A_377 = tpu.memref_slice %dma_wait3A_375[%add3A_365, %dma_wait3A_376] : memref<20x48xi32, #tpu.memory_space<vmem>> -> memref<1x48xi32, #tpu.memory_space<vmem>>
        %dma_wait3A_378 = tpu.memref_squeeze %dma_wait3A_377 : memref<1x48xi32, #tpu.memory_space<vmem>> -> memref<48xi32, #tpu.memory_space<vmem>>
        %dma_wait3A_379 = arith.constant 0 : i32
        %dma_wait3A_380 = arith.constant 0 : i32
        %dma_wait3A_381 = tpu.memref_slice %arg2[%dma_wait3A_379, %dma_wait3A_380] : memref<10000x128xf32, #tpu.memory_space<hbm>> -> memref<10000x128xf32, #tpu.memory_space<hbm>>
        %dma_wait3A_382 = tpu.memref_slice %arg15[%dma_wait3A_367] : memref<4x!tpu.dma_semaphore, #tpu.memory_space<semaphore_mem>> -> memref<1x!tpu.dma_semaphore, #tpu.memory_space<semaphore_mem>>
        %dma_wait3A_383 = tpu.memref_squeeze %dma_wait3A_382 : memref<1x!tpu.dma_semaphore, #tpu.memory_space<semaphore_mem>> -> memref<!tpu.dma_semaphore, #tpu.memory_space<semaphore_mem>>
        tpu.wait_indirect_dma semaphore(%dma_wait3A_383 : memref<!tpu.dma_semaphore, #tpu.memory_space<semaphore_mem>>) src(%dma_wait3A_381 : memref<10000x128xf32, #tpu.memory_space<hbm>>) dst(%dma_wait3A_371 : memref<48x128xf32, #tpu.memory_space<vmem>>)
        %mul3A_384 = arith.constant 20 : i32
        %mul3A_385 = arith.muli %rem3A_186, %mul3A_384 : i32
        %add3A_386 = arith.addi %mul3A_385, %add3A_365 : i32
        %parallel_loop3A_387 = arith.constant 0 : i32
        %parallel_loop3A_388 = arith.constant 48 : i32
        %parallel_loop3A_389 = arith.constant 1 : i32
        scf.for %parallel_loop3A_474 = %parallel_loop3A_387 to %parallel_loop3A_388 step %parallel_loop3A_389  : i32 {
          %parallel_loop3A_475 = vector.broadcast %add3A_386 : i32 to vector<16xi32>
          %parallel_loop3A_476 = vector.broadcast %parallel_loop3A_474 : i32 to vector<16xi32>
          %parallel_loop3A_477 = tpu.vector_load_idx %arg11[%parallel_loop3A_475, %parallel_loop3A_476] : memref<40x48xf32, #tpu.memory_space<vmem>>[vector<16xi32>, vector<16xi32>], vector<16xf32>,
          %parallel_loop3A_478 = arith.mulf %parallel_loop3A_477, %gather3A : vector<16xf32>
          %parallel_loop3A_479 = arith.constant 2 : i32
          %parallel_loop3A_480 = arith.index_cast %parallel_loop3A_479 : i32 to index
          %parallel_loop3A_481 = arith.index_cast %parallel_loop3A_474 : i32 to index
          %parallel_loop3A_482 = arith.constant 0 : index
          %parallel_loop3A_483 = tpu.vector_load %arg13[%parallel_loop3A_480, %parallel_loop3A_481, %parallel_loop3A_482] {strides = array<i32>} : memref<4x48x128xf32, #tpu.memory_space<vmem>>, vector<16xf32>,
          %parallel_loop3A_484 = arith.mulf %parallel_loop3A_483, %parallel_loop3A_478 : vector<16xf32>
          %parallel_loop3A_485 = arith.constant 2 : i32
          %parallel_loop3A_486 = arith.index_cast %parallel_loop3A_485 : i32 to index
          %parallel_loop3A_487 = arith.index_cast %parallel_loop3A_474 : i32 to index
          %parallel_loop3A_488 = arith.constant 0 : index
          %parallel_loop3A_489 = tpu.vector_load %arg13[%parallel_loop3A_486, %parallel_loop3A_487, %parallel_loop3A_488] {strides = array<i32>} : memref<4x48x128xf32, #tpu.memory_space<vmem>>, vector<16xf32>,
          tpu.vector_store %arg13[%parallel_loop3A_486, %parallel_loop3A_487, %parallel_loop3A_488], %parallel_loop3A_484 {strides = array<i32>} : memref<4x48x128xf32, #tpu.memory_space<vmem>>, vector<16xf32>,
          %parallel_loop3A_490 = arith.constant 2 : i32
          %parallel_loop3A_491 = arith.index_cast %parallel_loop3A_490 : i32 to index
          %parallel_loop3A_492 = arith.index_cast %parallel_loop3A_474 : i32 to index
          %parallel_loop3A_493 = arith.constant 16 : index
          %parallel_loop3A_494 = tpu.vector_load %arg13[%parallel_loop3A_491, %parallel_loop3A_492, %parallel_loop3A_493] {strides = array<i32>} : memref<4x48x128xf32, #tpu.memory_space<vmem>>, vector<16xf32>,
          %parallel_loop3A_495 = arith.mulf %parallel_loop3A_494, %parallel_loop3A_478 : vector<16xf32>
          %parallel_loop3A_496 = arith.constant 2 : i32
          %parallel_loop3A_497 = arith.index_cast %parallel_loop3A_496 : i32 to index
          %parallel_loop3A_498 = arith.index_cast %parallel_loop3A_474 : i32 to index
          %parallel_loop3A_499 = arith.constant 16 : index
          %parallel_loop3A_500 = tpu.vector_load %arg13[%parallel_loop3A_497, %parallel_loop3A_498, %parallel_loop3A_499] {strides = array<i32>} : memref<4x48x128xf32, #tpu.memory_space<vmem>>, vector<16xf32>,
          tpu.vector_store %arg13[%parallel_loop3A_497, %parallel_loop3A_498, %parallel_loop3A_499], %parallel_loop3A_495 {strides = array<i32>} : memref<4x48x128xf32, #tpu.memory_space<vmem>>, vector<16xf32>,
          %parallel_loop3A_501 = arith.constant 2 : i32
          %parallel_loop3A_502 = arith.index_cast %parallel_loop3A_501 : i32 to index
          %parallel_loop3A_503 = arith.index_cast %parallel_loop3A_474 : i32 to index
          %parallel_loop3A_504 = arith.constant 32 : index
          %parallel_loop3A_505 = tpu.vector_load %arg13[%parallel_loop3A_502, %parallel_loop3A_503, %parallel_loop3A_504] {strides = array<i32>} : memref<4x48x128xf32, #tpu.memory_space<vmem>>, vector<16xf32>,
          %parallel_loop3A_506 = arith.mulf %parallel_loop3A_505, %parallel_loop3A_478 : vector<16xf32>
          %parallel_loop3A_507 = arith.constant 2 : i32
          %parallel_loop3A_508 = arith.index_cast %parallel_loop3A_507 : i32 to index
          %parallel_loop3A_509 = arith.index_cast %parallel_loop3A_474 : i32 to index
          %parallel_loop3A_510 = arith.constant 32 : index
          %parallel_loop3A_511 = tpu.vector_load %arg13[%parallel_loop3A_508, %parallel_loop3A_509, %parallel_loop3A_510] {strides = array<i32>} : memref<4x48x128xf32, #tpu.memory_space<vmem>>, vector<16xf32>,
          tpu.vector_store %arg13[%parallel_loop3A_508, %parallel_loop3A_509, %parallel_loop3A_510], %parallel_loop3A_506 {strides = array<i32>} : memref<4x48x128xf32, #tpu.memory_space<vmem>>, vector<16xf32>,
          %parallel_loop3A_512 = arith.constant 2 : i32
          %parallel_loop3A_513 = arith.index_cast %parallel_loop3A_512 : i32 to index
          %parallel_loop3A_514 = arith.index_cast %parallel_loop3A_474 : i32 to index
          %parallel_loop3A_515 = arith.constant 48 : index
          %parallel_loop3A_516 = tpu.vector_load %arg13[%parallel_loop3A_513, %parallel_loop3A_514, %parallel_loop3A_515] {strides = array<i32>} : memref<4x48x128xf32, #tpu.memory_space<vmem>>, vector<16xf32>,
          %parallel_loop3A_517 = arith.mulf %parallel_loop3A_516, %parallel_loop3A_478 : vector<16xf32>
          %parallel_loop3A_518 = arith.constant 2 : i32
          %parallel_loop3A_519 = arith.index_cast %parallel_loop3A_518 : i32 to index
          %parallel_loop3A_520 = arith.index_cast %parallel_loop3A_474 : i32 to index
          %parallel_loop3A_521 = arith.constant 48 : index
          %parallel_loop3A_522 = tpu.vector_load %arg13[%parallel_loop3A_519, %parallel_loop3A_520, %parallel_loop3A_521] {strides = array<i32>} : memref<4x48x128xf32, #tpu.memory_space<vmem>>, vector<16xf32>,
          tpu.vector_store %arg13[%parallel_loop3A_519, %parallel_loop3A_520, %parallel_loop3A_521], %parallel_loop3A_517 {strides = array<i32>} : memref<4x48x128xf32, #tpu.memory_space<vmem>>, vector<16xf32>,
          %parallel_loop3A_523 = arith.constant 2 : i32
          %parallel_loop3A_524 = arith.index_cast %parallel_loop3A_523 : i32 to index
          %parallel_loop3A_525 = arith.index_cast %parallel_loop3A_474 : i32 to index
          %parallel_loop3A_526 = arith.constant 64 : index
          %parallel_loop3A_527 = tpu.vector_load %arg13[%parallel_loop3A_524, %parallel_loop3A_525, %parallel_loop3A_526] {strides = array<i32>} : memref<4x48x128xf32, #tpu.memory_space<vmem>>, vector<16xf32>,
          %parallel_loop3A_528 = arith.mulf %parallel_loop3A_527, %parallel_loop3A_478 : vector<16xf32>
          %parallel_loop3A_529 = arith.constant 2 : i32
          %parallel_loop3A_530 = arith.index_cast %parallel_loop3A_529 : i32 to index
          %parallel_loop3A_531 = arith.index_cast %parallel_loop3A_474 : i32 to index
          %parallel_loop3A_532 = arith.constant 64 : index
          %parallel_loop3A_533 = tpu.vector_load %arg13[%parallel_loop3A_530, %parallel_loop3A_531, %parallel_loop3A_532] {strides = array<i32>} : memref<4x48x128xf32, #tpu.memory_space<vmem>>, vector<16xf32>,
          tpu.vector_store %arg13[%parallel_loop3A_530, %parallel_loop3A_531, %parallel_loop3A_532], %parallel_loop3A_528 {strides = array<i32>} : memref<4x48x128xf32, #tpu.memory_space<vmem>>, vector<16xf32>,
          %parallel_loop3A_534 = arith.constant 2 : i32
          %parallel_loop3A_535 = arith.index_cast %parallel_loop3A_534 : i32 to index
          %parallel_loop3A_536 = arith.index_cast %parallel_loop3A_474 : i32 to index
          %parallel_loop3A_537 = arith.constant 80 : index
          %parallel_loop3A_538 = tpu.vector_load %arg13[%parallel_loop3A_535, %parallel_loop3A_536, %parallel_loop3A_537] {strides = array<i32>} : memref<4x48x128xf32, #tpu.memory_space<vmem>>, vector<16xf32>,
          %parallel_loop3A_539 = arith.mulf %parallel_loop3A_538, %parallel_loop3A_478 : vector<16xf32>
          %parallel_loop3A_540 = arith.constant 2 : i32
          %parallel_loop3A_541 = arith.index_cast %parallel_loop3A_540 : i32 to index
          %parallel_loop3A_542 = arith.index_cast %parallel_loop3A_474 : i32 to index
          %parallel_loop3A_543 = arith.constant 80 : index
          %parallel_loop3A_544 = tpu.vector_load %arg13[%parallel_loop3A_541, %parallel_loop3A_542, %parallel_loop3A_543] {strides = array<i32>} : memref<4x48x128xf32, #tpu.memory_space<vmem>>, vector<16xf32>,
          tpu.vector_store %arg13[%parallel_loop3A_541, %parallel_loop3A_542, %parallel_loop3A_543], %parallel_loop3A_539 {strides = array<i32>} : memref<4x48x128xf32, #tpu.memory_space<vmem>>, vector<16xf32>,
          %parallel_loop3A_545 = arith.constant 2 : i32
          %parallel_loop3A_546 = arith.index_cast %parallel_loop3A_545 : i32 to index
          %parallel_loop3A_547 = arith.index_cast %parallel_loop3A_474 : i32 to index
          %parallel_loop3A_548 = arith.constant 96 : index
          %parallel_loop3A_549 = tpu.vector_load %arg13[%parallel_loop3A_546, %parallel_loop3A_547, %parallel_loop3A_548] {strides = array<i32>} : memref<4x48x128xf32, #tpu.memory_space<vmem>>, vector<16xf32>,
          %parallel_loop3A_550 = arith.mulf %parallel_loop3A_549, %parallel_loop3A_478 : vector<16xf32>
          %parallel_loop3A_551 = arith.constant 2 : i32
          %parallel_loop3A_552 = arith.index_cast %parallel_loop3A_551 : i32 to index
          %parallel_loop3A_553 = arith.index_cast %parallel_loop3A_474 : i32 to index
          %parallel_loop3A_554 = arith.constant 96 : index
          %parallel_loop3A_555 = tpu.vector_load %arg13[%parallel_loop3A_552, %parallel_loop3A_553, %parallel_loop3A_554] {strides = array<i32>} : memref<4x48x128xf32, #tpu.memory_space<vmem>>, vector<16xf32>,
          tpu.vector_store %arg13[%parallel_loop3A_552, %parallel_loop3A_553, %parallel_loop3A_554], %parallel_loop3A_550 {strides = array<i32>} : memref<4x48x128xf32, #tpu.memory_space<vmem>>, vector<16xf32>,
          %parallel_loop3A_556 = arith.constant 2 : i32
          %parallel_loop3A_557 = arith.index_cast %parallel_loop3A_556 : i32 to index
          %parallel_loop3A_558 = arith.index_cast %parallel_loop3A_474 : i32 to index
          %parallel_loop3A_559 = arith.constant 112 : index
          %parallel_loop3A_560 = tpu.vector_load %arg13[%parallel_loop3A_557, %parallel_loop3A_558, %parallel_loop3A_559] {strides = array<i32>} : memref<4x48x128xf32, #tpu.memory_space<vmem>>, vector<16xf32>,
          %parallel_loop3A_561 = arith.mulf %parallel_loop3A_560, %parallel_loop3A_478 : vector<16xf32>
          %parallel_loop3A_562 = arith.constant 2 : i32
          %parallel_loop3A_563 = arith.index_cast %parallel_loop3A_562 : i32 to index
          %parallel_loop3A_564 = arith.index_cast %parallel_loop3A_474 : i32 to index
          %parallel_loop3A_565 = arith.constant 112 : index
          %parallel_loop3A_566 = tpu.vector_load %arg13[%parallel_loop3A_563, %parallel_loop3A_564, %parallel_loop3A_565] {strides = array<i32>} : memref<4x48x128xf32, #tpu.memory_space<vmem>>, vector<16xf32>,
          tpu.vector_store %arg13[%parallel_loop3A_563, %parallel_loop3A_564, %parallel_loop3A_565], %parallel_loop3A_561 {strides = array<i32>} : memref<4x48x128xf32, #tpu.memory_space<vmem>>, vector<16xf32>,
        } {sc.loop_unroll_factor = 4 : i64, sc.parallel_access}
        %dma_start3A_390 = arith.constant 2 : i32
        %dma_start3A_391 = arith.constant 2 : i32
        %dma_start3A_392 = arith.constant 0 : i32
        %dma_start3A_393 = arith.constant 0 : i32
        %dma_start3A_394 = tpu.memref_slice %arg13[%dma_start3A_390, %dma_start3A_392, %dma_start3A_393] : memref<4x48x128xf32, #tpu.memory_space<vmem>> -> memref<1x48x128xf32, #tpu.memory_space<vmem>>
        %dma_start3A_395 = tpu.memref_squeeze %dma_start3A_394 : memref<1x48x128xf32, #tpu.memory_space<vmem>> -> memref<48x128xf32, #tpu.memory_space<vmem>>
        %dma_start3A_396 = arith.constant 0 : i32
        %dma_start3A_397 = arith.constant 0 : i32
        %dma_start3A_398 = tpu.memref_slice %arg10[%rem3A_186, %dma_start3A_396, %dma_start3A_397] : memref<2x20x48xi32, #tpu.memory_space<vmem>> -> memref<1x20x48xi32, #tpu.memory_space<vmem>>
        %dma_start3A_399 = tpu.memref_squeeze %dma_start3A_398 : memref<1x20x48xi32, #tpu.memory_space<vmem>> -> memref<20x48xi32, #tpu.memory_space<vmem>>
        %dma_start3A_400 = arith.constant 0 : i32
        %dma_start3A_401 = tpu.memref_slice %dma_start3A_399[%add3A_365, %dma_start3A_400] : memref<20x48xi32, #tpu.memory_space<vmem>> -> memref<1x48xi32, #tpu.memory_space<vmem>>
        %dma_start3A_402 = tpu.memref_squeeze %dma_start3A_401 : memref<1x48xi32, #tpu.memory_space<vmem>> -> memref<48xi32, #tpu.memory_space<vmem>>
        %dma_start3A_403 = arith.constant 0 : i32
        %dma_start3A_404 = arith.constant 0 : i32
        %dma_start3A_405 = tpu.memref_slice %arg14[%dma_start3A_403, %dma_start3A_404] : memref<10240x128xf32, #tpu.memory_space<vmem_shared>> -> memref<10240x128xf32, #tpu.memory_space<vmem_shared>>
        %dma_start3A_406 = tpu.memref_slice %arg16[%dma_start3A_391] : memref<4x!tpu.dma_semaphore, #tpu.memory_space<semaphore_mem>> -> memref<1x!tpu.dma_semaphore, #tpu.memory_space<semaphore_mem>>
        %dma_start3A_407 = tpu.memref_squeeze %dma_start3A_406 : memref<1x!tpu.dma_semaphore, #tpu.memory_space<semaphore_mem>> -> memref<!tpu.dma_semaphore, #tpu.memory_space<semaphore_mem>>
        tpu.enqueue_indirect_dma source(%dma_start3A_395 : memref<48x128xf32, #tpu.memory_space<vmem>>) target(%dma_start3A_405 : memref<10240x128xf32, #tpu.memory_space<vmem_shared>>) offsets(%dma_start3A_402 : memref<48xi32, #tpu.memory_space<vmem>>) semaphore(%dma_start3A_407 : memref<!tpu.dma_semaphore, #tpu.memory_space<semaphore_mem>>) {add = true}
        %lt3A_408 = arith.constant 4 : i32
        %lt3A_409 = arith.cmpi slt, %scan3A_235, %lt3A_408 : i32
        %convert_element_type3A_410 = arith.extui %lt3A_409 : i1 to i32
        %cond3A_411 = arith.constant 0 : i32
        %cond3A_412 = arith.cmpi ne, %convert_element_type3A_410, %cond3A_411 : i32
        scf.if %cond3A_412 {
          %sub3A_474 = arith.constant 1 : i32
          %sub3A_475 = arith.subi %add3A_365, %sub3A_474 : i32
          %dma_wait3A_476 = arith.constant 1 : i32
          %dma_wait3A_477 = arith.constant 1 : i32
          %dma_wait3A_478 = arith.constant 0 : i32
          %dma_wait3A_479 = arith.constant 0 : i32
          %dma_wait3A_480 = tpu.memref_slice %arg13[%dma_wait3A_476, %dma_wait3A_478, %dma_wait3A_479] : memref<4x48x128xf32, #tpu.memory_space<vmem>> -> memref<1x48x128xf32, #tpu.memory_space<vmem>>
          %dma_wait3A_481 = tpu.memref_squeeze %dma_wait3A_480 : memref<1x48x128xf32, #tpu.memory_space<vmem>> -> memref<48x128xf32, #tpu.memory_space<vmem>>
          %dma_wait3A_482 = arith.constant 0 : i32
          %dma_wait3A_483 = arith.constant 0 : i32
          %dma_wait3A_484 = tpu.memref_slice %arg10[%rem3A_186, %dma_wait3A_482, %dma_wait3A_483] : memref<2x20x48xi32, #tpu.memory_space<vmem>> -> memref<1x20x48xi32, #tpu.memory_space<vmem>>
          %dma_wait3A_485 = tpu.memref_squeeze %dma_wait3A_484 : memref<1x20x48xi32, #tpu.memory_space<vmem>> -> memref<20x48xi32, #tpu.memory_space<vmem>>
          %dma_wait3A_486 = arith.constant 0 : i32
          %dma_wait3A_487 = tpu.memref_slice %dma_wait3A_485[%sub3A_475, %dma_wait3A_486] : memref<20x48xi32, #tpu.memory_space<vmem>> -> memref<1x48xi32, #tpu.memory_space<vmem>>
          %dma_wait3A_488 = tpu.memref_squeeze %dma_wait3A_487 : memref<1x48xi32, #tpu.memory_space<vmem>> -> memref<48xi32, #tpu.memory_space<vmem>>
          %dma_wait3A_489 = arith.constant 0 : i32
          %dma_wait3A_490 = arith.constant 0 : i32
          %dma_wait3A_491 = tpu.memref_slice %arg14[%dma_wait3A_489, %dma_wait3A_490] : memref<10240x128xf32, #tpu.memory_space<vmem_shared>> -> memref<10240x128xf32, #tpu.memory_space<vmem_shared>>
          %dma_wait3A_492 = tpu.memref_slice %arg16[%dma_wait3A_477] : memref<4x!tpu.dma_semaphore, #tpu.memory_space<semaphore_mem>> -> memref<1x!tpu.dma_semaphore, #tpu.memory_space<semaphore_mem>>
          %dma_wait3A_493 = tpu.memref_squeeze %dma_wait3A_492 : memref<1x!tpu.dma_semaphore, #tpu.memory_space<semaphore_mem>> -> memref<!tpu.dma_semaphore, #tpu.memory_space<semaphore_mem>>
          tpu.wait_indirect_dma semaphore(%dma_wait3A_493 : memref<!tpu.dma_semaphore, #tpu.memory_space<semaphore_mem>>) src(%dma_wait3A_481 : memref<48x128xf32, #tpu.memory_space<vmem>>) dst(%dma_wait3A_491 : memref<10240x128xf32, #tpu.memory_space<vmem_shared>>)
          %add3A_494 = arith.constant 3 : i32
          %add3A_495 = arith.addi %add3A_365, %add3A_494 : i32
          %dma_start3A_496 = arith.constant 1 : i32
          %dma_start3A_497 = arith.constant 1 : i32
          %dma_start3A_498 = arith.constant 0 : i32
          %dma_start3A_499 = arith.constant 0 : i32
          %dma_start3A_500 = tpu.memref_slice %arg13[%dma_start3A_496, %dma_start3A_498, %dma_start3A_499] : memref<4x48x128xf32, #tpu.memory_space<vmem>> -> memref<1x48x128xf32, #tpu.memory_space<vmem>>
          %dma_start3A_501 = tpu.memref_squeeze %dma_start3A_500 : memref<1x48x128xf32, #tpu.memory_space<vmem>> -> memref<48x128xf32, #tpu.memory_space<vmem>>
          %dma_start3A_502 = arith.constant 0 : i32
          %dma_start3A_503 = arith.constant 0 : i32
          %dma_start3A_504 = tpu.memref_slice %arg9[%rem3A_186, %dma_start3A_502, %dma_start3A_503] : memref<2x20x48xi32, #tpu.memory_space<vmem>> -> memref<1x20x48xi32, #tpu.memory_space<vmem>>
          %dma_start3A_505 = tpu.memref_squeeze %dma_start3A_504 : memref<1x20x48xi32, #tpu.memory_space<vmem>> -> memref<20x48xi32, #tpu.memory_space<vmem>>
          %dma_start3A_506 = arith.constant 0 : i32
          %dma_start3A_507 = tpu.memref_slice %dma_start3A_505[%add3A_495, %dma_start3A_506] : memref<20x48xi32, #tpu.memory_space<vmem>> -> memref<1x48xi32, #tpu.memory_space<vmem>>
          %dma_start3A_508 = tpu.memref_squeeze %dma_start3A_507 : memref<1x48xi32, #tpu.memory_space<vmem>> -> memref<48xi32, #tpu.memory_space<vmem>>
          %dma_start3A_509 = arith.constant 0 : i32
          %dma_start3A_510 = arith.constant 0 : i32
          %dma_start3A_511 = tpu.memref_slice %arg2[%dma_start3A_509, %dma_start3A_510] : memref<10000x128xf32, #tpu.memory_space<hbm>> -> memref<10000x128xf32, #tpu.memory_space<hbm>>
          %dma_start3A_512 = tpu.memref_slice %arg15[%dma_start3A_497] : memref<4x!tpu.dma_semaphore, #tpu.memory_space<semaphore_mem>> -> memref<1x!tpu.dma_semaphore, #tpu.memory_space<semaphore_mem>>
          %dma_start3A_513 = tpu.memref_squeeze %dma_start3A_512 : memref<1x!tpu.dma_semaphore, #tpu.memory_space<semaphore_mem>> -> memref<!tpu.dma_semaphore, #tpu.memory_space<semaphore_mem>>
          tpu.enqueue_indirect_dma source(%dma_start3A_511 : memref<10000x128xf32, #tpu.memory_space<hbm>>) target(%dma_start3A_501 : memref<48x128xf32, #tpu.memory_space<vmem>>) offsets(%dma_start3A_508 : memref<48xi32, #tpu.memory_space<vmem>>) semaphore(%dma_start3A_513 : memref<!tpu.dma_semaphore, #tpu.memory_space<semaphore_mem>>)
        } else {
        }
        %eq3A_413 = arith.constant 4 : i32
        %eq3A_414 = arith.cmpi eq, %scan3A_235, %eq3A_413 : i32
        %convert_element_type3A_415 = arith.extui %eq3A_414 : i1 to i32
        %cond3A_416 = arith.constant 0 : i32
        %cond3A_417 = arith.cmpi ne, %convert_element_type3A_415, %cond3A_416 : i32
        scf.if %cond3A_417 {
          %sub3A_474 = arith.constant 1 : i32
          %sub3A_475 = arith.subi %add3A_365, %sub3A_474 : i32
          %dma_wait3A_476 = arith.constant 1 : i32
          %dma_wait3A_477 = arith.constant 1 : i32
          %dma_wait3A_478 = arith.constant 0 : i32
          %dma_wait3A_479 = arith.constant 0 : i32
          %dma_wait3A_480 = tpu.memref_slice %arg13[%dma_wait3A_476, %dma_wait3A_478, %dma_wait3A_479] : memref<4x48x128xf32, #tpu.memory_space<vmem>> -> memref<1x48x128xf32, #tpu.memory_space<vmem>>
          %dma_wait3A_481 = tpu.memref_squeeze %dma_wait3A_480 : memref<1x48x128xf32, #tpu.memory_space<vmem>> -> memref<48x128xf32, #tpu.memory_space<vmem>>
          %dma_wait3A_482 = arith.constant 0 : i32
          %dma_wait3A_483 = arith.constant 0 : i32
          %dma_wait3A_484 = tpu.memref_slice %arg10[%rem3A_186, %dma_wait3A_482, %dma_wait3A_483] : memref<2x20x48xi32, #tpu.memory_space<vmem>> -> memref<1x20x48xi32, #tpu.memory_space<vmem>>
          %dma_wait3A_485 = tpu.memref_squeeze %dma_wait3A_484 : memref<1x20x48xi32, #tpu.memory_space<vmem>> -> memref<20x48xi32, #tpu.memory_space<vmem>>
          %dma_wait3A_486 = arith.constant 0 : i32
          %dma_wait3A_487 = tpu.memref_slice %dma_wait3A_485[%sub3A_475, %dma_wait3A_486] : memref<20x48xi32, #tpu.memory_space<vmem>> -> memref<1x48xi32, #tpu.memory_space<vmem>>
          %dma_wait3A_488 = tpu.memref_squeeze %dma_wait3A_487 : memref<1x48xi32, #tpu.memory_space<vmem>> -> memref<48xi32, #tpu.memory_space<vmem>>
          %dma_wait3A_489 = arith.constant 0 : i32
          %dma_wait3A_490 = arith.constant 0 : i32
          %dma_wait3A_491 = tpu.memref_slice %arg14[%dma_wait3A_489, %dma_wait3A_490] : memref<10240x128xf32, #tpu.memory_space<vmem_shared>> -> memref<10240x128xf32, #tpu.memory_space<vmem_shared>>
          %dma_wait3A_492 = tpu.memref_slice %arg16[%dma_wait3A_477] : memref<4x!tpu.dma_semaphore, #tpu.memory_space<semaphore_mem>> -> memref<1x!tpu.dma_semaphore, #tpu.memory_space<semaphore_mem>>
          %dma_wait3A_493 = tpu.memref_squeeze %dma_wait3A_492 : memref<1x!tpu.dma_semaphore, #tpu.memory_space<semaphore_mem>> -> memref<!tpu.dma_semaphore, #tpu.memory_space<semaphore_mem>>
          tpu.wait_indirect_dma semaphore(%dma_wait3A_493 : memref<!tpu.dma_semaphore, #tpu.memory_space<semaphore_mem>>) src(%dma_wait3A_481 : memref<48x128xf32, #tpu.memory_space<vmem>>) dst(%dma_wait3A_491 : memref<10240x128xf32, #tpu.memory_space<vmem_shared>>)
          %add3A_494 = arith.constant 1 : i32
          %add3A_495 = arith.addi %scan3A_184, %add3A_494 : i32
          %lt3A_496 = arith.constant 21 : i32
          %lt3A_497 = arith.cmpi slt, %add3A_495, %lt3A_496 : i32
          %convert_element_type3A_498 = arith.extui %lt3A_497 : i1 to i32
          %cond3A_499 = arith.constant 0 : i32
          %cond3A_500 = arith.cmpi ne, %convert_element_type3A_498, %cond3A_499 : i32
          scf.if %cond3A_500 {
            %dma_start3A_501 = arith.constant 1 : i32
            %dma_start3A_502 = arith.constant 1 : i32
            %dma_start3A_503 = arith.constant 1 : i32
            %dma_start3A_504 = arith.constant 0 : i32
            %dma_start3A_505 = arith.constant 0 : i32
            %dma_start3A_506 = tpu.memref_slice %arg13[%dma_start3A_502, %dma_start3A_504, %dma_start3A_505] : memref<4x48x128xf32, #tpu.memory_space<vmem>> -> memref<1x48x128xf32, #tpu.memory_space<vmem>>
            %dma_start3A_507 = tpu.memref_squeeze %dma_start3A_506 : memref<1x48x128xf32, #tpu.memory_space<vmem>> -> memref<48x128xf32, #tpu.memory_space<vmem>>
            %dma_start3A_508 = arith.constant 0 : i32
            %dma_start3A_509 = arith.constant 0 : i32
            %dma_start3A_510 = tpu.memref_slice %arg9[%sub3A_228, %dma_start3A_508, %dma_start3A_509] : memref<2x20x48xi32, #tpu.memory_space<vmem>> -> memref<1x20x48xi32, #tpu.memory_space<vmem>>
            %dma_start3A_511 = tpu.memref_squeeze %dma_start3A_510 : memref<1x20x48xi32, #tpu.memory_space<vmem>> -> memref<20x48xi32, #tpu.memory_space<vmem>>
            %dma_start3A_512 = arith.constant 0 : i32
            %dma_start3A_513 = tpu.memref_slice %dma_start3A_511[%dma_start3A_501, %dma_start3A_512] : memref<20x48xi32, #tpu.memory_space<vmem>> -> memref<1x48xi32, #tpu.memory_space<vmem>>
            %dma_start3A_514 = tpu.memref_squeeze %dma_start3A_513 : memref<1x48xi32, #tpu.memory_space<vmem>> -> memref<48xi32, #tpu.memory_space<vmem>>
            %dma_start3A_515 = arith.constant 0 : i32
            %dma_start3A_516 = arith.constant 0 : i32
            %dma_start3A_517 = tpu.memref_slice %arg2[%dma_start3A_515, %dma_start3A_516] : memref<10000x128xf32, #tpu.memory_space<hbm>> -> memref<10000x128xf32, #tpu.memory_space<hbm>>
            %dma_start3A_518 = tpu.memref_slice %arg15[%dma_start3A_503] : memref<4x!tpu.dma_semaphore, #tpu.memory_space<semaphore_mem>> -> memref<1x!tpu.dma_semaphore, #tpu.memory_space<semaphore_mem>>
            %dma_start3A_519 = tpu.memref_squeeze %dma_start3A_518 : memref<1x!tpu.dma_semaphore, #tpu.memory_space<semaphore_mem>> -> memref<!tpu.dma_semaphore, #tpu.memory_space<semaphore_mem>>
            tpu.enqueue_indirect_dma source(%dma_start3A_517 : memref<10000x128xf32, #tpu.memory_space<hbm>>) target(%dma_start3A_507 : memref<48x128xf32, #tpu.memory_space<vmem>>) offsets(%dma_start3A_514 : memref<48xi32, #tpu.memory_space<vmem>>) semaphore(%dma_start3A_519 : memref<!tpu.dma_semaphore, #tpu.memory_space<semaphore_mem>>)
          } else {
          }
        } else {
        }
        %mul3A_418 = arith.constant 4 : i32
        %mul3A_419 = arith.muli %mul3A_418, %scan3A_235 : i32
        %add3A_420 = arith.constant 3 : i32
        %add3A_421 = arith.addi %mul3A_419, %add3A_420 : i32
        %dma_wait3A_422 = arith.constant 3 : i32
        %dma_wait3A_423 = arith.constant 3 : i32
        %dma_wait3A_424 = arith.constant 0 : i32
        %dma_wait3A_425 = arith.constant 0 : i32
        %dma_wait3A_426 = tpu.memref_slice %arg13[%dma_wait3A_422, %dma_wait3A_424, %dma_wait3A_425] : memref<4x48x128xf32, #tpu.memory_space<vmem>> -> memref<1x48x128xf32, #tpu.memory_space<vmem>>
        %dma_wait3A_427 = tpu.memref_squeeze %dma_wait3A_426 : memref<1x48x128xf32, #tpu.memory_space<vmem>> -> memref<48x128xf32, #tpu.memory_space<vmem>>
        %dma_wait3A_428 = arith.constant 0 : i32
        %dma_wait3A_429 = arith.constant 0 : i32
        %dma_wait3A_430 = tpu.memref_slice %arg9[%rem3A_186, %dma_wait3A_428, %dma_wait3A_429] : memref<2x20x48xi32, #tpu.memory_space<vmem>> -> memref<1x20x48xi32, #tpu.memory_space<vmem>>
        %dma_wait3A_431 = tpu.memref_squeeze %dma_wait3A_430 : memref<1x20x48xi32, #tpu.memory_space<vmem>> -> memref<20x48xi32, #tpu.memory_space<vmem>>
        %dma_wait3A_432 = arith.constant 0 : i32
        %dma_wait3A_433 = tpu.memref_slice %dma_wait3A_431[%add3A_421, %dma_wait3A_432] : memref<20x48xi32, #tpu.memory_space<vmem>> -> memref<1x48xi32, #tpu.memory_space<vmem>>
        %dma_wait3A_434 = tpu.memref_squeeze %dma_wait3A_433 : memref<1x48xi32, #tpu.memory_space<vmem>> -> memref<48xi32, #tpu.memory_space<vmem>>
        %dma_wait3A_435 = arith.constant 0 : i32
        %dma_wait3A_436 = arith.constant 0 : i32
        %dma_wait3A_437 = tpu.memref_slice %arg2[%dma_wait3A_435, %dma_wait3A_436] : memref<10000x128xf32, #tpu.memory_space<hbm>> -> memref<10000x128xf32, #tpu.memory_space<hbm>>
        %dma_wait3A_438 = tpu.memref_slice %arg15[%dma_wait3A_423] : memref<4x!tpu.dma_semaphore, #tpu.memory_space<semaphore_mem>> -> memref<1x!tpu.dma_semaphore, #tpu.memory_space<semaphore_mem>>
        %dma_wait3A_439 = tpu.memref_squeeze %dma_wait3A_438 : memref<1x!tpu.dma_semaphore, #tpu.memory_space<semaphore_mem>> -> memref<!tpu.dma_semaphore, #tpu.memory_space<semaphore_mem>>
        tpu.wait_indirect_dma semaphore(%dma_wait3A_439 : memref<!tpu.dma_semaphore, #tpu.memory_space<semaphore_mem>>) src(%dma_wait3A_437 : memref<10000x128xf32, #tpu.memory_space<hbm>>) dst(%dma_wait3A_427 : memref<48x128xf32, #tpu.memory_space<vmem>>)
        %mul3A_440 = arith.constant 20 : i32
        %mul3A_441 = arith.muli %rem3A_186, %mul3A_440 : i32
        %add3A_442 = arith.addi %mul3A_441, %add3A_421 : i32
        %parallel_loop3A_443 = arith.constant 0 : i32
        %parallel_loop3A_444 = arith.constant 48 : i32
        %parallel_loop3A_445 = arith.constant 1 : i32
        scf.for %parallel_loop3A_474 = %parallel_loop3A_443 to %parallel_loop3A_444 step %parallel_loop3A_445  : i32 {
          %parallel_loop3A_475 = vector.broadcast %add3A_442 : i32 to vector<16xi32>
          %parallel_loop3A_476 = vector.broadcast %parallel_loop3A_474 : i32 to vector<16xi32>
          %parallel_loop3A_477 = tpu.vector_load_idx %arg11[%parallel_loop3A_475, %parallel_loop3A_476] : memref<40x48xf32, #tpu.memory_space<vmem>>[vector<16xi32>, vector<16xi32>], vector<16xf32>,
          %parallel_loop3A_478 = arith.mulf %parallel_loop3A_477, %gather3A : vector<16xf32>
          %parallel_loop3A_479 = arith.constant 3 : i32
          %parallel_loop3A_480 = arith.index_cast %parallel_loop3A_479 : i32 to index
          %parallel_loop3A_481 = arith.index_cast %parallel_loop3A_474 : i32 to index
          %parallel_loop3A_482 = arith.constant 0 : index
          %parallel_loop3A_483 = tpu.vector_load %arg13[%parallel_loop3A_480, %parallel_loop3A_481, %parallel_loop3A_482] {strides = array<i32>} : memref<4x48x128xf32, #tpu.memory_space<vmem>>, vector<16xf32>,
          %parallel_loop3A_484 = arith.mulf %parallel_loop3A_483, %parallel_loop3A_478 : vector<16xf32>
          %parallel_loop3A_485 = arith.constant 3 : i32
          %parallel_loop3A_486 = arith.index_cast %parallel_loop3A_485 : i32 to index
          %parallel_loop3A_487 = arith.index_cast %parallel_loop3A_474 : i32 to index
          %parallel_loop3A_488 = arith.constant 0 : index
          %parallel_loop3A_489 = tpu.vector_load %arg13[%parallel_loop3A_486, %parallel_loop3A_487, %parallel_loop3A_488] {strides = array<i32>} : memref<4x48x128xf32, #tpu.memory_space<vmem>>, vector<16xf32>,
          tpu.vector_store %arg13[%parallel_loop3A_486, %parallel_loop3A_487, %parallel_loop3A_488], %parallel_loop3A_484 {strides = array<i32>} : memref<4x48x128xf32, #tpu.memory_space<vmem>>, vector<16xf32>,
          %parallel_loop3A_490 = arith.constant 3 : i32
          %parallel_loop3A_491 = arith.index_cast %parallel_loop3A_490 : i32 to index
          %parallel_loop3A_492 = arith.index_cast %parallel_loop3A_474 : i32 to index
          %parallel_loop3A_493 = arith.constant 16 : index
          %parallel_loop3A_494 = tpu.vector_load %arg13[%parallel_loop3A_491, %parallel_loop3A_492, %parallel_loop3A_493] {strides = array<i32>} : memref<4x48x128xf32, #tpu.memory_space<vmem>>, vector<16xf32>,
          %parallel_loop3A_495 = arith.mulf %parallel_loop3A_494, %parallel_loop3A_478 : vector<16xf32>
          %parallel_loop3A_496 = arith.constant 3 : i32
          %parallel_loop3A_497 = arith.index_cast %parallel_loop3A_496 : i32 to index
          %parallel_loop3A_498 = arith.index_cast %parallel_loop3A_474 : i32 to index
          %parallel_loop3A_499 = arith.constant 16 : index
          %parallel_loop3A_500 = tpu.vector_load %arg13[%parallel_loop3A_497, %parallel_loop3A_498, %parallel_loop3A_499] {strides = array<i32>} : memref<4x48x128xf32, #tpu.memory_space<vmem>>, vector<16xf32>,
          tpu.vector_store %arg13[%parallel_loop3A_497, %parallel_loop3A_498, %parallel_loop3A_499], %parallel_loop3A_495 {strides = array<i32>} : memref<4x48x128xf32, #tpu.memory_space<vmem>>, vector<16xf32>,
          %parallel_loop3A_501 = arith.constant 3 : i32
          %parallel_loop3A_502 = arith.index_cast %parallel_loop3A_501 : i32 to index
          %parallel_loop3A_503 = arith.index_cast %parallel_loop3A_474 : i32 to index
          %parallel_loop3A_504 = arith.constant 32 : index
          %parallel_loop3A_505 = tpu.vector_load %arg13[%parallel_loop3A_502, %parallel_loop3A_503, %parallel_loop3A_504] {strides = array<i32>} : memref<4x48x128xf32, #tpu.memory_space<vmem>>, vector<16xf32>,
          %parallel_loop3A_506 = arith.mulf %parallel_loop3A_505, %parallel_loop3A_478 : vector<16xf32>
          %parallel_loop3A_507 = arith.constant 3 : i32
          %parallel_loop3A_508 = arith.index_cast %parallel_loop3A_507 : i32 to index
          %parallel_loop3A_509 = arith.index_cast %parallel_loop3A_474 : i32 to index
          %parallel_loop3A_510 = arith.constant 32 : index
          %parallel_loop3A_511 = tpu.vector_load %arg13[%parallel_loop3A_508, %parallel_loop3A_509, %parallel_loop3A_510] {strides = array<i32>} : memref<4x48x128xf32, #tpu.memory_space<vmem>>, vector<16xf32>,
          tpu.vector_store %arg13[%parallel_loop3A_508, %parallel_loop3A_509, %parallel_loop3A_510], %parallel_loop3A_506 {strides = array<i32>} : memref<4x48x128xf32, #tpu.memory_space<vmem>>, vector<16xf32>,
          %parallel_loop3A_512 = arith.constant 3 : i32
          %parallel_loop3A_513 = arith.index_cast %parallel_loop3A_512 : i32 to index
          %parallel_loop3A_514 = arith.index_cast %parallel_loop3A_474 : i32 to index
          %parallel_loop3A_515 = arith.constant 48 : index
          %parallel_loop3A_516 = tpu.vector_load %arg13[%parallel_loop3A_513, %parallel_loop3A_514, %parallel_loop3A_515] {strides = array<i32>} : memref<4x48x128xf32, #tpu.memory_space<vmem>>, vector<16xf32>,
          %parallel_loop3A_517 = arith.mulf %parallel_loop3A_516, %parallel_loop3A_478 : vector<16xf32>
          %parallel_loop3A_518 = arith.constant 3 : i32
          %parallel_loop3A_519 = arith.index_cast %parallel_loop3A_518 : i32 to index
          %parallel_loop3A_520 = arith.index_cast %parallel_loop3A_474 : i32 to index
          %parallel_loop3A_521 = arith.constant 48 : index
          %parallel_loop3A_522 = tpu.vector_load %arg13[%parallel_loop3A_519, %parallel_loop3A_520, %parallel_loop3A_521] {strides = array<i32>} : memref<4x48x128xf32, #tpu.memory_space<vmem>>, vector<16xf32>,
          tpu.vector_store %arg13[%parallel_loop3A_519, %parallel_loop3A_520, %parallel_loop3A_521], %parallel_loop3A_517 {strides = array<i32>} : memref<4x48x128xf32, #tpu.memory_space<vmem>>, vector<16xf32>,
          %parallel_loop3A_523 = arith.constant 3 : i32
          %parallel_loop3A_524 = arith.index_cast %parallel_loop3A_523 : i32 to index
          %parallel_loop3A_525 = arith.index_cast %parallel_loop3A_474 : i32 to index
          %parallel_loop3A_526 = arith.constant 64 : index
          %parallel_loop3A_527 = tpu.vector_load %arg13[%parallel_loop3A_524, %parallel_loop3A_525, %parallel_loop3A_526] {strides = array<i32>} : memref<4x48x128xf32, #tpu.memory_space<vmem>>, vector<16xf32>,
          %parallel_loop3A_528 = arith.mulf %parallel_loop3A_527, %parallel_loop3A_478 : vector<16xf32>
          %parallel_loop3A_529 = arith.constant 3 : i32
          %parallel_loop3A_530 = arith.index_cast %parallel_loop3A_529 : i32 to index
          %parallel_loop3A_531 = arith.index_cast %parallel_loop3A_474 : i32 to index
          %parallel_loop3A_532 = arith.constant 64 : index
          %parallel_loop3A_533 = tpu.vector_load %arg13[%parallel_loop3A_530, %parallel_loop3A_531, %parallel_loop3A_532] {strides = array<i32>} : memref<4x48x128xf32, #tpu.memory_space<vmem>>, vector<16xf32>,
          tpu.vector_store %arg13[%parallel_loop3A_530, %parallel_loop3A_531, %parallel_loop3A_532], %parallel_loop3A_528 {strides = array<i32>} : memref<4x48x128xf32, #tpu.memory_space<vmem>>, vector<16xf32>,
          %parallel_loop3A_534 = arith.constant 3 : i32
          %parallel_loop3A_535 = arith.index_cast %parallel_loop3A_534 : i32 to index
          %parallel_loop3A_536 = arith.index_cast %parallel_loop3A_474 : i32 to index
          %parallel_loop3A_537 = arith.constant 80 : index
          %parallel_loop3A_538 = tpu.vector_load %arg13[%parallel_loop3A_535, %parallel_loop3A_536, %parallel_loop3A_537] {strides = array<i32>} : memref<4x48x128xf32, #tpu.memory_space<vmem>>, vector<16xf32>,
          %parallel_loop3A_539 = arith.mulf %parallel_loop3A_538, %parallel_loop3A_478 : vector<16xf32>
          %parallel_loop3A_540 = arith.constant 3 : i32
          %parallel_loop3A_541 = arith.index_cast %parallel_loop3A_540 : i32 to index
          %parallel_loop3A_542 = arith.index_cast %parallel_loop3A_474 : i32 to index
          %parallel_loop3A_543 = arith.constant 80 : index
          %parallel_loop3A_544 = tpu.vector_load %arg13[%parallel_loop3A_541, %parallel_loop3A_542, %parallel_loop3A_543] {strides = array<i32>} : memref<4x48x128xf32, #tpu.memory_space<vmem>>, vector<16xf32>,
          tpu.vector_store %arg13[%parallel_loop3A_541, %parallel_loop3A_542, %parallel_loop3A_543], %parallel_loop3A_539 {strides = array<i32>} : memref<4x48x128xf32, #tpu.memory_space<vmem>>, vector<16xf32>,
          %parallel_loop3A_545 = arith.constant 3 : i32
          %parallel_loop3A_546 = arith.index_cast %parallel_loop3A_545 : i32 to index
          %parallel_loop3A_547 = arith.index_cast %parallel_loop3A_474 : i32 to index
          %parallel_loop3A_548 = arith.constant 96 : index
          %parallel_loop3A_549 = tpu.vector_load %arg13[%parallel_loop3A_546, %parallel_loop3A_547, %parallel_loop3A_548] {strides = array<i32>} : memref<4x48x128xf32, #tpu.memory_space<vmem>>, vector<16xf32>,
          %parallel_loop3A_550 = arith.mulf %parallel_loop3A_549, %parallel_loop3A_478 : vector<16xf32>
          %parallel_loop3A_551 = arith.constant 3 : i32
          %parallel_loop3A_552 = arith.index_cast %parallel_loop3A_551 : i32 to index
          %parallel_loop3A_553 = arith.index_cast %parallel_loop3A_474 : i32 to index
          %parallel_loop3A_554 = arith.constant 96 : index
          %parallel_loop3A_555 = tpu.vector_load %arg13[%parallel_loop3A_552, %parallel_loop3A_553, %parallel_loop3A_554] {strides = array<i32>} : memref<4x48x128xf32, #tpu.memory_space<vmem>>, vector<16xf32>,
          tpu.vector_store %arg13[%parallel_loop3A_552, %parallel_loop3A_553, %parallel_loop3A_554], %parallel_loop3A_550 {strides = array<i32>} : memref<4x48x128xf32, #tpu.memory_space<vmem>>, vector<16xf32>,
          %parallel_loop3A_556 = arith.constant 3 : i32
          %parallel_loop3A_557 = arith.index_cast %parallel_loop3A_556 : i32 to index
          %parallel_loop3A_558 = arith.index_cast %parallel_loop3A_474 : i32 to index
          %parallel_loop3A_559 = arith.constant 112 : index
          %parallel_loop3A_560 = tpu.vector_load %arg13[%parallel_loop3A_557, %parallel_loop3A_558, %parallel_loop3A_559] {strides = array<i32>} : memref<4x48x128xf32, #tpu.memory_space<vmem>>, vector<16xf32>,
          %parallel_loop3A_561 = arith.mulf %parallel_loop3A_560, %parallel_loop3A_478 : vector<16xf32>
          %parallel_loop3A_562 = arith.constant 3 : i32
          %parallel_loop3A_563 = arith.index_cast %parallel_loop3A_562 : i32 to index
          %parallel_loop3A_564 = arith.index_cast %parallel_loop3A_474 : i32 to index
          %parallel_loop3A_565 = arith.constant 112 : index
          %parallel_loop3A_566 = tpu.vector_load %arg13[%parallel_loop3A_563, %parallel_loop3A_564, %parallel_loop3A_565] {strides = array<i32>} : memref<4x48x128xf32, #tpu.memory_space<vmem>>, vector<16xf32>,
          tpu.vector_store %arg13[%parallel_loop3A_563, %parallel_loop3A_564, %parallel_loop3A_565], %parallel_loop3A_561 {strides = array<i32>} : memref<4x48x128xf32, #tpu.memory_space<vmem>>, vector<16xf32>,
        } {sc.loop_unroll_factor = 4 : i64, sc.parallel_access}
        %dma_start3A_446 = arith.constant 3 : i32
        %dma_start3A_447 = arith.constant 3 : i32
        %dma_start3A_448 = arith.constant 0 : i32
        %dma_start3A_449 = arith.constant 0 : i32
        %dma_start3A_450 = tpu.memref_slice %arg13[%dma_start3A_446, %dma_start3A_448, %dma_start3A_449] : memref<4x48x128xf32, #tpu.memory_space<vmem>> -> memref<1x48x128xf32, #tpu.memory_space<vmem>>
        %dma_start3A_451 = tpu.memref_squeeze %dma_start3A_450 : memref<1x48x128xf32, #tpu.memory_space<vmem>> -> memref<48x128xf32, #tpu.memory_space<vmem>>
        %dma_start3A_452 = arith.constant 0 : i32
        %dma_start3A_453 = arith.constant 0 : i32
        %dma_start3A_454 = tpu.memref_slice %arg10[%rem3A_186, %dma_start3A_452, %dma_start3A_453] : memref<2x20x48xi32, #tpu.memory_space<vmem>> -> memref<1x20x48xi32, #tpu.memory_space<vmem>>
        %dma_start3A_455 = tpu.memref_squeeze %dma_start3A_454 : memref<1x20x48xi32, #tpu.memory_space<vmem>> -> memref<20x48xi32, #tpu.memory_space<vmem>>
        %dma_start3A_456 = arith.constant 0 : i32
        %dma_start3A_457 = tpu.memref_slice %dma_start3A_455[%add3A_421, %dma_start3A_456] : memref<20x48xi32, #tpu.memory_space<vmem>> -> memref<1x48xi32, #tpu.memory_space<vmem>>
        %dma_start3A_458 = tpu.memref_squeeze %dma_start3A_457 : memref<1x48xi32, #tpu.memory_space<vmem>> -> memref<48xi32, #tpu.memory_space<vmem>>
        %dma_start3A_459 = arith.constant 0 : i32
        %dma_start3A_460 = arith.constant 0 : i32
        %dma_start3A_461 = tpu.memref_slice %arg14[%dma_start3A_459, %dma_start3A_460] : memref<10240x128xf32, #tpu.memory_space<vmem_shared>> -> memref<10240x128xf32, #tpu.memory_space<vmem_shared>>
        %dma_start3A_462 = tpu.memref_slice %arg16[%dma_start3A_447] : memref<4x!tpu.dma_semaphore, #tpu.memory_space<semaphore_mem>> -> memref<1x!tpu.dma_semaphore, #tpu.memory_space<semaphore_mem>>
        %dma_start3A_463 = tpu.memref_squeeze %dma_start3A_462 : memref<1x!tpu.dma_semaphore, #tpu.memory_space<semaphore_mem>> -> memref<!tpu.dma_semaphore, #tpu.memory_space<semaphore_mem>>
        tpu.enqueue_indirect_dma source(%dma_start3A_451 : memref<48x128xf32, #tpu.memory_space<vmem>>) target(%dma_start3A_461 : memref<10240x128xf32, #tpu.memory_space<vmem_shared>>) offsets(%dma_start3A_458 : memref<48xi32, #tpu.memory_space<vmem>>) semaphore(%dma_start3A_463 : memref<!tpu.dma_semaphore, #tpu.memory_space<semaphore_mem>>) {add = true}
        %lt3A_464 = arith.constant 4 : i32
        %lt3A_465 = arith.cmpi slt, %scan3A_235, %lt3A_464 : i32
        %convert_element_type3A_466 = arith.extui %lt3A_465 : i1 to i32
        %cond3A_467 = arith.constant 0 : i32
        %cond3A_468 = arith.cmpi ne, %convert_element_type3A_466, %cond3A_467 : i32
        scf.if %cond3A_468 {
          %sub3A_474 = arith.constant 1 : i32
          %sub3A_475 = arith.subi %add3A_421, %sub3A_474 : i32
          %dma_wait3A_476 = arith.constant 2 : i32
          %dma_wait3A_477 = arith.constant 2 : i32
          %dma_wait3A_478 = arith.constant 0 : i32
          %dma_wait3A_479 = arith.constant 0 : i32
          %dma_wait3A_480 = tpu.memref_slice %arg13[%dma_wait3A_476, %dma_wait3A_478, %dma_wait3A_479] : memref<4x48x128xf32, #tpu.memory_space<vmem>> -> memref<1x48x128xf32, #tpu.memory_space<vmem>>
          %dma_wait3A_481 = tpu.memref_squeeze %dma_wait3A_480 : memref<1x48x128xf32, #tpu.memory_space<vmem>> -> memref<48x128xf32, #tpu.memory_space<vmem>>
          %dma_wait3A_482 = arith.constant 0 : i32
          %dma_wait3A_483 = arith.constant 0 : i32
          %dma_wait3A_484 = tpu.memref_slice %arg10[%rem3A_186, %dma_wait3A_482, %dma_wait3A_483] : memref<2x20x48xi32, #tpu.memory_space<vmem>> -> memref<1x20x48xi32, #tpu.memory_space<vmem>>
          %dma_wait3A_485 = tpu.memref_squeeze %dma_wait3A_484 : memref<1x20x48xi32, #tpu.memory_space<vmem>> -> memref<20x48xi32, #tpu.memory_space<vmem>>
          %dma_wait3A_486 = arith.constant 0 : i32
          %dma_wait3A_487 = tpu.memref_slice %dma_wait3A_485[%sub3A_475, %dma_wait3A_486] : memref<20x48xi32, #tpu.memory_space<vmem>> -> memref<1x48xi32, #tpu.memory_space<vmem>>
          %dma_wait3A_488 = tpu.memref_squeeze %dma_wait3A_487 : memref<1x48xi32, #tpu.memory_space<vmem>> -> memref<48xi32, #tpu.memory_space<vmem>>
          %dma_wait3A_489 = arith.constant 0 : i32
          %dma_wait3A_490 = arith.constant 0 : i32
          %dma_wait3A_491 = tpu.memref_slice %arg14[%dma_wait3A_489, %dma_wait3A_490] : memref<10240x128xf32, #tpu.memory_space<vmem_shared>> -> memref<10240x128xf32, #tpu.memory_space<vmem_shared>>
          %dma_wait3A_492 = tpu.memref_slice %arg16[%dma_wait3A_477] : memref<4x!tpu.dma_semaphore, #tpu.memory_space<semaphore_mem>> -> memref<1x!tpu.dma_semaphore, #tpu.memory_space<semaphore_mem>>
          %dma_wait3A_493 = tpu.memref_squeeze %dma_wait3A_492 : memref<1x!tpu.dma_semaphore, #tpu.memory_space<semaphore_mem>> -> memref<!tpu.dma_semaphore, #tpu.memory_space<semaphore_mem>>
          tpu.wait_indirect_dma semaphore(%dma_wait3A_493 : memref<!tpu.dma_semaphore, #tpu.memory_space<semaphore_mem>>) src(%dma_wait3A_481 : memref<48x128xf32, #tpu.memory_space<vmem>>) dst(%dma_wait3A_491 : memref<10240x128xf32, #tpu.memory_space<vmem_shared>>)
          %add3A_494 = arith.constant 3 : i32
          %add3A_495 = arith.addi %add3A_421, %add3A_494 : i32
          %dma_start3A_496 = arith.constant 2 : i32
          %dma_start3A_497 = arith.constant 2 : i32
          %dma_start3A_498 = arith.constant 0 : i32
          %dma_start3A_499 = arith.constant 0 : i32
          %dma_start3A_500 = tpu.memref_slice %arg13[%dma_start3A_496, %dma_start3A_498, %dma_start3A_499] : memref<4x48x128xf32, #tpu.memory_space<vmem>> -> memref<1x48x128xf32, #tpu.memory_space<vmem>>
          %dma_start3A_501 = tpu.memref_squeeze %dma_start3A_500 : memref<1x48x128xf32, #tpu.memory_space<vmem>> -> memref<48x128xf32, #tpu.memory_space<vmem>>
          %dma_start3A_502 = arith.constant 0 : i32
          %dma_start3A_503 = arith.constant 0 : i32
          %dma_start3A_504 = tpu.memref_slice %arg9[%rem3A_186, %dma_start3A_502, %dma_start3A_503] : memref<2x20x48xi32, #tpu.memory_space<vmem>> -> memref<1x20x48xi32, #tpu.memory_space<vmem>>
          %dma_start3A_505 = tpu.memref_squeeze %dma_start3A_504 : memref<1x20x48xi32, #tpu.memory_space<vmem>> -> memref<20x48xi32, #tpu.memory_space<vmem>>
          %dma_start3A_506 = arith.constant 0 : i32
          %dma_start3A_507 = tpu.memref_slice %dma_start3A_505[%add3A_495, %dma_start3A_506] : memref<20x48xi32, #tpu.memory_space<vmem>> -> memref<1x48xi32, #tpu.memory_space<vmem>>
          %dma_start3A_508 = tpu.memref_squeeze %dma_start3A_507 : memref<1x48xi32, #tpu.memory_space<vmem>> -> memref<48xi32, #tpu.memory_space<vmem>>
          %dma_start3A_509 = arith.constant 0 : i32
          %dma_start3A_510 = arith.constant 0 : i32
          %dma_start3A_511 = tpu.memref_slice %arg2[%dma_start3A_509, %dma_start3A_510] : memref<10000x128xf32, #tpu.memory_space<hbm>> -> memref<10000x128xf32, #tpu.memory_space<hbm>>
          %dma_start3A_512 = tpu.memref_slice %arg15[%dma_start3A_497] : memref<4x!tpu.dma_semaphore, #tpu.memory_space<semaphore_mem>> -> memref<1x!tpu.dma_semaphore, #tpu.memory_space<semaphore_mem>>
          %dma_start3A_513 = tpu.memref_squeeze %dma_start3A_512 : memref<1x!tpu.dma_semaphore, #tpu.memory_space<semaphore_mem>> -> memref<!tpu.dma_semaphore, #tpu.memory_space<semaphore_mem>>
          tpu.enqueue_indirect_dma source(%dma_start3A_511 : memref<10000x128xf32, #tpu.memory_space<hbm>>) target(%dma_start3A_501 : memref<48x128xf32, #tpu.memory_space<vmem>>) offsets(%dma_start3A_508 : memref<48xi32, #tpu.memory_space<vmem>>) semaphore(%dma_start3A_513 : memref<!tpu.dma_semaphore, #tpu.memory_space<semaphore_mem>>)
        } else {
        }
        %eq3A_469 = arith.constant 4 : i32
        %eq3A_470 = arith.cmpi eq, %scan3A_235, %eq3A_469 : i32
        %convert_element_type3A_471 = arith.extui %eq3A_470 : i1 to i32
        %cond3A_472 = arith.constant 0 : i32
        %cond3A_473 = arith.cmpi ne, %convert_element_type3A_471, %cond3A_472 : i32
        scf.if %cond3A_473 {
          %sub3A_474 = arith.constant 1 : i32
          %sub3A_475 = arith.subi %add3A_421, %sub3A_474 : i32
          %dma_wait3A_476 = arith.constant 2 : i32
          %dma_wait3A_477 = arith.constant 2 : i32
          %dma_wait3A_478 = arith.constant 0 : i32
          %dma_wait3A_479 = arith.constant 0 : i32
          %dma_wait3A_480 = tpu.memref_slice %arg13[%dma_wait3A_476, %dma_wait3A_478, %dma_wait3A_479] : memref<4x48x128xf32, #tpu.memory_space<vmem>> -> memref<1x48x128xf32, #tpu.memory_space<vmem>>
          %dma_wait3A_481 = tpu.memref_squeeze %dma_wait3A_480 : memref<1x48x128xf32, #tpu.memory_space<vmem>> -> memref<48x128xf32, #tpu.memory_space<vmem>>
          %dma_wait3A_482 = arith.constant 0 : i32
          %dma_wait3A_483 = arith.constant 0 : i32
          %dma_wait3A_484 = tpu.memref_slice %arg10[%rem3A_186, %dma_wait3A_482, %dma_wait3A_483] : memref<2x20x48xi32, #tpu.memory_space<vmem>> -> memref<1x20x48xi32, #tpu.memory_space<vmem>>
          %dma_wait3A_485 = tpu.memref_squeeze %dma_wait3A_484 : memref<1x20x48xi32, #tpu.memory_space<vmem>> -> memref<20x48xi32, #tpu.memory_space<vmem>>
          %dma_wait3A_486 = arith.constant 0 : i32
          %dma_wait3A_487 = tpu.memref_slice %dma_wait3A_485[%sub3A_475, %dma_wait3A_486] : memref<20x48xi32, #tpu.memory_space<vmem>> -> memref<1x48xi32, #tpu.memory_space<vmem>>
          %dma_wait3A_488 = tpu.memref_squeeze %dma_wait3A_487 : memref<1x48xi32, #tpu.memory_space<vmem>> -> memref<48xi32, #tpu.memory_space<vmem>>
          %dma_wait3A_489 = arith.constant 0 : i32
          %dma_wait3A_490 = arith.constant 0 : i32
          %dma_wait3A_491 = tpu.memref_slice %arg14[%dma_wait3A_489, %dma_wait3A_490] : memref<10240x128xf32, #tpu.memory_space<vmem_shared>> -> memref<10240x128xf32, #tpu.memory_space<vmem_shared>>
          %dma_wait3A_492 = tpu.memref_slice %arg16[%dma_wait3A_477] : memref<4x!tpu.dma_semaphore, #tpu.memory_space<semaphore_mem>> -> memref<1x!tpu.dma_semaphore, #tpu.memory_space<semaphore_mem>>
          %dma_wait3A_493 = tpu.memref_squeeze %dma_wait3A_492 : memref<1x!tpu.dma_semaphore, #tpu.memory_space<semaphore_mem>> -> memref<!tpu.dma_semaphore, #tpu.memory_space<semaphore_mem>>
          tpu.wait_indirect_dma semaphore(%dma_wait3A_493 : memref<!tpu.dma_semaphore, #tpu.memory_space<semaphore_mem>>) src(%dma_wait3A_481 : memref<48x128xf32, #tpu.memory_space<vmem>>) dst(%dma_wait3A_491 : memref<10240x128xf32, #tpu.memory_space<vmem_shared>>)
          %add3A_494 = arith.constant 1 : i32
          %add3A_495 = arith.addi %scan3A_184, %add3A_494 : i32
          %lt3A_496 = arith.constant 21 : i32
          %lt3A_497 = arith.cmpi slt, %add3A_495, %lt3A_496 : i32
          %convert_element_type3A_498 = arith.extui %lt3A_497 : i1 to i32
          %cond3A_499 = arith.constant 0 : i32
          %cond3A_500 = arith.cmpi ne, %convert_element_type3A_498, %cond3A_499 : i32
          scf.if %cond3A_500 {
            %dma_start3A_501 = arith.constant 2 : i32
            %dma_start3A_502 = arith.constant 2 : i32
            %dma_start3A_503 = arith.constant 2 : i32
            %dma_start3A_504 = arith.constant 0 : i32
            %dma_start3A_505 = arith.constant 0 : i32
            %dma_start3A_506 = tpu.memref_slice %arg13[%dma_start3A_502, %dma_start3A_504, %dma_start3A_505] : memref<4x48x128xf32, #tpu.memory_space<vmem>> -> memref<1x48x128xf32, #tpu.memory_space<vmem>>
            %dma_start3A_507 = tpu.memref_squeeze %dma_start3A_506 : memref<1x48x128xf32, #tpu.memory_space<vmem>> -> memref<48x128xf32, #tpu.memory_space<vmem>>
            %dma_start3A_508 = arith.constant 0 : i32
            %dma_start3A_509 = arith.constant 0 : i32
            %dma_start3A_510 = tpu.memref_slice %arg9[%sub3A_228, %dma_start3A_508, %dma_start3A_509] : memref<2x20x48xi32, #tpu.memory_space<vmem>> -> memref<1x20x48xi32, #tpu.memory_space<vmem>>
            %dma_start3A_511 = tpu.memref_squeeze %dma_start3A_510 : memref<1x20x48xi32, #tpu.memory_space<vmem>> -> memref<20x48xi32, #tpu.memory_space<vmem>>
            %dma_start3A_512 = arith.constant 0 : i32
            %dma_start3A_513 = tpu.memref_slice %dma_start3A_511[%dma_start3A_501, %dma_start3A_512] : memref<20x48xi32, #tpu.memory_space<vmem>> -> memref<1x48xi32, #tpu.memory_space<vmem>>
            %dma_start3A_514 = tpu.memref_squeeze %dma_start3A_513 : memref<1x48xi32, #tpu.memory_space<vmem>> -> memref<48xi32, #tpu.memory_space<vmem>>
            %dma_start3A_515 = arith.constant 0 : i32
            %dma_start3A_516 = arith.constant 0 : i32
            %dma_start3A_517 = tpu.memref_slice %arg2[%dma_start3A_515, %dma_start3A_516] : memref<10000x128xf32, #tpu.memory_space<hbm>> -> memref<10000x128xf32, #tpu.memory_space<hbm>>
            %dma_start3A_518 = tpu.memref_slice %arg15[%dma_start3A_503] : memref<4x!tpu.dma_semaphore, #tpu.memory_space<semaphore_mem>> -> memref<1x!tpu.dma_semaphore, #tpu.memory_space<semaphore_mem>>
            %dma_start3A_519 = tpu.memref_squeeze %dma_start3A_518 : memref<1x!tpu.dma_semaphore, #tpu.memory_space<semaphore_mem>> -> memref<!tpu.dma_semaphore, #tpu.memory_space<semaphore_mem>>
            tpu.enqueue_indirect_dma source(%dma_start3A_517 : memref<10000x128xf32, #tpu.memory_space<hbm>>) target(%dma_start3A_507 : memref<48x128xf32, #tpu.memory_space<vmem>>) offsets(%dma_start3A_514 : memref<48xi32, #tpu.memory_space<vmem>>) semaphore(%dma_start3A_519 : memref<!tpu.dma_semaphore, #tpu.memory_space<semaphore_mem>>)
          } else {
          }
        } else {
        }
      }
      %scan3A_234 = arith.constant 5 : i32
    }
    %scan3A_162 = arith.constant 21 : i32
    %dma_wait3A_163 = arith.constant 3 : i32
    %dma_wait3A_164 = arith.constant 0 : i32
    %dma_wait3A_165 = arith.constant 19 : i32
    %dma_wait3A_166 = arith.constant 3 : i32
    %dma_wait3A_167 = arith.constant 0 : i32
    %dma_wait3A_168 = arith.constant 0 : i32
    %dma_wait3A_169 = tpu.memref_slice %arg13[%dma_wait3A_163, %dma_wait3A_167, %dma_wait3A_168] : memref<4x48x128xf32, #tpu.memory_space<vmem>> -> memref<1x48x128xf32, #tpu.memory_space<vmem>>
    %dma_wait3A_170 = tpu.memref_squeeze %dma_wait3A_169 : memref<1x48x128xf32, #tpu.memory_space<vmem>> -> memref<48x128xf32, #tpu.memory_space<vmem>>
    %dma_wait3A_171 = arith.constant 0 : i32
    %dma_wait3A_172 = arith.constant 0 : i32
    %dma_wait3A_173 = tpu.memref_slice %arg10[%dma_wait3A_164, %dma_wait3A_171, %dma_wait3A_172] : memref<2x20x48xi32, #tpu.memory_space<vmem>> -> memref<1x20x48xi32, #tpu.memory_space<vmem>>
    %dma_wait3A_174 = tpu.memref_squeeze %dma_wait3A_173 : memref<1x20x48xi32, #tpu.memory_space<vmem>> -> memref<20x48xi32, #tpu.memory_space<vmem>>
    %dma_wait3A_175 = arith.constant 0 : i32
    %dma_wait3A_176 = tpu.memref_slice %dma_wait3A_174[%dma_wait3A_165, %dma_wait3A_175] : memref<20x48xi32, #tpu.memory_space<vmem>> -> memref<1x48xi32, #tpu.memory_space<vmem>>
    %dma_wait3A_177 = tpu.memref_squeeze %dma_wait3A_176 : memref<1x48xi32, #tpu.memory_space<vmem>> -> memref<48xi32, #tpu.memory_space<vmem>>
    %dma_wait3A_178 = arith.constant 0 : i32
    %dma_wait3A_179 = arith.constant 0 : i32
    %dma_wait3A_180 = tpu.memref_slice %arg14[%dma_wait3A_178, %dma_wait3A_179] : memref<10240x128xf32, #tpu.memory_space<vmem_shared>> -> memref<10240x128xf32, #tpu.memory_space<vmem_shared>>
    %dma_wait3A_181 = tpu.memref_slice %arg16[%dma_wait3A_166] : memref<4x!tpu.dma_semaphore, #tpu.memory_space<semaphore_mem>> -> memref<1x!tpu.dma_semaphore, #tpu.memory_space<semaphore_mem>>
    %dma_wait3A_182 = tpu.memref_squeeze %dma_wait3A_181 : memref<1x!tpu.dma_semaphore, #tpu.memory_space<semaphore_mem>> -> memref<!tpu.dma_semaphore, #tpu.memory_space<semaphore_mem>>
    tpu.wait_indirect_dma semaphore(%dma_wait3A_182 : memref<!tpu.dma_semaphore, #tpu.memory_space<semaphore_mem>>) src(%dma_wait3A_170 : memref<48x128xf32, #tpu.memory_space<vmem>>) dst(%dma_wait3A_180 : memref<10240x128xf32, #tpu.memory_space<vmem_shared>>)
    %barrier3A_183 = arith.constant 0 : index
    tpu.barrier barrier_id(%barrier3A_183)
    "tpu.region"() ({
      %run_scoped3A = tpu.sem_alloc : memref<!tpu.dma_semaphore, #tpu.memory_space<semaphore_mem>>
      %dma_start3A_184 = arith.constant 0 : i32
      %dma_start3A_185 = tpu.memref_slice %arg8[%arg0, %mul3A_0, %dma_start3A_184] : memref<2x10240x128xf32, #tpu.memory_space<hbm>> -> memref<1x640x128xf32, #tpu.memory_space<hbm>>
      %dma_start3A_186 = tpu.memref_squeeze %dma_start3A_185 : memref<1x640x128xf32, #tpu.memory_space<hbm>> -> memref<640x128xf32, #tpu.memory_space<hbm>>
      %dma_start3A_187 = arith.constant 0 : i32
      %dma_start3A_188 = tpu.memref_slice %arg14[%mul3A_0, %dma_start3A_187] : memref<10240x128xf32, #tpu.memory_space<vmem_shared>> -> memref<640x128xf32, #tpu.memory_space<vmem_shared>>
      tpu.enqueue_dma source(%dma_start3A_188 : memref<640x128xf32, #tpu.memory_space<vmem_shared>>) target(%dma_start3A_186 : memref<640x128xf32, #tpu.memory_space<hbm>>) target_semaphore(%run_scoped3A : memref<!tpu.dma_semaphore, #tpu.memory_space<semaphore_mem>>)
      %dma_wait3A_189 = arith.constant 0 : i32
      %dma_wait3A_190 = tpu.memref_slice %arg8[%arg0, %mul3A_0, %dma_wait3A_189] : memref<2x10240x128xf32, #tpu.memory_space<hbm>> -> memref<1x640x128xf32, #tpu.memory_space<hbm>>
      %dma_wait3A_191 = tpu.memref_squeeze %dma_wait3A_190 : memref<1x640x128xf32, #tpu.memory_space<hbm>> -> memref<640x128xf32, #tpu.memory_space<hbm>>
      %dma_wait3A_192 = arith.constant 0 : i32
      %dma_wait3A_193 = tpu.memref_slice %arg14[%mul3A_0, %dma_wait3A_192] : memref<10240x128xf32, #tpu.memory_space<vmem_shared>> -> memref<640x128xf32, #tpu.memory_space<vmem_shared>>
      tpu.wait_dma2 semaphore(%run_scoped3A : memref<!tpu.dma_semaphore, #tpu.memory_space<semaphore_mem>>) src(%dma_wait3A_193 : memref<640x128xf32, #tpu.memory_space<vmem_shared>>) dst(%dma_wait3A_191 : memref<640x128xf32, #tpu.memory_space<hbm>>)
      tpu.yield
    }) : () -> ()
    return
  }
}

module attributes {stable_mosaic.version = 14 : i64} {
  func.func @_mm_body(%arg0: i32, %arg1: memref<2x400x128xf32, #tpu.memory_space<vmem>>, %arg2: memref<2x128x128xf32, #tpu.memory_space<vmem>>, %arg3: memref<400x128xf32, #tpu.memory_space<vmem>>) attributes {dimension_semantics = [#tpu.dimension_semantics<arbitrary>], iteration_bounds = array<i64: 25>, scalar_prefetch = 0 : i64, scratch_operands = 0 : i64, tpu.core_type = #tpu.core_type<tc>, window_params = [{transform_indices = @transform_0, window_bounds = array<i64: 2, 400, 128>}, {pipeline_mode = #tpu.pipeline_mode<synchronous>, transform_indices = @transform_1, window_bounds = array<i64: 2, 128, 128>}, {transform_indices = @transform_2, window_bounds = array<i64: 400, 128>}]} {
    %get3A = arith.constant 0 : index
    %get3A_0 = arith.constant 0 : index
    %get3A_1 = arith.constant 0 : index
    %get3A_2 = vector.load %arg1[%get3A, %get3A_0, %get3A_1] : memref<2x400x128xf32, #tpu.memory_space<vmem>>, vector<1x400x128xf32>
    %get3A_3 = vector.shape_cast %get3A_2 : vector<1x400x128xf32> to vector<400x128xf32>
    %get3A_4 = arith.constant 0 : index
    %get3A_5 = arith.constant 0 : index
    %get3A_6 = arith.constant 0 : index
    %get3A_7 = vector.load %arg2[%get3A_4, %get3A_5, %get3A_6] : memref<2x128x128xf32, #tpu.memory_space<vmem>>, vector<1x128x128xf32>
    %get3A_8 = vector.shape_cast %get3A_7 : vector<1x128x128xf32> to vector<128x128xf32>
    %dot_general3A = arith.constant dense<0.000000e+00> : vector<400x128xf32>
    %dot_general3A_9 = tpu.matmul %get3A_3, %get3A_8, %dot_general3A {dimension_numbers = #tpu.dot_dimension_numbers<[1], [0], [0], [1], [0, 0, 1, 1], [], []>, transpose_lhs_hint = false} : vector<400x128xf32>, vector<128x128xf32>, vector<400x128xf32> -> vector<400x128xf32>
    %get3A_10 = arith.constant 1 : index
    %get3A_11 = arith.constant 0 : index
    %get3A_12 = arith.constant 0 : index
    %get3A_13 = vector.load %arg1[%get3A_10, %get3A_11, %get3A_12] : memref<2x400x128xf32, #tpu.memory_space<vmem>>, vector<1x400x128xf32>
    %get3A_14 = vector.shape_cast %get3A_13 : vector<1x400x128xf32> to vector<400x128xf32>
    %get3A_15 = arith.constant 1 : index
    %get3A_16 = arith.constant 0 : index
    %get3A_17 = arith.constant 0 : index
    %get3A_18 = vector.load %arg2[%get3A_15, %get3A_16, %get3A_17] : memref<2x128x128xf32, #tpu.memory_space<vmem>>, vector<1x128x128xf32>
    %get3A_19 = vector.shape_cast %get3A_18 : vector<1x128x128xf32> to vector<128x128xf32>
    %dot_general3A_20 = arith.constant dense<0.000000e+00> : vector<400x128xf32>
    %dot_general3A_21 = tpu.matmul %get3A_14, %get3A_19, %dot_general3A_20 {dimension_numbers = #tpu.dot_dimension_numbers<[1], [0], [0], [1], [0, 0, 1, 1], [], []>, transpose_lhs_hint = false} : vector<400x128xf32>, vector<128x128xf32>, vector<400x128xf32> -> vector<400x128xf32>
    %add3A = arith.addf %dot_general3A_9, %dot_general3A_21 : vector<400x128xf32>
    %swap3A = arith.constant 0 : index
    %swap3A_22 = arith.constant 0 : index
    %swap3A_23 = vector.load %arg3[%swap3A, %swap3A_22] : memref<400x128xf32, #tpu.memory_space<vmem>>, vector<400x128xf32>
    tpu.vector_store %arg3[%swap3A, %swap3A_22], %add3A {strides = array<i32>} : memref<400x128xf32, #tpu.memory_space<vmem>>, vector<400x128xf32>,
    return
  }
  func.func @transform_0(%arg0: i32) -> (i32, i32, i32) {
    %c0_i32 = arith.constant 0 : i32
    %c0_i32_0 = arith.constant 0 : i32
    %c0_i32_1 = arith.constant 0 : i32
    return %c0_i32, %arg0, %c0_i32_0 : i32, i32, i32
  }
  func.func @transform_1(%arg0: i32) -> (i32, i32, i32) {
    %c0_i32 = arith.constant 0 : i32
    %c0_i32_0 = arith.constant 0 : i32
    %c0_i32_1 = arith.constant 0 : i32
    %c0_i32_2 = arith.constant 0 : i32
    return %c0_i32, %c0_i32_0, %c0_i32_1 : i32, i32, i32
  }
  func.func @transform_2(%arg0: i32) -> (i32, i32) {
    %c0_i32 = arith.constant 0 : i32
    %c0_i32_0 = arith.constant 0 : i32
    return %arg0, %c0_i32 : i32, i32
  }
}

</mosaic_0001>

<sc_bundles>
// kernel: kernel.4.cloned.1.call-start
scs
__scs_entry_jumppad:
0x0: {  	(pc) =	sbr.rel $0x88, $3  }
0x1: {  	(tag) =	ssettag $0x0;
	lr =	simm.s32 $0x1  }
0x2: {  	[smem:$0x3F9C] =	sst lr;
	_ =	strace $0xD0000000  }
0x3: {  	_ = 	snop  }
0x4: {  	_ = 	snop  }
0x5: {  	_ = 	snop  }
0x6: {  	_ = 	snop  }
0x7: {  	_ = 	snop  }
__scs_overlays_trampoline_lowered:
0x8: {  	[smem:$0x3FAB] =	sst s0  }
0x9: {  	[smem:$0x3FAC] =	sst s1  }
0xa: {  	[smem:$0x3FAD] =	sst s2  }
0xb: {  	[smem:$0x3FAE] =	sst s3  }
0xc: {  	[smem:$0x3FAF] =	sst s4  }
0xd: {  	[smem:$0x3FB0] =	sst s5  }
0xe: {  	[smem:$0x3FB1] =	sst s6  }
0xf: {  	[smem:$0x3FB2] =	sst s7  }
0x10: {  	[smem:$0x3FB3] =	sst s8  }
0x11: {  	[smem:$0x3FB4] =	sst s9;
	s0 =	simm.s32 @!p0 $0x0  }
0x12: {  	s1 =	sld [smem:$0x3F9A];
	s0 =	simm.s32 @p0 $0x1  }
0x13: {  	[smem:$0x3FB5] =	sst s0;
	s0 =	simm.s32 @!p1 $0x0  }
0x14: {  	s2 =	sld [smem:$0x3F99];
	s0 =	simm.s32 @p1 $0x1  }
0x15: {  	[smem:$0x3FB6] =	sst s0;
	s0 =	simm.s32 @!p2 $0x0  }
0x16: {  	s3 =	sld [smem:$0x3FDB];
	s0 =	simm.s32 @p2 $0x1  }
0x17: {  	s4 =	simm.s32 $0x1BF5;
	[smem:$0x3FB8] =	sst s0  }
0x18: {  	s0 =	sld [smem:$0x3F9B];
	_ =	swait.ge [sflag:s4], $0x0  }
0x19: {  	s7 =	sld [smem:$0x3F9C]  }
0x1a: {  	s8 =	sadd.s32 $0xFFFFE003, lr  }
0x1b: {  	s9 =	sadd.s32 $0xFFFFFEF7, lr;
	s5 =	simm.s32 $0xFFFFFFFF;
	p2 =	slt.u32 s8, $0xFFFFF086  }
0x1c: {  	p1 =	slt.u32 s9, $0xF7A;
	s5 =	simm.s32 @!p2 $0x0  }
0x1d: {  	s5 =	simm.s32 @p1 $0x1;
	p0 =	seq.s32 s7, s2  }
0x1e: {  	s7 =	smul.u32 @!p0 $0xF7A, s2;
	p2 =	seq.s32 @!p0 s5, $0x0  }
0x1f: {  	s9 =	smul.u32 $0xF7A, s1;
	s8 =	simm.s32 @!p0 $0x1BF5;
	p2 =	por !p2, p0  }
0x20: {  	[sflag:s8] =	ssyncset.s32 @!p0 $0xFFFFF086;
	s6 =	sadd.s32 @!p0 s3, s7;
	s7 =	simm.s32 @!p0 $0x108  }
0x21: {  	s3 =	sadd.s32 s3, s9;
	s6 =	sadd.s32 @!p0 $0x88, s6;
	s7 =	simm.s32 @p2 $0x1082  }
0x22: {  	[simem:s7], [sflag:s8] =	dma.local @!p0 [hbm:s6], $0xF7A  }
0x23: {  	s9 =	sor.u32 $0xD0000000, s2;
	s6 =	simm.s32 $0x108;
	_ =	swait.ge @!p0 [sflag:s8], $0x0  }
0x24: {  	s3 =	sadd.s32 $0x88, s3;
	s6 =	simm.s32 @!p1 $0x1082;
	[sflag:s4] =	ssyncset.s32 $0xFFFFF086  }
0x25: {  	[simem:s6], [sflag:s4] =	dma.local [hbm:s3], $0xF7A  }
0x26: {  	[smem:$0x3F9C] =	sst s1;
	(tag) =	ssettag s2;
	_ =	strace s9  }
0x27: {  	s1 =	sld [smem:$0x3FAC]  }
0x28: {  	s2 =	sld [smem:$0x3FAD]  }
0x29: {  	s4 =	sld [smem:$0x3FAF]  }
0x2a: {  	p0 =	seq.s32 s5, $0x0;
	s5 =	sld [smem:$0x3FB0]  }
0x2b: {  	s6 =	sld [smem:$0x3FB1]  }
0x2c: {  	s7 =	sld [smem:$0x3FB2]  }
0x2d: {  	s3 =	simm.s32 $0x108;
	s8 =	sld [smem:$0x3FB3]  }
0x2e: {  	s3 =	simm.s32 @!p0 $0x1082;
	s9 =	sld [smem:$0x3FB4]  }
0x2f: {  	lr =	sadd.s32 s0, s3;
	s0 =	sld [smem:$0x3FAB]  }
0x30: {  	s3 =	sld [smem:$0x3FAE]  }
0x31: {  	[smem:$0x3FB7] =	sst s10  }
0x32: {  	s10 =	sld [smem:$0x3FB5];
	_ =	sdelay $0x3  }
0x33: {  	p0 =	seq.s32 s10, $0x1;
	s10 =	sld [smem:$0x3FB7];
	_ =	sdelay $0x3  }
0x34: {  	[smem:$0x3FB7] =	sst s10  }
0x35: {  	s10 =	sld [smem:$0x3FB6];
	_ =	sdelay $0x3  }
0x36: {  	p1 =	seq.s32 s10, $0x1;
	s10 =	sld [smem:$0x3FB7];
	_ =	sdelay $0x3  }
0x37: {  	[smem:$0x3FB7] =	sst s10  }
0x38: {  	s10 =	sld [smem:$0x3FB8]  }
0x39: {  	_ = 	snop;
	(pc) =	sbr.ind lr, $3  }
0x3a: {  	_ = 	snop  }
0x3b: {  	_ = 	snop  }
0x3c: {  	p2 =	seq.s32 s10, $0x1;
	s10 =	sld [smem:$0x3FB7]  }
0x3d: {  	_ =	shalt  }
0x3e: {  	_ =	shalt  }
0x3f: {  	_ =	shalt  }
0x40: {  	_ =	shalt  }
0x41: {  	_ =	shalt  }
0x42: {  	_ =	shalt  }
0x43: {  	_ =	shalt  }
0x44: {  	_ =	shalt  }
0x45: {  	_ =	shalt  }
0x46: {  	_ =	shalt  }
0x47: {  	_ =	shalt  }
0x48: {  	_ =	shalt  }
0x49: {  	_ =	shalt  }
0x4a: {  	_ =	shalt  }
0x4b: {  	_ =	shalt  }
0x4c: {  	_ =	shalt  }
0x4d: {  	_ =	shalt  }
0x4e: {  	_ =	shalt  }
0x4f: {  	_ =	shalt  }
0x50: {  	_ =	shalt  }
0x51: {  	_ =	shalt  }
0x52: {  	_ =	shalt  }
0x53: {  	_ =	shalt  }
0x54: {  	_ =	shalt  }
0x55: {  	_ =	shalt  }
0x56: {  	_ =	shalt  }
0x57: {  	_ =	shalt  }
0x58: {  	_ =	shalt  }
0x59: {  	_ =	shalt  }
0x5a: {  	_ =	shalt  }
0x5b: {  	_ =	shalt  }
0x5c: {  	_ =	shalt  }
0x5d: {  	_ =	shalt  }
0x5e: {  	_ =	shalt  }
0x5f: {  	_ =	shalt  }
0x60: {  	_ =	shalt  }
0x61: {  	_ =	shalt  }
0x62: {  	_ =	shalt  }
0x63: {  	_ =	shalt  }
0x64: {  	_ =	shalt  }
0x65: {  	_ =	shalt  }
0x66: {  	_ =	shalt  }
0x67: {  	_ =	shalt  }
0x68: {  	_ =	shalt  }
0x69: {  	_ =	shalt  }
0x6a: {  	_ =	shalt  }
0x6b: {  	_ =	shalt  }
0x6c: {  	_ =	shalt  }
0x6d: {  	_ =	shalt  }
0x6e: {  	_ =	shalt  }
0x6f: {  	_ =	shalt  }
0x70: {  	_ =	shalt  }
0x71: {  	_ =	shalt  }
0x72: {  	_ =	shalt  }
0x73: {  	_ =	shalt  }
0x74: {  	_ =	shalt  }
0x75: {  	_ =	shalt  }
0x76: {  	_ =	shalt  }
0x77: {  	_ =	shalt  }
0x78: {  	_ =	shalt  }
0x79: {  	_ =	shalt  }
0x7a: {  	_ =	shalt  }
0x7b: {  	_ =	shalt  }
0x7c: {  	_ =	shalt  }
0x7d: {  	_ =	shalt  }
0x7e: {  	_ =	shalt  }
0x7f: {  	_ =	shalt  }
0x80: {  	_ =	shalt  }
0x81: {  	_ =	shalt  }
0x82: {  	_ =	shalt  }
0x83: {  	_ =	shalt  }
0x84: {  	_ =	shalt  }
0x85: {  	_ =	shalt  }
0x86: {  	_ =	shalt  }
0x87: {  	_ =	shalt  }
.Lfunc_end0:
.L_simem_size_0:
called_computation_lowered:
.L_overlay_start_0:
0x88: {  	s2 =	sld [smem:$0x3FD9]  }
0x89: {  	s3 =	sld [smem:$0x3FFE];
	_ =	sdelay $0x1  }
0x8a: {  	s1 =	srdreg.scid  }
0x8b: {  	s0 =	sand.u32 $0x1, s1  }
0x8c: {  	s17 =	sshll.u32 s0, $0xA;
	s2 =	sadd.s32 s3, s2  }
0x8d: {  	s2 =	sadd.s32 s2, s17  }
0x8e: {  	[smem:$0x3FC3] =	sst s2  }
0x8f: {  	_ = 	snop  }
0x90: {  	s2 =	sld [smem:$0x3FC9]  }
0x91: {  	s18 =	sld [smem:$0x3FD0];
	(tm) =	ssettm $0x1  }
0x92: {  	s4 =	sld [smem:$0x3FFB];
	_ =	sdelay $0x3  }
0x93: {  	_ =	strace s4  }
0x94: {  	s4 =	sld [smem:$0x3FFC];
	_ =	sdelay $0x3  }
0x95: {  	_ =	strace s4  }
0x96: {  	s4 =	sld [smem:$0x3FFD];
	_ =	sdelay $0x3  }
0x97: {  	_ =	strace s4  }
0x98: {  	_ =	strace $0x8FFFFFFF  }
0x99: {  	s19 =	sld [smem:$0x3FDB];
	_ =	sdelay $0x1  }
0x9a: {  	s5 =	simm.s32 $_scs_section_size  }
0x9b: {  	s6 =	simm.s32 $_size__tile_overlayer_lowered;
	s7 =	simm.s32 $_tile_overlayer_lowered  }
0x9c: {  	s22 =	simm.s32 $0x1BFF;
	s21 =	sshll.u32 s7, $0x1;
	s4 =	sadd.s32 s5, s19  }
0x9d: {  	s8 =	simm.s32 $0x0;
	s20 =	sshll.u32 s6, $0x1;
	s6 =	sadd.s32 s21, s4  }
0x9e: {  	[timem:s8], [sflag:s22] =	dma.local [hbm:s6], s20  }
0x9f: {  	_ =	swait.ge [sflag:s22], s20  }
0xa0: {  	s5 =	ssub.s32 $0x0, s20;
	[sflag:s22] =	ssyncset.done $0x0  }
0xa1: {  	[sflag:s22] =	ssyncadd.s32 s5;
	_ =	sdelay $0x1  }
0xa2: {  	s23 =	simm.s32 $0x1B8B  }
0xa3: {  	_ =	swait.ge [sflag:s23], $0x1  }
0xa4: {  	[sflag:s23] =	ssyncset.done $0x0  }
0xa5: {  	s25 =	simm.s32 $0x1B8E;
	s24 =	sld [smem:$0x3FFE];
	[sflag:s23] =	ssyncadd.s32 $0xFFFFFFFF  }
0xa6: {  	s26 =	simm.s32 $execute0_lowered;
	[smem:$0x3FD2] =	sst s25  }
0xa7: {  	s6 =	sshll.u32 s26, $0x1;
	_ =	strace $0x80000046;
	[dreg:$0x1] =	wrdreg $0xFFFFFFFF  }
0xa8: {  	s28 =	simm.s32 $_size_execute0_lowered;
	s4 =	sadd.s32 s4, s6;
	[dreg:$0x0] =	wrdreg $0x0  }
0xa9: {  	s6 =	sshll.u32 s28, $0x1;
	[dreg:$0x2] =	wrdreg s4  }
0xaa: {  	[dreg:$0x3] =	wrdreg s6  }
0xab: {  	[dreg:$0x4] =	wrdreg $0xC0  }
0xac: {  	_ =	task [dreg:s8], $0x5FFFF  }
0xad: {  	[dreg:$0x1] =	wrdreg $0xFFFFFFFF  }
0xae: {  	[dreg:$0x0] =	wrdreg $0x60  }
0xaf: {  	[dreg:$0x2] =	wrdreg s2  }
0xb0: {  	[dreg:$0x3] =	wrdreg s18  }
0xb1: {  	[dreg:$0x4] =	wrdreg s24  }
0xb2: {  	[dreg:$0x5] =	wrdreg $0xA4800  }
0xb3: {  	[dreg:$0x6] =	wrdreg $0x9  }
0xb4: {  	_ =	task.clear_ibuf [dreg:s8], $0x7FFFF;
	_ =	strace $0x90000046  }
0xb5: {  	s29 =	simm.s32 $0x9;
	_ =	strace $0x80000048  }
0xb6: {  	_ =	swait.ge [sflag:s29], $0x1  }
0xb7: {  	[sflag:s29] =	ssyncadd.s32 $0xFFFFFFFF  }
0xb8: {  	_ =	strace $0x90000048  }
0xb9: {  	_ =	sfence  }
0xba: {  	s30 =	sld [smem:$0x0];
	_ =	sdelay $0x2  }
0xbb: {  	s31 =	sshll.u32 s1, $0xD;
	s1 =	sshrl.u32 s1, $0x2  }
0xbc: {  	s3 =	sand.u32 $0x4000, s31;
	s1 =	sadd.s32 s1, s30  }
0xbd: {  	s0 =	sor.u32 s3, s0;
	s1 =	sshll.u32 s1, $0x11  }
0xbe: {  	s0 =	sor.u32 s1, s0  }
0xbf: {  	s0 =	sadd.s32 $0x8F2B, s0  }
0xc0: {  	[sflag:s0] =	ssyncadd.remote.s32 $0x1  }
0xc1: {  	_ =	sfence.sel $0xFFFF  }
0xc2: {  	[dreg:$0x0] =	wrdreg $0xFFFFFFFF;
	(pc) =	sbr.abs _section_cstart, $3  }
0xc3: {  	[dreg:$0x1] =	wrdreg $0xFFFFFFFF  }
0xc4: {  	_ =	task.clear_ibuf [dreg:s8], $0x2FFFF;
	_ =	strace $0x9FFFFFFF  }
0xc5: {  	(tm) =	ssettm $0x7FFFFFFF  }
tec
execute0_lowered:
.L_overlay_start_1:
0x0: {  	(tag) =	ssettag $0x1  }
0x1: {  	s1 =	rddreg [dreg:$0x0]  }
0x2: {  	s10 =	rddreg [dreg:$0x1]  }
0x3: {  	s0 =	rddreg [dreg:$0x2]  }
0x4: {  	s4 =	rddreg [dreg:$0x3]  }
0x5: {  	s9 =	stileid.u32;
	s2 =	srdreg.scid  }
0x6: {  	s5 =	simm.s32 $0x0;
	s23 =	simm.s32 $0x30;
	s28 =	simm.s32 $0x7480  }
0x7: {  	s31 =	simm.s32 $0x1;
	s3 =	smul.u32 $0x14000, s9;
	s2 =	sand.u32 $0x1, s2  }
0x8: {  	[smem:$0x7FF] =	sst s5;
	s11 =	sadd.s32 $0x1000, s0;
	s12 =	sadd.s32 $0x20800, s0  }
0x9: {  	s6 =	sadd.s32 $0xE00, s0;
	s7 =	smul.u32 $0x50000, s9;
	s8 =	sshrl.u32 s9, $0x1  }
0xa: {  	s13 =	smul.u32 $0xFC00, s9;
	s30 =	sshll.u32 s9, $0x6;
	s5 =	simm.s32 $0x0  }
0xb: {  	s16 =	smul.u32 $0x140000, s2;
	_ =	strace $0x80000047;
	[dreg:$0x7] =	wrdreg s6  }
0xc: {  	s18 =	ssub.s32 $0x2, s2;
	s21 =	sand.u32 $0x6, s8;
	[dreg:$0x5] =	wrdreg s11  }
0xd: {  	[dreg:$0x6] =	wrdreg s12;
	s9 =	sor.u32 $0x1C0C, s30;
	s8 =	simm.s32 $0x4  }
0xe: {  	s17 =	sshrl.u32 s3, $0x3;
	s19 =	sshrl.u32 s18, $0x1;
	s7 =	sshrl.u32 s7, $0x2  }
0xf: {  	s22 =	sor.u32 s2, s21;
	[dreg:$0x8] =	wrdreg s13;
	s24 =	sshrl.u32 s13, $0x3  }
0x10: {  	s21 =	simm.s32 $0x3000;
	[dreg:$0xf] =	wrdreg s9;
	s3 =	sadd.s32 s3, s16  }
0x11: {  	s6 =	sadd.s32 s17, s0;
	s20 =	sadd.s32 s7, s4;
	s25 =	sadd.s32 s10, s24  }
0x12: {  	s26 =	sadd.s32 s11, s24;
	s2 =	sadd.s32 s12, s24;
	s7 =	simm.s32 $0xC  }
0x13: {  	s24 =	simm.s32 $0x4480;
	s16 =	simm.s32 $0x6;
	[dreg:$0xa] =	wrdreg s25  }
0x14: {  	s10 =	simm.s32 $0x7;
	s17 =	simm.s32 $0x0;
	[dreg:$0xb] =	wrdreg s26  }
0x15: {  	s3 =	sshrl.u32 s3, $0x3;
	s6 =	sadd.s32 $0x40000, s6;
	[dreg:$0xc] =	wrdreg s2  }
.Ltmp0:
0x16: {  	s11 =	sshrl.u32 s20, $0x3;
	s26 =	simm.s32 $0x5C80;
	(pc) =	sbr.rel .LBB2_1-.Ltmp0, $4  }
0x17: {  	s2 =	simm.s32 $0x2;
	s0 =	sadd.s32 s3, s0;
	[dreg:$0x9] =	wrdreg s6  }
0x18: {  	s3 =	ssub.s32 s18, s19;
	[dreg:$0x10] =	wrdreg s11;
	s0 =	sadd.s32 $0x68000, s0  }
0x19: {  	s20 =	simm.s32 $0x5;
	s29 =	smax.u32 s3, $0x1;
	[dreg:$0xd] =	wrdreg s0  }
0x1a: {  	v0 =	vmov s22;
	s25 =	simm.s32 $0x3;
	[dreg:$0xe] =	wrdreg s29;
	s0 =	simm.s32 $0x8C80  }
.LBB2_22:
0x1b: {  	s3 =	simm.s32 $0x8  }
0x1c: {  	_ =	swait.ge [sflag:s3], $0x1800  }
0x1d: {  	[sflag:s3] =	ssyncset.done $0x0  }
0x1e: {  	[sflag:s3] =	ssyncadd.s32 $0xFFFFE800  }
0x1f: {  	[bflag:$0x0] =	sbarrier.arrive $0xFFFF  }
0x20: {  	s29 =	rddreg [dreg:$0xd]  }
0x21: {  	s9 =	rddreg [dreg:$0xf]  }
0x22: {  	s7 =	simm.s32 $0xC;
	s11 =	rddreg [dreg:$0x10]  }
0x23: {  	[hbm:s29], [sflag:s9] =	dma.local [spmem:s11], $0x2800  }
0x24: {  	_ =	swait.ge [sflag:s7], $0x2800  }
0x25: {  	s5 =	rddreg [dreg:$0x11]  }
0x26: {  	s30 =	rddreg [dreg:$0xe];
	s5 =	sadd.s32 $0x1, s5  }
0x27: {  	p0 =	sne.s32 s5, s30  }
.Ltmp1:
0x28: {  	_ = 	snop;
	(pc) =	sbr.rel @!p0 .LBB2_23-.Ltmp1, $3  }
0x29: {  	_ =	sdelay $0x1  }
0x2a: {  	[sflag:s7] =	ssyncset.done $0x0  }
0x2b: {  	[sflag:s7] =	ssyncadd.s32 $0xFFFFD800  }
.LBB2_1:
0x2c: {  	[dreg:$0x11] =	wrdreg s5  }
0x2d: {  	s3 =	simm.s32 $0x0;
	s12 =	rddreg [dreg:$0x7];
	s6 =	simm.s32 $0x4400  }
0x2e: {  	[tilespmem:s6], [sflag:$0xC] =	stream.linear.gather [hbm4b:s12+s3], $0x80, $0x38;
	[tilespmem:$0x1E480] =	vst v63  }
0x2f: {  	_ =	swait.ge [sflag:s7], $0x80  }
0x30: {  	[sflag:s7] =	ssyncset.done $0x0  }
0x31: {  	s13 =	rddreg [dreg:$0x9];
	[sflag:s7] =	ssyncadd.s32 $0xFFFFFF80  }
0x32: {  	[spmem:s11], [sflag:s9] =	dma.local [hbm:s13], $0x2800  }
0x33: {  	_ =	swait.ge [sflag:s7], $0x2800  }
0x34: {  	[sflag:s7] =	ssyncset.done $0x0  }
0x35: {  	[sflag:s7] =	ssyncadd.s32 $0xFFFFD800  }
0x36: {  	v1 =	vld.idx.msk [tilespmem:v0+s6+$0x0], $0xffff;
	[bflag:$0x0] =	sbarrier.arrive $0xFFFF  }
0x37: {  	s14 =	rddreg [dreg:$0xa]  }
0x38: {  	[tilespmem:s3], [sflag:$0x9] =	stream.linear.gather [hbm4b:s14+s3], $0xA00, $0x38;
	[tilespmem:$0x1E480] =	vst v63  }
0x39: {  	s18 =	simm.s32 $0x1800;
	s15 =	rddreg [dreg:$0xb]  }
0x3a: {  	[tilespmem:s18], [sflag:$0xA] =	stream.linear.gather [hbm4b:s15+s3], $0xA00, $0x38;
	[tilespmem:$0x1E480] =	vst v63  }
0x3b: {  	s22 =	simm.s32 $0x9;
	s19 =	rddreg [dreg:$0xc]  }
0x3c: {  	[tilespmem:s21], [sflag:$0xB] =	stream.linear.gather [hbm4b:s19+s3], $0xA00, $0x38;
	[tilespmem:$0x1E480] =	vst v63  }
0x3d: {  	_ =	swait.ge [sflag:s22], $0xA00  }
.Ltmp2:
0x3e: {  	[sflag:s22] =	ssyncset.done $0x0;
	(pc) =	sbr.rel .LBB2_2-.Ltmp2, $4  }
0x3f: {  	s30 =	simm.s32 $0x0;
	[sflag:s22] =	ssyncadd.s32 $0xFFFFF600  }
0x40: {  	[tilespmem:s24], [sflag:$0x1] =	stream.indirect.gather [hbm4b:s1+s23], $0x80, s3, s23, $0xb8;
	[tilespmem:$0x1E480] =	vst v63  }
0x41: {  	s29 =	simm.s32 $0x80;
	s13 =	simm.s32 $0x0;
	[dreg:$0x13] =	wrdreg s30  }
0x42: {  	[tilespmem:s26], [sflag:$0x2] =	stream.indirect.gather [hbm4b:s1+s23], $0x80, s29, s23, $0xb8;
	[tilespmem:$0x1E480] =	vst v63  }
.LBB2_21:
.Ltmp3:
0x43: {  	(pc) =	sbr.rel @p0 .LBB2_22-.Ltmp3, $2  }
0x44: {  	_ =	sdelay $0x2  }
0x45: {  	s13 =	rddreg [dreg:$0x12]  }
.LBB2_2:
0x46: {  	s3 =	rddreg [dreg:$0x13]  }
0x47: {  	s6 =	simm.s32 $0xA;
	s3 =	sadd.s32 $0x100, s3  }
0x48: {  	[tilespmem:s28], [sflag:$0x3] =	stream.indirect.gather [hbm4b:s1+s23], $0x80, s3, s23, $0xb8;
	[tilespmem:$0x1E480] =	vst v63  }
0x49: {  	p0 =	seq.s32 s13, $0x14;
	_ =	swait.ge [sflag:s6], $0xA00  }
0x4a: {  	s5 =	sand.u32 $0x1, s13;
	s3 =	sadd.s32 $0x1, s13;
	[sflag:s6] =	ssyncset.done $0x0  }
0x4b: {  	s9 =	simm.s32 $0xB;
	[dreg:$0x12] =	wrdreg s3;
	[sflag:s6] =	ssyncadd.s32 $0xFFFFF600  }
0x4c: {  	s3 =	smul.u32 @!p0 $0xC00, s3;
	s6 =	sxor.u32 @!p0 $0x1, s5;
	_ =	swait.ge [sflag:s9], $0xA00  }
0x4d: {  	s12 =	smul.u32 @!p0 $0x2800, s6;
	s7 =	rddreg [dreg:$0x8]  }
0x4e: {  	[sflag:s9] =	ssyncset.done $0x0;
	s3 =	sadd.s32 @!p0 s7, s3;
	s7 =	smul.u32 @!p0 $0xC00, s6  }
0x4f: {  	s11 =	simm.s32 @!p0 $0x0;
	[sflag:s9] =	ssyncadd.s32 $0xFFFFF600;
	s6 =	smul.u32 @!p0 $0x3000, s6  }
0x50: {  	s15 =	smul.u32 $0xC00, s5;
	s3 =	sshrl.u32 @!p0 s3, $0x3;
	s9 =	rddreg [dreg:$0x1]  }
0x51: {  	s19 =	smul.u32 $0x14, s5;
	s9 =	sadd.s32 @!p0 s9, s3;
	s6 =	simm.s32 @p0 $0x3000  }
0x52: {  	[tilespmem:s7], [sflag:$0x9] =	stream.linear.gather @!p0 [hbm4b:s9+s11], $0xA00, $0x38;
	[tilespmem:$0x1E480] =	vst v63  }
0x53: {  	s18 =	sadd.s32 $0x1800, s15;
	s9 =	rddreg [dreg:$0x5];
	s30 =	sshrl.u32 s6, $0x2  }
0x54: {  	s7 =	sadd.s32 @!p0 $0x1800, s7;
	s9 =	sadd.s32 @!p0 s9, s3;
	[dreg:$0x13] =	wrdreg s30  }
0x55: {  	[tilespmem:s7], [sflag:$0xA] =	stream.linear.gather @!p0 [hbm4b:s9+s11], $0xA00, $0x38;
	[tilespmem:$0x1E480] =	vst v63  }
0x56: {  	s5 =	sadd.s32 $0x80, s30;
	s7 =	sshrl.u32 @!p0 s12, $0x2;
	s9 =	rddreg [dreg:$0x6]  }
0x57: {  	s12 =	simm.s32 $0x0;
	s7 =	sor.u32 @!p0 $0x3000, s7;
	s3 =	sadd.s32 @!p0 s9, s3  }
0x58: {  	[tilespmem:s7], [sflag:$0xB] =	stream.linear.gather @!p0 [hbm4b:s3+s11], $0xA00, $0x38;
	[tilespmem:$0x1E480] =	vst v63  }
.LBB2_3:
0x59: {  	s9 =	sshll.u32 s12, $0x2  }
0x5a: {  	s3 =	sadd.s32 s19, s9  }
0x5b: {  	v2 =	vmov s17;
	s6 =	simm.s32 $0x3;
	s3 =	sshll.u32 s3, $0x7  }
0x5c: {  	v2 =	vand.u32 $0x7C, v2;
	v4 =	vmov s6;
	v3 =	vmov s3  }
0x5d: {  	v4 =	vand.u32 $0x7F, v4;
	v2 =	vor.u32 v3, v2  }
0x5e: {  	v4 =	vor.u32 v3, v4;
	v2 =	vbroadcast v2, $0x0  }
0x5f: {  	_ =	swait.ge [sflag:s31], $0x1800;
	v4 =	vbroadcast v4, $0x0  }
0x60: {  	[sflag:s31] =	ssyncset.done $0x0  }
0x61: {  	s11 =	simm.s32 $0x1;
	[sflag:s31] =	ssyncadd.s32 $0xFFFFE800;
	s3 =	simm.s32 $0x4580  }
0x62: {  	v5 =	vmov s11;
	v6 =	vld [tilespmem:s3+$0xF0]  }
0x63: {  	v5 =	vand.u32 $0x7D, v5;
	v7 =	vld [tilespmem:s3+$0xFFFFFF00]  }
0x64: {  	v5 =	vor.u32 v3, v5;
	v2 =	vld.idx.msk [tilespmem:v2+s21+$0x0], $0xffff  }
0x65: {  	v5 =	vbroadcast v5, $0x0;
	v4 =	vld.idx.msk [tilespmem:v4+s21+$0x0], $0xffff  }
0x66: {  	v8 =	vld [tilespmem:s3+$0xFFFFFF10]  }
0x67: {  	v9 =	vld [tilespmem:s3+$0xFFFFFF20]  }
0x68: {  	v11 =	vld [tilespmem:s3+$0xFFFFFF30]  }
0x69: {  	v12 =	vld [tilespmem:s3+$0xFFFFFF40];
	v10 =	vmul.f32 v2, v1  }
0x6a: {  	v13 =	vld [tilespmem:s3+$0xFFFFFF60];
	v2 =	vmul.f32 v4, v1  }
0x6b: {  	s14 =	simm.s32 $0x2;
	v5 =	vld.idx.msk [tilespmem:v5+s21+$0x0], $0xffff;
	v4 =	vmul.f32 v10, v7  }
0x6c: {  	v14 =	vmov s14;
	v7 =	vld [tilespmem:s3+$0xFFFFFF50];
	v6 =	vmul.f32 v6, v2  }
0x6d: {  	v8 =	vmul.f32 v8, v10;
	[tilespmem:s3+$0xFFFFFF00] =	vst v4;
	v4 =	vand.u32 $0x7E, v14;
	v14 =	vld [tilespmem:s3+$0xFFFFFF70]  }
0x6e: {  	[tilespmem:s3+$0xF0] =	vst v6;
	v6 =	vmul.f32 v9, v10;
	v9 =	vld [tilespmem:s3+$0xFFFFFF80];
	v4 =	vor.u32 v3, v4  }
0x6f: {  	[tilespmem:s3+$0xFFFFFF10] =	vst v8;
	v8 =	vmul.f32 v11, v10;
	v11 =	vld [tilespmem:s3+$0xFFFFFF90];
	v4 =	vbroadcast v4, $0x0  }
0x70: {  	[tilespmem:s3+$0xFFFFFF20] =	vst v6;
	v6 =	vmul.f32 v12, v10;
	v12 =	vld [tilespmem:s3+$0xFFFFFFA0]  }
0x71: {  	[tilespmem:s3+$0xFFFFFF30] =	vst v8;
	v8 =	vmul.f32 v5, v1;
	v5 =	vld [tilespmem:s3+$0xFFFFFFB0];
	v7 =	vmul.f32 v7, v10  }
0x72: {  	[tilespmem:s3+$0xFFFFFF40] =	vst v6;
	v6 =	vmul.f32 v13, v10;
	v13 =	vld [tilespmem:s3+$0xFFFFFFC0]  }
0x73: {  	[tilespmem:s3+$0xFFFFFF50] =	vst v7;
	v7 =	vmul.f32 v8, v9;
	v9 =	vld [tilespmem:s3+$0xFFFFFFD0]  }
0x74: {  	v10 =	vmul.f32 v14, v10;
	v14 =	vld [tilespmem:s3+$0xFFFFFFE0];
	[tilespmem:s3+$0xFFFFFF60] =	vst v6  }
0x75: {  	v6 =	vmul.f32 v11, v8;
	[tilespmem:s3+$0xFFFFFF80] =	vst v7;
	v4 =	vld.idx.msk [tilespmem:v4+s21+$0x0], $0xffff  }
0x76: {  	[tilespmem:s3+$0xFFFFFF70] =	vst v10;
	v7 =	vmul.f32 v12, v8;
	v10 =	vld [tilespmem:s3+$0xFFFFFFF0]  }
0x77: {  	v5 =	vmul.f32 v5, v8;
	v12 =	vld [tilespmem:s3+$0x0];
	[tilespmem:s3+$0xFFFFFF90] =	vst v6  }
0x78: {  	v15 =	vld [tilespmem:s3+$0x10];
	[tilespmem:s3+$0xFFFFFFA0] =	vst v7;
	v7 =	vmul.f32 v13, v8  }
0x79: {  	v6 =	vld [tilespmem:s3+$0x20];
	[tilespmem:s3+$0xFFFFFFB0] =	vst v5;
	v9 =	vmul.f32 v9, v8  }
0x7a: {  	s22 =	simm.s32 $0x4;
	v5 =	vld [tilespmem:s3+$0x30];
	v13 =	vmul.f32 v14, v8;
	[tilespmem:s3+$0xFFFFFFC0] =	vst v7;
	v4 =	vmul.f32 v4, v1  }
0x7b: {  	s29 =	simm.s32 $0x5;
	v11 =	vmov s22;
	v7 =	vld [tilespmem:s3+$0x40];
	[tilespmem:s3+$0xFFFFFFD0] =	vst v9;
	v9 =	vmul.f32 v10, v8  }
0x7c: {  	s30 =	simm.s32 $0x6;
	v10 =	vand.u32 $0x7C, v11;
	v11 =	vmov s29;
	[tilespmem:s3+$0xFFFFFFE0] =	vst v13;
	v8 =	vld [tilespmem:s3+$0x50];
	v14 =	vmul.f32 v4, v12  }
0x7d: {  	s7 =	simm.s32 $0x8;
	s11 =	simm.s32 $0x7;
	s6 =	simm.s32 $0x4580;
	v13 =	vmov s30;
	v10 =	vor.u32 v3, v10;
	[tilespmem:s3+$0xFFFFFFF0] =	vst v9;
	v9 =	vld [tilespmem:s3+$0x60];
	v12 =	vmul.f32 v15, v4  }
.LBB2_4:
0x7e: {  	p1 =	slt.u32 s7, $0x2C;
	v11 =	vand.u32 $0x7D, v11;
	v15 =	vmov s11;
	[tilespmem:s3+$0x0] =	vst v14;
	v6 =	vmul.f32 v6, v4;
	v14 =	vld [tilespmem:s3+$0x70]  }
0x7f: {  	v13 =	vand.u32 $0x7E, v13;
	v15 =	vand.u32 $0x7F, v15;
	[tilespmem:s3+$0x10] =	vst v12;
	v5 =	vmul.f32 v5, v4;
	v12 =	vld [tilespmem:s3+$0x80]  }
0x80: {  	v10 =	vbroadcast v10, $0x0;
	v15 =	vor.u32 v3, v15;
	[tilespmem:s3+$0x20] =	vst v6;
	v6 =	vmul.f32 v7, v4;
	v7 =	vld [tilespmem:s3+$0x90]  }
0x81: {  	v11 =	vor.u32 v3, v11;
	v15 =	vbroadcast v15, $0x0;
	[tilespmem:s3+$0x30] =	vst v5;
	v5 =	vmul.f32 v8, v4;
	v8 =	vld [tilespmem:s3+$0xA0]  }
0x82: {  	v13 =	vor.u32 v3, v13;
	v11 =	vbroadcast v11, $0x0;
	[tilespmem:s3+$0x40] =	vst v6;
	v6 =	vmul.f32 v9, v4;
	v9 =	vld [tilespmem:s3+$0xB0]  }
0x83: {  	v13 =	vbroadcast v13, $0x0;
	[tilespmem:s3+$0x50] =	vst v5;
	v4 =	vmul.f32 v14, v4;
	v5 =	vld [tilespmem:s3+$0xC0]  }
0x84: {  	[tilespmem:s3+$0x60] =	vst v6;
	v6 =	vmul.f32 v2, v12;
	v12 =	vld [tilespmem:s3+$0xD0]  }
0x85: {  	[tilespmem:s3+$0x70] =	vst v4;
	v4 =	vmul.f32 v7, v2;
	v7 =	vld [tilespmem:s3+$0xE0]  }
0x86: {  	v10 =	vld.idx.msk [tilespmem:v10+s21+$0x0], $0xffff;
	[tilespmem:s3+$0x80] =	vst v6;
	v6 =	vmul.f32 v8, v2  }
0x87: {  	v8 =	vld.idx.msk [tilespmem:v15+s21+$0x0], $0xffff;
	[tilespmem:s3+$0x90] =	vst v4;
	v4 =	vmul.f32 v9, v2  }
0x88: {  	v9 =	vld.idx.msk [tilespmem:v11+s21+$0x0], $0xffff;
	[tilespmem:s3+$0xA0] =	vst v6;
	v5 =	vmul.f32 v5, v2  }
0x89: {  	s3 =	sadd.s32 $0x200, s3;
	v11 =	vld.idx.msk [tilespmem:v13+s21+$0x0], $0xffff;
	[tilespmem:s6+$0xB0] =	vst v4;
	v4 =	vmul.f32 v12, v2  }
0x8a: {  	v6 =	vld [tilespmem:s3+$0xF0];
	[tilespmem:s6+$0xC0] =	vst v5;
	v2 =	vmul.f32 v7, v2  }
0x8b: {  	v5 =	vld [tilespmem:s3+$0xFFFFFF00];
	[tilespmem:s6+$0xD0] =	vst v4  }
0x8c: {  	v4 =	vld [tilespmem:s3+$0xFFFFFF10];
	[tilespmem:s6+$0xE0] =	vst v2;
	s6 =	smov.u32 s3  }
0x8d: {  	v2 =	vmul.f32 v8, v1;
	v7 =	vld [tilespmem:s3+$0xFFFFFF20]  }
0x8e: {  	v8 =	vmul.f32 v10, v1;
	v10 =	vld [tilespmem:s3+$0xFFFFFF30]  }
0x8f: {  	v12 =	vld [tilespmem:s3+$0xFFFFFF40];
	v6 =	vmul.f32 v6, v2  }
0x90: {  	v5 =	vmul.f32 v8, v5;
	v13 =	vld [tilespmem:s3+$0xFFFFFF50]  }
0x91: {  	v4 =	vmul.f32 v4, v8;
	v14 =	vld [tilespmem:s3+$0xFFFFFF60];
	[tilespmem:s3+$0xF0] =	vst v6  }
0x92: {  	[tilespmem:s3+$0xFFFFFF00] =	vst v5;
	v5 =	vmul.f32 v7, v8;
	v6 =	vld [tilespmem:s3+$0xFFFFFF70]  }
0x93: {  	[tilespmem:s3+$0xFFFFFF10] =	vst v4;
	v4 =	vmul.f32 v10, v8;
	v7 =	vld [tilespmem:s3+$0xFFFFFF80]  }
0x94: {  	[tilespmem:s3+$0xFFFFFF20] =	vst v5;
	v5 =	vmul.f32 v12, v8;
	v10 =	vld [tilespmem:s3+$0xFFFFFF90]  }
0x95: {  	[tilespmem:s3+$0xFFFFFF30] =	vst v4;
	v4 =	vmul.f32 v13, v8;
	v12 =	vld [tilespmem:s3+$0xFFFFFFA0]  }
0x96: {  	v9 =	vmul.f32 v9, v1;
	[tilespmem:s3+$0xFFFFFF40] =	vst v5;
	v5 =	vmul.f32 v14, v8;
	v13 =	vld [tilespmem:s3+$0xFFFFFFB0]  }
0x97: {  	[tilespmem:s3+$0xFFFFFF50] =	vst v4;
	v4 =	vmul.f32 v6, v8;
	v6 =	vld [tilespmem:s3+$0xFFFFFFC0]  }
0x98: {  	[tilespmem:s3+$0xFFFFFF60] =	vst v5;
	v5 =	vmul.f32 v9, v7;
	v7 =	vld [tilespmem:s3+$0xFFFFFFD0]  }
0x99: {  	[tilespmem:s3+$0xFFFFFF70] =	vst v4;
	v4 =	vmul.f32 v10, v9;
	v8 =	vld [tilespmem:s3+$0xFFFFFFE0]  }
0x9a: {  	[tilespmem:s3+$0xFFFFFF80] =	vst v5;
	v5 =	vmul.f32 v12, v9;
	v10 =	vld [tilespmem:s3+$0xFFFFFFF0]  }
0x9b: {  	[tilespmem:s3+$0xFFFFFF90] =	vst v4;
	v4 =	vmul.f32 v13, v9;
	v12 =	vld [tilespmem:s3+$0x0]  }
0x9c: {  	[tilespmem:s3+$0xFFFFFFA0] =	vst v5;
	v5 =	vmul.f32 v6, v9;
	v15 =	vld [tilespmem:s3+$0x10]  }
.Ltmp4:
0x9d: {  	[tilespmem:s3+$0xFFFFFFB0] =	vst v4;
	v7 =	vmul.f32 v7, v9;
	v6 =	vld [tilespmem:s3+$0x20];
	(pc) =	sbr.rel @p1 .LBB2_4-.Ltmp4, $4  }
0x9e: {  	v4 =	vmul.f32 v11, v1;
	[tilespmem:s3+$0xFFFFFFC0] =	vst v5;
	v8 =	vmul.f32 v8, v9;
	v5 =	vld [tilespmem:s3+$0x30]  }
0x9f: {  	s11 =	sadd.s32 $0x1, s7;
	v11 =	vmov s7;
	[tilespmem:s3+$0xFFFFFFD0] =	vst v7;
	v9 =	vmul.f32 v10, v9;
	v7 =	vld [tilespmem:s3+$0x40]  }
0xa0: {  	v10 =	vand.u32 $0x7C, v11;
	v11 =	vmov s11;
	s11 =	sadd.s32 $0x2, s7;
	[tilespmem:s3+$0xFFFFFFE0] =	vst v8;
	v14 =	vmul.f32 v4, v12;
	v8 =	vld [tilespmem:s3+$0x50]  }
0xa1: {  	v10 =	vor.u32 v3, v10;
	v13 =	vmov s11;
	s11 =	sadd.s32 $0x3, s7;
	s7 =	sadd.s32 $0x4, s7;
	[tilespmem:s3+$0xFFFFFFF0] =	vst v9;
	v12 =	vmul.f32 v15, v4;
	v9 =	vld [tilespmem:s3+$0x60]  }
0xa2: {  	v15 =	vld [tilespmem:s3+$0x70]  }
0xa3: {  	v16 =	vld [tilespmem:s3+$0x80];
	v11 =	vand.u32 $0x7D, v11  }
0xa4: {  	[tilespmem:s3+$0x0] =	vst v14;
	v14 =	vmov s11;
	v10 =	vbroadcast v10, $0x0;
	v17 =	vld [tilespmem:s3+$0x90];
	v11 =	vor.u32 v3, v11  }
0xa5: {  	v18 =	vld [tilespmem:s3+$0xA0];
	v6 =	vmul.f32 v6, v4;
	v14 =	vand.u32 $0x7F, v14;
	v11 =	vbroadcast v11, $0x0  }
0xa6: {  	v13 =	vand.u32 $0x7E, v13;
	[tilespmem:s3+$0x10] =	vst v12;
	v5 =	vmul.f32 v5, v4;
	v12 =	vld [tilespmem:s3+$0xC0];
	v14 =	vor.u32 v3, v14  }
0xa7: {  	v3 =	vor.u32 v3, v13;
	v13 =	vld [tilespmem:s3+$0xB0];
	[tilespmem:s3+$0x20] =	vst v6;
	v6 =	vmul.f32 v7, v4;
	v14 =	vbroadcast v14, $0x0  }
0xa8: {  	v7 =	vld [tilespmem:s3+$0xD0];
	[tilespmem:s3+$0x30] =	vst v5;
	v5 =	vmul.f32 v8, v4  }
0xa9: {  	v8 =	vld [tilespmem:s3+$0xE0];
	[tilespmem:s3+$0x40] =	vst v6;
	v6 =	vmul.f32 v9, v4  }
0xaa: {  	[tilespmem:s3+$0x50] =	vst v5;
	v4 =	vmul.f32 v15, v4;
	v9 =	vld.idx.msk [tilespmem:v10+s21+$0x0], $0xffff  }
0xab: {  	s7 =	sadd.s32 $0x200, s3;
	[tilespmem:s3+$0x60] =	vst v6;
	v6 =	vmul.f32 v2, v16;
	v10 =	vld.idx.msk [tilespmem:v11+s21+$0x0], $0xffff  }
0xac: {  	[tilespmem:s3+$0x70] =	vst v4;
	v4 =	vmul.f32 v17, v2;
	v11 =	vld [tilespmem:s7+$0xF0]  }
0xad: {  	[tilespmem:s3+$0x80] =	vst v6;
	v6 =	vmul.f32 v18, v2;
	v5 =	vld.idx.msk [tilespmem:v14+s21+$0x0], $0xffff  }
0xae: {  	[tilespmem:s3+$0x90] =	vst v4;
	v4 =	vmul.f32 v13, v2;
	v13 =	vld [tilespmem:s7+$0xFFFFFF00]  }
0xaf: {  	v3 =	vbroadcast v3, $0x0;
	[tilespmem:s3+$0xA0] =	vst v6;
	v6 =	vmul.f32 v12, v2;
	v12 =	vld [tilespmem:s7+$0xFFFFFF10]  }
0xb0: {  	[tilespmem:s6+$0xB0] =	vst v4;
	v4 =	vmul.f32 v7, v2;
	v7 =	vld [tilespmem:s7+$0xFFFFFF20]  }
0xb1: {  	v2 =	vmul.f32 v8, v2;
	v8 =	vld [tilespmem:s7+$0xFFFFFF30];
	[tilespmem:s6+$0xC0] =	vst v6;
	v6 =	vmul.f32 v9, v1  }
0xb2: {  	[tilespmem:s6+$0xD0] =	vst v4;
	v4 =	vld [tilespmem:s7+$0xFFFFFF40];
	v5 =	vmul.f32 v5, v1  }
0xb3: {  	[tilespmem:s6+$0xE0] =	vst v2;
	v2 =	vmul.f32 v6, v13;
	v13 =	vld [tilespmem:s7+$0xFFFFFF60]  }
0xb4: {  	v9 =	vmul.f32 v11, v5;
	v11 =	vld [tilespmem:s7+$0xFFFFFF50]  }
0xb5: {  	v3 =	vld.idx.msk [tilespmem:v3+s21+$0x0], $0xffff;
	[tilespmem:s7+$0xFFFFFF00] =	vst v2;
	v2 =	vmul.f32 v7, v6  }
0xb6: {  	v7 =	vld [tilespmem:s7+$0xFFFFFF70];
	v8 =	vmul.f32 v8, v6;
	[tilespmem:s7+$0xF0] =	vst v9  }
0xb7: {  	v9 =	vld [tilespmem:s7+$0xFFFFFF80];
	[tilespmem:s7+$0xFFFFFF20] =	vst v2;
	v2 =	vmul.f32 v4, v6  }
0xb8: {  	v12 =	vmul.f32 v12, v6;
	v4 =	vld [tilespmem:s7+$0xFFFFFF90];
	[tilespmem:s7+$0xFFFFFF30] =	vst v8  }
0xb9: {  	[tilespmem:s7+$0xFFFFFF40] =	vst v2;
	v2 =	vmul.f32 v13, v6;
	v8 =	vmul.f32 v11, v6;
	v11 =	vld [tilespmem:s7+$0xFFFFFFA0]  }
0xba: {  	v10 =	vmul.f32 v10, v1;
	[tilespmem:s7+$0xFFFFFF10] =	vst v12;
	v12 =	vld [tilespmem:s7+$0xFFFFFFB0]  }
0xbb: {  	v6 =	vmul.f32 v7, v6;
	v7 =	vld [tilespmem:s7+$0xFFFFFFC0];
	[tilespmem:s7+$0xFFFFFF60] =	vst v2  }
0xbc: {  	[tilespmem:s7+$0xFFFFFF50] =	vst v8;
	v2 =	vmul.f32 v10, v9;
	v8 =	vld [tilespmem:s7+$0xFFFFFFD0]  }
0xbd: {  	[tilespmem:s7+$0xFFFFFF70] =	vst v6;
	v4 =	vmul.f32 v4, v10;
	v6 =	vld [tilespmem:s7+$0xFFFFFFE0]  }
0xbe: {  	v9 =	vld [tilespmem:s7+$0xFFFFFFF0];
	[tilespmem:s7+$0xFFFFFF80] =	vst v2;
	v2 =	vmul.f32 v11, v10  }
0xbf: {  	[tilespmem:s7+$0xFFFFFF90] =	vst v4;
	v4 =	vmul.f32 v12, v10;
	v11 =	vld [tilespmem:s7+$0x0]  }
0xc0: {  	[tilespmem:s7+$0xFFFFFFA0] =	vst v2;
	v2 =	vmul.f32 v7, v10;
	v7 =	vld [tilespmem:s7+$0x10]  }
0xc1: {  	[tilespmem:s7+$0xFFFFFFB0] =	vst v4;
	v4 =	vmul.f32 v8, v10;
	v8 =	vld [tilespmem:s7+$0x20]  }
0xc2: {  	v3 =	vmul.f32 v3, v1;
	[tilespmem:s7+$0xFFFFFFC0] =	vst v2;
	v2 =	vmul.f32 v6, v10;
	v6 =	vld [tilespmem:s7+$0x30]  }
0xc3: {  	[tilespmem:s7+$0xFFFFFFD0] =	vst v4;
	v4 =	vmul.f32 v9, v10;
	v9 =	vld [tilespmem:s7+$0x40]  }
0xc4: {  	v10 =	vld [tilespmem:s7+$0x50];
	[tilespmem:s7+$0xFFFFFFE0] =	vst v2;
	v2 =	vmul.f32 v3, v11  }
0xc5: {  	[tilespmem:s7+$0xFFFFFFF0] =	vst v4;
	v4 =	vmul.f32 v7, v3;
	v7 =	vld [tilespmem:s7+$0x60]  }
0xc6: {  	[tilespmem:s7+$0x0] =	vst v2;
	v2 =	vmul.f32 v8, v3;
	v8 =	vld [tilespmem:s7+$0x70]  }
0xc7: {  	[tilespmem:s7+$0x10] =	vst v4;
	v4 =	vmul.f32 v6, v3;
	v6 =	vld [tilespmem:s7+$0x80]  }
0xc8: {  	[tilespmem:s7+$0x20] =	vst v2;
	v2 =	vmul.f32 v9, v3;
	v9 =	vld [tilespmem:s7+$0x90]  }
0xc9: {  	[tilespmem:s7+$0x30] =	vst v4;
	v4 =	vmul.f32 v10, v3;
	v10 =	vld [tilespmem:s7+$0xA0]  }
0xca: {  	[tilespmem:s7+$0x40] =	vst v2;
	v2 =	vmul.f32 v7, v3;
	v7 =	vld [tilespmem:s7+$0xB0]  }
0xcb: {  	[tilespmem:s7+$0x50] =	vst v4;
	v3 =	vmul.f32 v8, v3;
	v4 =	vld [tilespmem:s7+$0xC0]  }
0xcc: {  	[tilespmem:s7+$0x60] =	vst v2;
	v2 =	vmul.f32 v5, v6;
	v6 =	vld [tilespmem:s7+$0xD0]  }
0xcd: {  	v8 =	vld [tilespmem:s7+$0xE0];
	[tilespmem:s7+$0x70] =	vst v3;
	v3 =	vmul.f32 v9, v5  }
0xce: {  	[tilespmem:s7+$0x80] =	vst v2;
	v2 =	vmul.f32 v10, v5  }
0xcf: {  	[tilespmem:s7+$0x90] =	vst v3;
	v3 =	vmul.f32 v7, v5  }
0xd0: {  	[tilespmem:s7+$0xA0] =	vst v2;
	v2 =	vmul.f32 v4, v5  }
0xd1: {  	s29 =	sor.u32 $0x1, s9;
	s11 =	sor.u32 s13, s12;
	[tilespmem:s7+$0xB0] =	vst v3;
	v3 =	vmul.f32 v6, v5  }
0xd2: {  	s22 =	simm.s32 $0x0;
	s14 =	sadd.s32 s19, s29;
	s6 =	sshll.u32 s12, $0xB;
	[tilespmem:s7+$0xC0] =	vst v2;
	v2 =	vmul.f32 v8, v5  }
0xd3: {  	p1 =	seq.s32 s11, $0x0;
	s14 =	sshll.u32 s14, $0x7;
	s3 =	sshrl.u32 s6, $0x2;
	[tilespmem:s7+$0xD0] =	vst v3  }
0xd4: {  	s11 =	simm.s32 @!p1 $0x8;
	v3 =	vmov s22;
	s22 =	simm.s32 $0x3;
	[tilespmem:s7+$0xE0] =	vst v2;
	s7 =	sadd.s32 s3, s18  }
0xd5: {  	v2 =	vmov s14;
	v3 =	vand.u32 $0x7C, v3;
	v4 =	vmov s22;
	[spmem:s4] =	stream.indirect.scatter.add.f32 [tilespmem:s24], [sflag:$0x5], $0x80, s7, s23, $0xb8;
	[tilespmem:$0x1E480] =	vst v63  }
0xd6: {  	s7 =	sor.u32 $0x3, s9;
	v3 =	vor.u32 v2, v3;
	v4 =	vand.u32 $0x7F, v4;
	_ =	swait.ge @!p1 [sflag:s11], $0x1800  }
0xd7: {  	s6 =	sshll.u32 s7, $0x7;
	v3 =	vbroadcast v3, $0x0;
	v4 =	vor.u32 v2, v4;
	[sflag:s11] =	ssyncset.done @!p1 $0x0  }
0xd8: {  	s14 =	sadd.s32 s6, s15;
	v4 =	vbroadcast v4, $0x0;
	[sflag:s11] =	ssyncadd.s32 @!p1 $0xFFFFE800  }
0xd9: {  	[tilespmem:s0], [sflag:$0x4] =	stream.indirect.gather [hbm4b:s1+s23], $0x80, s14, s23, $0xb8;
	[tilespmem:$0x1E480] =	vst v63  }
0xda: {  	_ =	swait.ge [sflag:s2], $0x1800  }
0xdb: {  	[sflag:s2] =	ssyncset.done $0x0  }
0xdc: {  	s22 =	simm.s32 $0x1;
	[sflag:s2] =	ssyncadd.s32 $0xFFFFE800  }
0xdd: {  	v5 =	vmov s22;
	v3 =	vld.idx.msk [tilespmem:v3+s21+$0x0], $0xffff  }
0xde: {  	s30 =	simm.s32 $0x5E70;
	v5 =	vand.u32 $0x7D, v5;
	v4 =	vld.idx.msk [tilespmem:v4+s21+$0x0], $0xffff  }
0xdf: {  	v5 =	vor.u32 v2, v5;
	v6 =	vld [tilespmem:s30+$0x0]  }
0xe0: {  	v5 =	vbroadcast v5, $0x0;
	v7 =	vld [tilespmem:s30+$0xFFFFFE10]  }
0xe1: {  	v8 =	vld [tilespmem:s30+$0xFFFFFE20]  }
0xe2: {  	v9 =	vld [tilespmem:s30+$0xFFFFFE30]  }
0xe3: {  	v11 =	vld [tilespmem:s30+$0xFFFFFE40]  }
0xe4: {  	v12 =	vld [tilespmem:s30+$0xFFFFFE50];
	v10 =	vmul.f32 v3, v1  }
0xe5: {  	v13 =	vld [tilespmem:s30+$0xFFFFFE70];
	v3 =	vmul.f32 v4, v1  }
0xe6: {  	s14 =	simm.s32 $0x2;
	v5 =	vld.idx.msk [tilespmem:v5+s21+$0x0], $0xffff;
	v4 =	vmul.f32 v10, v7  }
0xe7: {  	v14 =	vmov s14;
	v7 =	vld [tilespmem:s30+$0xFFFFFE60];
	v6 =	vmul.f32 v6, v3  }
0xe8: {  	v8 =	vmul.f32 v8, v10;
	[tilespmem:s30+$0xFFFFFE10] =	vst v4;
	v4 =	vand.u32 $0x7E, v14;
	v14 =	vld [tilespmem:s30+$0xFFFFFE80]  }
0xe9: {  	[tilespmem:s30+$0x0] =	vst v6;
	v6 =	vmul.f32 v9, v10;
	v9 =	vld [tilespmem:s30+$0xFFFFFE90];
	v4 =	vor.u32 v2, v4  }
0xea: {  	[tilespmem:s30+$0xFFFFFE20] =	vst v8;
	v8 =	vmul.f32 v11, v10;
	v11 =	vld [tilespmem:s30+$0xFFFFFEA0];
	v4 =	vbroadcast v4, $0x0  }
0xeb: {  	[tilespmem:s30+$0xFFFFFE30] =	vst v6;
	v6 =	vmul.f32 v12, v10;
	v12 =	vld [tilespmem:s30+$0xFFFFFEB0]  }
0xec: {  	[tilespmem:s30+$0xFFFFFE40] =	vst v8;
	v8 =	vmul.f32 v5, v1;
	v5 =	vld [tilespmem:s30+$0xFFFFFEC0];
	v7 =	vmul.f32 v7, v10  }
0xed: {  	[tilespmem:s30+$0xFFFFFE50] =	vst v6;
	v6 =	vmul.f32 v13, v10;
	v13 =	vld [tilespmem:s30+$0xFFFFFED0]  }
0xee: {  	[tilespmem:s30+$0xFFFFFE60] =	vst v7;
	v7 =	vmul.f32 v8, v9;
	v9 =	vld [tilespmem:s30+$0xFFFFFEE0]  }
0xef: {  	v10 =	vmul.f32 v14, v10;
	v14 =	vld [tilespmem:s30+$0xFFFFFEF0];
	[tilespmem:s30+$0xFFFFFE70] =	vst v6  }
0xf0: {  	v6 =	vmul.f32 v11, v8;
	[tilespmem:s30+$0xFFFFFE90] =	vst v7;
	v4 =	vld.idx.msk [tilespmem:v4+s21+$0x0], $0xffff  }
0xf1: {  	[tilespmem:s30+$0xFFFFFE80] =	vst v10;
	v7 =	vmul.f32 v12, v8;
	v10 =	vld [tilespmem:s30+$0xFFFFFF00]  }
0xf2: {  	v5 =	vmul.f32 v5, v8;
	v12 =	vld [tilespmem:s30+$0xFFFFFF10];
	[tilespmem:s30+$0xFFFFFEA0] =	vst v6  }
0xf3: {  	v15 =	vld [tilespmem:s30+$0xFFFFFF20];
	[tilespmem:s30+$0xFFFFFEB0] =	vst v7;
	v7 =	vmul.f32 v13, v8  }
0xf4: {  	v6 =	vld [tilespmem:s30+$0xFFFFFF30];
	[tilespmem:s30+$0xFFFFFEC0] =	vst v5;
	v9 =	vmul.f32 v9, v8  }
0xf5: {  	s22 =	simm.s32 $0x4;
	v5 =	vld [tilespmem:s30+$0xFFFFFF40];
	v13 =	vmul.f32 v14, v8;
	[tilespmem:s30+$0xFFFFFED0] =	vst v7;
	v4 =	vmul.f32 v4, v1  }
0xf6: {  	s14 =	simm.s32 $0x5;
	v11 =	vmov s22;
	v7 =	vld [tilespmem:s30+$0xFFFFFF50];
	[tilespmem:s30+$0xFFFFFEE0] =	vst v9;
	v9 =	vmul.f32 v10, v8  }
0xf7: {  	s22 =	simm.s32 $0x6;
	v10 =	vand.u32 $0x7C, v11;
	v11 =	vmov s14;
	[tilespmem:s30+$0xFFFFFEF0] =	vst v13;
	v8 =	vld [tilespmem:s30+$0xFFFFFF60];
	v14 =	vmul.f32 v4, v12  }
0xf8: {  	s11 =	simm.s32 $0x8;
	v13 =	vmov s22;
	s22 =	simm.s32 $0x7;
	s14 =	simm.s32 $0x5E70;
	v10 =	vor.u32 v2, v10;
	[tilespmem:s30+$0xFFFFFF00] =	vst v9;
	v9 =	vld [tilespmem:s30+$0xFFFFFF70];
	v12 =	vmul.f32 v15, v4  }
.LBB2_6:
0xf9: {  	p1 =	slt.u32 s11, $0x2C;
	v11 =	vand.u32 $0x7D, v11;
	v15 =	vmov s22;
	[tilespmem:s30+$0xFFFFFF10] =	vst v14;
	v6 =	vmul.f32 v6, v4;
	v14 =	vld [tilespmem:s30+$0xFFFFFF80]  }
0xfa: {  	v13 =	vand.u32 $0x7E, v13;
	v15 =	vand.u32 $0x7F, v15;
	[tilespmem:s30+$0xFFFFFF20] =	vst v12;
	v5 =	vmul.f32 v5, v4;
	v12 =	vld [tilespmem:s30+$0xFFFFFF90]  }
0xfb: {  	v10 =	vbroadcast v10, $0x0;
	v15 =	vor.u32 v2, v15;
	[tilespmem:s30+$0xFFFFFF30] =	vst v6;
	v6 =	vmul.f32 v7, v4;
	v7 =	vld [tilespmem:s30+$0xFFFFFFA0]  }
0xfc: {  	v11 =	vor.u32 v2, v11;
	v15 =	vbroadcast v15, $0x0;
	[tilespmem:s30+$0xFFFFFF40] =	vst v5;
	v5 =	vmul.f32 v8, v4;
	v8 =	vld [tilespmem:s30+$0xFFFFFFB0]  }
0xfd: {  	v13 =	vor.u32 v2, v13;
	v11 =	vbroadcast v11, $0x0;
	[tilespmem:s30+$0xFFFFFF50] =	vst v6;
	v6 =	vmul.f32 v9, v4;
	v9 =	vld [tilespmem:s30+$0xFFFFFFC0]  }
0xfe: {  	v13 =	vbroadcast v13, $0x0;
	[tilespmem:s30+$0xFFFFFF60] =	vst v5;
	v4 =	vmul.f32 v14, v4;
	v5 =	vld [tilespmem:s30+$0xFFFFFFD0]  }
0xff: {  	[tilespmem:s30+$0xFFFFFF70] =	vst v6;
	v6 =	vmul.f32 v3, v12;
	v12 =	vld [tilespmem:s30+$0xFFFFFFE0]  }
0x100: {  	[tilespmem:s30+$0xFFFFFF80] =	vst v4;
	v4 =	vmul.f32 v7, v3;
	v7 =	vld [tilespmem:s30+$0xFFFFFFF0]  }
0x101: {  	v10 =	vld.idx.msk [tilespmem:v10+s21+$0x0], $0xffff;
	[tilespmem:s30+$0xFFFFFF90] =	vst v6;
	v6 =	vmul.f32 v8, v3  }
0x102: {  	v8 =	vld.idx.msk [tilespmem:v15+s21+$0x0], $0xffff;
	[tilespmem:s30+$0xFFFFFFA0] =	vst v4;
	v4 =	vmul.f32 v9, v3  }
0x103: {  	v9 =	vld.idx.msk [tilespmem:v11+s21+$0x0], $0xffff;
	[tilespmem:s30+$0xFFFFFFB0] =	vst v6;
	v5 =	vmul.f32 v5, v3  }
0x104: {  	s30 =	sadd.s32 $0x200, s30;
	v11 =	vld.idx.msk [tilespmem:v13+s21+$0x0], $0xffff;
	[tilespmem:s14+$0xFFFFFFC0] =	vst v4;
	v4 =	vmul.f32 v12, v3  }
0x105: {  	v6 =	vld [tilespmem:s30+$0x0];
	[tilespmem:s14+$0xFFFFFFD0] =	vst v5;
	v3 =	vmul.f32 v7, v3  }
0x106: {  	v5 =	vld [tilespmem:s30+$0xFFFFFE10];
	[tilespmem:s14+$0xFFFFFFE0] =	vst v4  }
0x107: {  	v4 =	vld [tilespmem:s30+$0xFFFFFE20];
	[tilespmem:s14+$0xFFFFFFF0] =	vst v3;
	s14 =	smov.u32 s30  }
0x108: {  	v3 =	vmul.f32 v8, v1;
	v7 =	vld [tilespmem:s30+$0xFFFFFE30]  }
0x109: {  	v8 =	vmul.f32 v10, v1;
	v10 =	vld [tilespmem:s30+$0xFFFFFE40]  }
0x10a: {  	v12 =	vld [tilespmem:s30+$0xFFFFFE50];
	v6 =	vmul.f32 v6, v3  }
0x10b: {  	v5 =	vmul.f32 v8, v5;
	v13 =	vld [tilespmem:s30+$0xFFFFFE60]  }
0x10c: {  	v4 =	vmul.f32 v4, v8;
	v14 =	vld [tilespmem:s30+$0xFFFFFE70];
	[tilespmem:s30+$0x0] =	vst v6  }
0x10d: {  	[tilespmem:s30+$0xFFFFFE10] =	vst v5;
	v5 =	vmul.f32 v7, v8;
	v6 =	vld [tilespmem:s30+$0xFFFFFE80]  }
0x10e: {  	[tilespmem:s30+$0xFFFFFE20] =	vst v4;
	v4 =	vmul.f32 v10, v8;
	v7 =	vld [tilespmem:s30+$0xFFFFFE90]  }
0x10f: {  	[tilespmem:s30+$0xFFFFFE30] =	vst v5;
	v5 =	vmul.f32 v12, v8;
	v10 =	vld [tilespmem:s30+$0xFFFFFEA0]  }
0x110: {  	[tilespmem:s30+$0xFFFFFE40] =	vst v4;
	v4 =	vmul.f32 v13, v8;
	v12 =	vld [tilespmem:s30+$0xFFFFFEB0]  }
0x111: {  	v9 =	vmul.f32 v9, v1;
	[tilespmem:s30+$0xFFFFFE50] =	vst v5;
	v5 =	vmul.f32 v14, v8;
	v13 =	vld [tilespmem:s30+$0xFFFFFEC0]  }
0x112: {  	[tilespmem:s30+$0xFFFFFE60] =	vst v4;
	v4 =	vmul.f32 v6, v8;
	v6 =	vld [tilespmem:s30+$0xFFFFFED0]  }
0x113: {  	[tilespmem:s30+$0xFFFFFE70] =	vst v5;
	v5 =	vmul.f32 v9, v7;
	v7 =	vld [tilespmem:s30+$0xFFFFFEE0]  }
0x114: {  	[tilespmem:s30+$0xFFFFFE80] =	vst v4;
	v4 =	vmul.f32 v10, v9;
	v8 =	vld [tilespmem:s30+$0xFFFFFEF0]  }
0x115: {  	[tilespmem:s30+$0xFFFFFE90] =	vst v5;
	v5 =	vmul.f32 v12, v9;
	v10 =	vld [tilespmem:s30+$0xFFFFFF00]  }
0x116: {  	[tilespmem:s30+$0xFFFFFEA0] =	vst v4;
	v4 =	vmul.f32 v13, v9;
	v12 =	vld [tilespmem:s30+$0xFFFFFF10]  }
0x117: {  	[tilespmem:s30+$0xFFFFFEB0] =	vst v5;
	v5 =	vmul.f32 v6, v9;
	v15 =	vld [tilespmem:s30+$0xFFFFFF20]  }
.Ltmp5:
0x118: {  	[tilespmem:s30+$0xFFFFFEC0] =	vst v4;
	v7 =	vmul.f32 v7, v9;
	v6 =	vld [tilespmem:s30+$0xFFFFFF30];
	(pc) =	sbr.rel @p1 .LBB2_6-.Ltmp5, $4  }
0x119: {  	v4 =	vmul.f32 v11, v1;
	[tilespmem:s30+$0xFFFFFED0] =	vst v5;
	v8 =	vmul.f32 v8, v9;
	v5 =	vld [tilespmem:s30+$0xFFFFFF40]  }
0x11a: {  	s22 =	sadd.s32 $0x1, s11;
	v11 =	vmov s11;
	[tilespmem:s30+$0xFFFFFEE0] =	vst v7;
	v9 =	vmul.f32 v10, v9;
	v7 =	vld [tilespmem:s30+$0xFFFFFF50]  }
0x11b: {  	v10 =	vand.u32 $0x7C, v11;
	v11 =	vmov s22;
	s22 =	sadd.s32 $0x2, s11;
	[tilespmem:s30+$0xFFFFFEF0] =	vst v8;
	v14 =	vmul.f32 v4, v12;
	v8 =	vld [tilespmem:s30+$0xFFFFFF60]  }
0x11c: {  	v10 =	vor.u32 v2, v10;
	v13 =	vmov s22;
	s22 =	sadd.s32 $0x3, s11;
	s11 =	sadd.s32 $0x4, s11;
	[tilespmem:s30+$0xFFFFFF00] =	vst v9;
	v12 =	vmul.f32 v15, v4;
	v9 =	vld [tilespmem:s30+$0xFFFFFF70]  }
0x11d: {  	v15 =	vld [tilespmem:s30+$0xFFFFFF80]  }
0x11e: {  	v16 =	vld [tilespmem:s30+$0xFFFFFF90]  }
0x11f: {  	v17 =	vld [tilespmem:s30+$0xFFFFFFA0]  }
0x120: {  	v18 =	vld [tilespmem:s30+$0xFFFFFFB0]  }
0x121: {  	[tilespmem:s30+$0xFFFFFF10] =	vst v14;
	v10 =	vbroadcast v10, $0x0;
	v6 =	vmul.f32 v6, v4;
	v54 =	vld [tilespmem:s30+$0xFFFFFFC0]  }
0x122: {  	v55 =	vld [tilespmem:s30+$0xFFFFFFD0];
	[tilespmem:s30+$0xFFFFFF20] =	vst v12;
	v5 =	vmul.f32 v5, v4  }
0x123: {  	v57 =	vld [tilespmem:s30+$0xFFFFFFE0];
	[tilespmem:s30+$0xFFFFFF30] =	vst v6;
	v56 =	vmul.f32 v7, v4  }
0x124: {  	v59 =	vld [tilespmem:s30+$0xFFFFFFF0];
	s11 =	sadd.s32 $0x200, s30;
	[tilespmem:s30+$0xFFFFFF40] =	vst v5;
	v58 =	vmul.f32 v8, v4  }
0x125: {  	v22 =	vld [tilespmem:s11+$0xFFFFFE10];
	[tilespmem:s30+$0xFFFFFF50] =	vst v56;
	v60 =	vmul.f32 v9, v4  }
0x126: {  	v24 =	vld [tilespmem:s11+$0xFFFFFE20];
	[tilespmem:s30+$0xFFFFFF60] =	vst v58;
	v62 =	vmul.f32 v15, v4  }
0x127: {  	v11 =	vand.u32 $0x7D, v11;
	v15 =	vmul.f32 v3, v16;
	v61 =	vld.idx.msk [tilespmem:v10+s21+$0x0], $0xffff;
	[tilespmem:s30+$0xFFFFFF70] =	vst v60  }
0x128: {  	v11 =	vor.u32 v2, v11;
	v26 =	vld [tilespmem:s11+$0xFFFFFE30];
	v17 =	vmul.f32 v17, v3;
	[tilespmem:s30+$0xFFFFFF80] =	vst v62  }
0x129: {  	v28 =	vld [tilespmem:s11+$0xFFFFFE40];
	v11 =	vbroadcast v11, $0x0;
	v19 =	vmul.f32 v18, v3;
	[tilespmem:s30+$0xFFFFFF90] =	vst v15  }
0x12a: {  	v29 =	vld [tilespmem:s11+$0xFFFFFE50];
	v21 =	vmul.f32 v54, v3;
	[tilespmem:s30+$0xFFFFFFA0] =	vst v17  }
0x12b: {  	v31 =	vld [tilespmem:s11+$0xFFFFFE60];
	v23 =	vmul.f32 v55, v3;
	v25 =	vmul.f32 v57, v3;
	[tilespmem:s30+$0xFFFFFFB0] =	vst v19  }
0x12c: {  	v32 =	vld [tilespmem:s11+$0xFFFFFE70];
	v3 =	vmul.f32 v59, v3;
	[tilespmem:s14+$0xFFFFFFC0] =	vst v21;
	v27 =	vmul.f32 v61, v1  }
0x12d: {  	v33 =	vld [tilespmem:s11+$0xFFFFFE80];
	[tilespmem:s14+$0xFFFFFFD0] =	vst v23  }
0x12e: {  	v53 =	vmov s22;
	v34 =	vld [tilespmem:s11+$0xFFFFFE90];
	[tilespmem:s14+$0xFFFFFFF0] =	vst v3;
	v3 =	vmul.f32 v27, v22  }
0x12f: {  	v14 =	vand.u32 $0x7F, v53;
	v16 =	vld.idx.msk [tilespmem:v11+s21+$0x0], $0xffff;
	[tilespmem:s14+$0xFFFFFFE0] =	vst v25;
	v12 =	vmul.f32 v24, v27  }
0x130: {  	v13 =	vand.u32 $0x7E, v13;
	v35 =	vld [tilespmem:s11+$0xFFFFFEA0];
	v14 =	vor.u32 v2, v14;
	v8 =	vmul.f32 v28, v27;
	[tilespmem:s11+$0xFFFFFE10] =	vst v3  }
0x131: {  	v37 =	vld [tilespmem:s11+$0xFFFFFEB0];
	v2 =	vor.u32 v2, v13;
	v14 =	vbroadcast v14, $0x0;
	v3 =	vmul.f32 v26, v27;
	[tilespmem:s11+$0xFFFFFE20] =	vst v12  }
0x132: {  	v38 =	vld [tilespmem:s11+$0xFFFFFEC0];
	v2 =	vbroadcast v2, $0x0;
	v36 =	vmul.f32 v31, v27;
	[tilespmem:s11+$0xFFFFFE40] =	vst v8  }
0x133: {  	v39 =	vld [tilespmem:s11+$0xFFFFFED0];
	[tilespmem:s11+$0xFFFFFE30] =	vst v3;
	v3 =	vmul.f32 v29, v27  }
0x134: {  	v40 =	vld [tilespmem:s11+$0xFFFFFEE0];
	v10 =	vmul.f32 v16, v1;
	v6 =	vmul.f32 v33, v27;
	[tilespmem:s11+$0xFFFFFE60] =	vst v36  }
0x135: {  	v41 =	vld [tilespmem:s11+$0xFFFFFEF0];
	[tilespmem:s11+$0xFFFFFE50] =	vst v3;
	v3 =	vmul.f32 v32, v27  }
0x136: {  	v42 =	vld [tilespmem:s11+$0xFFFFFF00];
	[tilespmem:s11+$0xFFFFFE80] =	vst v6;
	v4 =	vmul.f32 v35, v10  }
0x137: {  	v63 =	vld.idx.msk [tilespmem:v14+s21+$0x0], $0xffff;
	[tilespmem:s11+$0xFFFFFE70] =	vst v3;
	v3 =	vmul.f32 v10, v34  }
0x138: {  	v2 =	vld.idx.msk [tilespmem:v2+s21+$0x0], $0xffff;
	v43 =	vmul.f32 v38, v10;
	[tilespmem:s11+$0xFFFFFEA0] =	vst v4  }
0x139: {  	v20 =	vld [tilespmem:s11+$0x0];
	[tilespmem:s11+$0xFFFFFE90] =	vst v3;
	v3 =	vmul.f32 v37, v10  }
0x13a: {  	v44 =	vld [tilespmem:s11+$0xFFFFFF10];
	v46 =	vmul.f32 v40, v10;
	[tilespmem:s11+$0xFFFFFEC0] =	vst v43  }
0x13b: {  	v45 =	vld [tilespmem:s11+$0xFFFFFF20];
	[tilespmem:s11+$0xFFFFFEB0] =	vst v3;
	v3 =	vmul.f32 v39, v10  }
0x13c: {  	v47 =	vld [tilespmem:s11+$0xFFFFFF30];
	v5 =	vmul.f32 v63, v1;
	v49 =	vmul.f32 v42, v10;
	[tilespmem:s11+$0xFFFFFEE0] =	vst v46  }
0x13d: {  	v48 =	vld [tilespmem:s11+$0xFFFFFF40];
	v2 =	vmul.f32 v2, v1;
	[tilespmem:s11+$0xFFFFFED0] =	vst v3;
	v3 =	vmul.f32 v41, v10  }
0x13e: {  	v50 =	vld [tilespmem:s11+$0xFFFFFF50];
	v30 =	vmul.f32 v20, v5;
	[tilespmem:s11+$0xFFFFFF00] =	vst v49  }
0x13f: {  	v51 =	vld [tilespmem:s11+$0xFFFFFF60];
	[tilespmem:s11+$0xFFFFFEF0] =	vst v3;
	v3 =	vmul.f32 v2, v44  }
0x140: {  	v53 =	vld [tilespmem:s11+$0xFFFFFF70];
	v52 =	vmul.f32 v45, v2;
	[tilespmem:s11+$0x0] =	vst v30  }
0x141: {  	v54 =	vld [tilespmem:s11+$0xFFFFFF80];
	[tilespmem:s11+$0xFFFFFF10] =	vst v3;
	v3 =	vmul.f32 v47, v2  }
0x142: {  	v56 =	vld [tilespmem:s11+$0xFFFFFF90];
	v55 =	vmul.f32 v48, v2;
	[tilespmem:s11+$0xFFFFFF20] =	vst v52  }
0x143: {  	v57 =	vld [tilespmem:s11+$0xFFFFFFA0];
	[tilespmem:s11+$0xFFFFFF30] =	vst v3;
	v3 =	vmul.f32 v50, v2  }
0x144: {  	v59 =	vld [tilespmem:s11+$0xFFFFFFB0];
	v58 =	vmul.f32 v51, v2;
	[tilespmem:s11+$0xFFFFFF40] =	vst v55  }
0x145: {  	v60 =	vld [tilespmem:s11+$0xFFFFFFC0];
	[tilespmem:s11+$0xFFFFFF50] =	vst v3;
	v3 =	vmul.f32 v53, v2  }
0x146: {  	v61 =	vld [tilespmem:s11+$0xFFFFFFD0];
	[tilespmem:s11+$0xFFFFFF60] =	vst v58;
	v2 =	vmul.f32 v54, v2  }
0x147: {  	v62 =	vld [tilespmem:s11+$0xFFFFFFE0];
	[tilespmem:s11+$0xFFFFFF70] =	vst v3;
	v3 =	vmul.f32 v5, v56  }
0x148: {  	v63 =	vld [tilespmem:s11+$0xFFFFFFF0];
	[tilespmem:s11+$0xFFFFFF80] =	vst v2;
	v2 =	vmul.f32 v57, v5  }
0x149: {  	[tilespmem:s11+$0xFFFFFF90] =	vst v3;
	v3 =	vmul.f32 v59, v5  }
0x14a: {  	[tilespmem:s11+$0xFFFFFFA0] =	vst v2;
	v2 =	vmul.f32 v60, v5  }
0x14b: {  	[tilespmem:s11+$0xFFFFFFB0] =	vst v3;
	v3 =	vmul.f32 v61, v5  }
0x14c: {  	[tilespmem:s11+$0xFFFFFFC0] =	vst v2;
	v2 =	vmul.f32 v62, v5  }
0x14d: {  	s29 =	sshll.u32 s29, $0x7;
	[tilespmem:s11+$0xFFFFFFD0] =	vst v3;
	v3 =	vmul.f32 v63, v5  }
0x14e: {  	p1 =	seq.s32 s12, $0x4;
	s14 =	sand.u32 $0x3FFFFF80, s29;
	[tilespmem:s11+$0xFFFFFFE0] =	vst v2  }
.Ltmp6:
0x14f: {  	s30 =	sadd.s32 s14, s18;
	[tilespmem:s11+$0xFFFFFFF0] =	vst v3;
	(pc) =	sbr.rel @!p1 .LBB2_8-.Ltmp6, $4  }
0x150: {  	[spmem:s4] =	stream.indirect.scatter.add.f32 [tilespmem:s26], [sflag:$0x6], $0x80, s30, s23, $0xb8;
	[tilespmem:$0x1E480] =	vst v63  }
0x151: {  	_ =	swait.ge [sflag:s20], $0x1800  }
0x152: {  	[sflag:s20] =	ssyncset.done $0x0  }
0x153: {  	[sflag:s20] =	ssyncadd.s32 $0xFFFFE800  }
.Ltmp7:
0x154: {  	(pc) =	sbr.rel @p0 .LBB2_12-.Ltmp7, $1  }
0x155: {  	_ =	sdelay $0x3  }
.Ltmp8:
0x156: {  	(pc) =	sbr.rel .LBB2_11-.Ltmp8, $4  }
0x157: {  	s11 =	simm.s32 $0x9  }
0x158: {  	_ =	swait.ge [sflag:s11], $0xA00  }
0x159: {  	[sflag:s11] =	ssyncset.done $0x0  }
0x15a: {  	[sflag:s11] =	ssyncadd.s32 $0xFFFFF600;
	s11 =	rddreg [dreg:$0x13]  }
.LBB2_8:
0x15b: {  	s11 =	sadd.s32 s3, s15  }
0x15c: {  	s11 =	sadd.s32 $0x200, s11  }
.LBB2_11:
0x15d: {  	[tilespmem:s24], [sflag:$0x1] =	stream.indirect.gather [hbm4b:s1+s23], $0x80, s11, s23, $0xb8;
	[tilespmem:$0x1E480] =	vst v63  }
.LBB2_12:
0x15e: {  	s9 =	sor.u32 $0x2, s9  }
0x15f: {  	s14 =	simm.s32 $0x0;
	s11 =	sadd.s32 s19, s9  }
0x160: {  	s30 =	simm.s32 $0x3;
	v2 =	vmov s14;
	s11 =	sshll.u32 s11, $0x7  }
0x161: {  	v4 =	vmov s30;
	v2 =	vand.u32 $0x7C, v2;
	v3 =	vmov s11  }
0x162: {  	v4 =	vand.u32 $0x7F, v4;
	v2 =	vor.u32 v3, v2  }
0x163: {  	v4 =	vor.u32 v3, v4;
	v2 =	vbroadcast v2, $0x0  }
0x164: {  	_ =	swait.ge [sflag:s25], $0x1800;
	v4 =	vbroadcast v4, $0x0  }
0x165: {  	[sflag:s25] =	ssyncset.done $0x0  }
0x166: {  	s22 =	simm.s32 $0x1;
	s29 =	simm.s32 $0x7670;
	[sflag:s25] =	ssyncadd.s32 $0xFFFFE800  }
0x167: {  	v5 =	vmov s22;
	v6 =	vld [tilespmem:s29+$0x0]  }
0x168: {  	v5 =	vand.u32 $0x7D, v5;
	v7 =	vld [tilespmem:s29+$0xFFFFFE10]  }
0x169: {  	v5 =	vor.u32 v3, v5;
	v2 =	vld.idx.msk [tilespmem:v2+s21+$0x0], $0xffff  }
0x16a: {  	v5 =	vbroadcast v5, $0x0;
	v4 =	vld.idx.msk [tilespmem:v4+s21+$0x0], $0xffff  }
0x16b: {  	v8 =	vld [tilespmem:s29+$0xFFFFFE20]  }
0x16c: {  	v9 =	vld [tilespmem:s29+$0xFFFFFE30]  }
0x16d: {  	v11 =	vld [tilespmem:s29+$0xFFFFFE40]  }
0x16e: {  	v12 =	vld [tilespmem:s29+$0xFFFFFE50];
	v10 =	vmul.f32 v2, v1  }
0x16f: {  	v13 =	vld [tilespmem:s29+$0xFFFFFE70];
	v2 =	vmul.f32 v4, v1  }
0x170: {  	s30 =	simm.s32 $0x2;
	v5 =	vld.idx.msk [tilespmem:v5+s21+$0x0], $0xffff;
	v4 =	vmul.f32 v10, v7  }
0x171: {  	v14 =	vmov s30;
	v7 =	vld [tilespmem:s29+$0xFFFFFE60];
	v6 =	vmul.f32 v6, v2  }
0x172: {  	v8 =	vmul.f32 v8, v10;
	[tilespmem:s29+$0xFFFFFE10] =	vst v4;
	v4 =	vand.u32 $0x7E, v14;
	v14 =	vld [tilespmem:s29+$0xFFFFFE80]  }
0x173: {  	[tilespmem:s29+$0x0] =	vst v6;
	v6 =	vmul.f32 v9, v10;
	v9 =	vld [tilespmem:s29+$0xFFFFFE90];
	v4 =	vor.u32 v3, v4  }
0x174: {  	[tilespmem:s29+$0xFFFFFE20] =	vst v8;
	v8 =	vmul.f32 v11, v10;
	v11 =	vld [tilespmem:s29+$0xFFFFFEA0];
	v4 =	vbroadcast v4, $0x0  }
0x175: {  	[tilespmem:s29+$0xFFFFFE30] =	vst v6;
	v6 =	vmul.f32 v12, v10;
	v12 =	vld [tilespmem:s29+$0xFFFFFEB0]  }
0x176: {  	[tilespmem:s29+$0xFFFFFE40] =	vst v8;
	v8 =	vmul.f32 v5, v1;
	v5 =	vld [tilespmem:s29+$0xFFFFFEC0];
	v7 =	vmul.f32 v7, v10  }
0x177: {  	[tilespmem:s29+$0xFFFFFE50] =	vst v6;
	v6 =	vmul.f32 v13, v10;
	v13 =	vld [tilespmem:s29+$0xFFFFFED0]  }
0x178: {  	[tilespmem:s29+$0xFFFFFE60] =	vst v7;
	v7 =	vmul.f32 v8, v9;
	v9 =	vld [tilespmem:s29+$0xFFFFFEE0]  }
0x179: {  	v10 =	vmul.f32 v14, v10;
	v14 =	vld [tilespmem:s29+$0xFFFFFEF0];
	[tilespmem:s29+$0xFFFFFE70] =	vst v6  }
0x17a: {  	v6 =	vmul.f32 v11, v8;
	[tilespmem:s29+$0xFFFFFE90] =	vst v7;
	v4 =	vld.idx.msk [tilespmem:v4+s21+$0x0], $0xffff  }
0x17b: {  	[tilespmem:s29+$0xFFFFFE80] =	vst v10;
	v7 =	vmul.f32 v12, v8;
	v10 =	vld [tilespmem:s29+$0xFFFFFF00]  }
0x17c: {  	v5 =	vmul.f32 v5, v8;
	v12 =	vld [tilespmem:s29+$0xFFFFFF10];
	[tilespmem:s29+$0xFFFFFEA0] =	vst v6  }
0x17d: {  	v15 =	vld [tilespmem:s29+$0xFFFFFF20];
	[tilespmem:s29+$0xFFFFFEB0] =	vst v7;
	v7 =	vmul.f32 v13, v8  }
0x17e: {  	v6 =	vld [tilespmem:s29+$0xFFFFFF30];
	[tilespmem:s29+$0xFFFFFEC0] =	vst v5;
	v9 =	vmul.f32 v9, v8  }
0x17f: {  	s14 =	simm.s32 $0x4;
	v5 =	vld [tilespmem:s29+$0xFFFFFF40];
	v13 =	vmul.f32 v14, v8;
	[tilespmem:s29+$0xFFFFFED0] =	vst v7;
	v4 =	vmul.f32 v4, v1  }
0x180: {  	s22 =	simm.s32 $0x5;
	v11 =	vmov s14;
	v7 =	vld [tilespmem:s29+$0xFFFFFF50];
	[tilespmem:s29+$0xFFFFFEE0] =	vst v9;
	v9 =	vmul.f32 v10, v8  }
0x181: {  	s30 =	simm.s32 $0x6;
	v10 =	vand.u32 $0x7C, v11;
	v11 =	vmov s22;
	[tilespmem:s29+$0xFFFFFEF0] =	vst v13;
	v8 =	vld [tilespmem:s29+$0xFFFFFF60];
	v14 =	vmul.f32 v4, v12  }
0x182: {  	s11 =	simm.s32 $0x8;
	s14 =	simm.s32 $0x7670;
	v13 =	vmov s30;
	s22 =	simm.s32 $0x7;
	v10 =	vor.u32 v3, v10;
	[tilespmem:s29+$0xFFFFFF00] =	vst v9;
	v9 =	vld [tilespmem:s29+$0xFFFFFF70];
	v12 =	vmul.f32 v15, v4  }
.LBB2_13:
0x183: {  	p2 =	slt.u32 s11, $0x2C;
	v11 =	vand.u32 $0x7D, v11;
	v15 =	vmov s22;
	[tilespmem:s29+$0xFFFFFF10] =	vst v14;
	v6 =	vmul.f32 v6, v4;
	v14 =	vld [tilespmem:s29+$0xFFFFFF80]  }
0x184: {  	v13 =	vand.u32 $0x7E, v13;
	v15 =	vand.u32 $0x7F, v15;
	[tilespmem:s29+$0xFFFFFF20] =	vst v12;
	v5 =	vmul.f32 v5, v4;
	v12 =	vld [tilespmem:s29+$0xFFFFFF90]  }
0x185: {  	v10 =	vbroadcast v10, $0x0;
	v15 =	vor.u32 v3, v15;
	[tilespmem:s29+$0xFFFFFF30] =	vst v6;
	v6 =	vmul.f32 v7, v4;
	v7 =	vld [tilespmem:s29+$0xFFFFFFA0]  }
0x186: {  	v11 =	vor.u32 v3, v11;
	v15 =	vbroadcast v15, $0x0;
	[tilespmem:s29+$0xFFFFFF40] =	vst v5;
	v5 =	vmul.f32 v8, v4;
	v8 =	vld [tilespmem:s29+$0xFFFFFFB0]  }
0x187: {  	v13 =	vor.u32 v3, v13;
	v11 =	vbroadcast v11, $0x0;
	[tilespmem:s29+$0xFFFFFF50] =	vst v6;
	v6 =	vmul.f32 v9, v4;
	v9 =	vld [tilespmem:s29+$0xFFFFFFC0]  }
0x188: {  	v13 =	vbroadcast v13, $0x0;
	[tilespmem:s29+$0xFFFFFF60] =	vst v5;
	v4 =	vmul.f32 v14, v4;
	v5 =	vld [tilespmem:s29+$0xFFFFFFD0]  }
0x189: {  	[tilespmem:s29+$0xFFFFFF70] =	vst v6;
	v6 =	vmul.f32 v2, v12;
	v12 =	vld [tilespmem:s29+$0xFFFFFFE0]  }
0x18a: {  	[tilespmem:s29+$0xFFFFFF80] =	vst v4;
	v4 =	vmul.f32 v7, v2;
	v7 =	vld [tilespmem:s29+$0xFFFFFFF0]  }
0x18b: {  	v10 =	vld.idx.msk [tilespmem:v10+s21+$0x0], $0xffff;
	[tilespmem:s29+$0xFFFFFF90] =	vst v6;
	v6 =	vmul.f32 v8, v2  }
0x18c: {  	v8 =	vld.idx.msk [tilespmem:v15+s21+$0x0], $0xffff;
	[tilespmem:s29+$0xFFFFFFA0] =	vst v4;
	v4 =	vmul.f32 v9, v2  }
0x18d: {  	v9 =	vld.idx.msk [tilespmem:v11+s21+$0x0], $0xffff;
	[tilespmem:s29+$0xFFFFFFB0] =	vst v6;
	v5 =	vmul.f32 v5, v2  }
0x18e: {  	s29 =	sadd.s32 $0x200, s29;
	v11 =	vld.idx.msk [tilespmem:v13+s21+$0x0], $0xffff;
	[tilespmem:s14+$0xFFFFFFC0] =	vst v4;
	v4 =	vmul.f32 v12, v2  }
0x18f: {  	v6 =	vld [tilespmem:s29+$0x0];
	[tilespmem:s14+$0xFFFFFFD0] =	vst v5;
	v2 =	vmul.f32 v7, v2  }
0x190: {  	v5 =	vld [tilespmem:s29+$0xFFFFFE10];
	[tilespmem:s14+$0xFFFFFFE0] =	vst v4  }
0x191: {  	v4 =	vld [tilespmem:s29+$0xFFFFFE20];
	[tilespmem:s14+$0xFFFFFFF0] =	vst v2;
	s14 =	smov.u32 s29  }
0x192: {  	v2 =	vmul.f32 v8, v1;
	v7 =	vld [tilespmem:s29+$0xFFFFFE30]  }
0x193: {  	v8 =	vmul.f32 v10, v1;
	v10 =	vld [tilespmem:s29+$0xFFFFFE40]  }
0x194: {  	v12 =	vld [tilespmem:s29+$0xFFFFFE50];
	v6 =	vmul.f32 v6, v2  }
0x195: {  	v5 =	vmul.f32 v8, v5;
	v13 =	vld [tilespmem:s29+$0xFFFFFE60]  }
0x196: {  	v4 =	vmul.f32 v4, v8;
	v14 =	vld [tilespmem:s29+$0xFFFFFE70];
	[tilespmem:s29+$0x0] =	vst v6  }
0x197: {  	[tilespmem:s29+$0xFFFFFE10] =	vst v5;
	v5 =	vmul.f32 v7, v8;
	v6 =	vld [tilespmem:s29+$0xFFFFFE80]  }
0x198: {  	[tilespmem:s29+$0xFFFFFE20] =	vst v4;
	v4 =	vmul.f32 v10, v8;
	v7 =	vld [tilespmem:s29+$0xFFFFFE90]  }
0x199: {  	[tilespmem:s29+$0xFFFFFE30] =	vst v5;
	v5 =	vmul.f32 v12, v8;
	v10 =	vld [tilespmem:s29+$0xFFFFFEA0]  }
0x19a: {  	[tilespmem:s29+$0xFFFFFE40] =	vst v4;
	v4 =	vmul.f32 v13, v8;
	v12 =	vld [tilespmem:s29+$0xFFFFFEB0]  }
0x19b: {  	v9 =	vmul.f32 v9, v1;
	[tilespmem:s29+$0xFFFFFE50] =	vst v5;
	v5 =	vmul.f32 v14, v8;
	v13 =	vld [tilespmem:s29+$0xFFFFFEC0]  }
0x19c: {  	[tilespmem:s29+$0xFFFFFE60] =	vst v4;
	v4 =	vmul.f32 v6, v8;
	v6 =	vld [tilespmem:s29+$0xFFFFFED0]  }
0x19d: {  	[tilespmem:s29+$0xFFFFFE70] =	vst v5;
	v5 =	vmul.f32 v9, v7;
	v7 =	vld [tilespmem:s29+$0xFFFFFEE0]  }
0x19e: {  	[tilespmem:s29+$0xFFFFFE80] =	vst v4;
	v4 =	vmul.f32 v10, v9;
	v8 =	vld [tilespmem:s29+$0xFFFFFEF0]  }
0x19f: {  	[tilespmem:s29+$0xFFFFFE90] =	vst v5;
	v5 =	vmul.f32 v12, v9;
	v10 =	vld [tilespmem:s29+$0xFFFFFF00]  }
0x1a0: {  	[tilespmem:s29+$0xFFFFFEA0] =	vst v4;
	v4 =	vmul.f32 v13, v9;
	v12 =	vld [tilespmem:s29+$0xFFFFFF10]  }
0x1a1: {  	[tilespmem:s29+$0xFFFFFEB0] =	vst v5;
	v5 =	vmul.f32 v6, v9;
	v15 =	vld [tilespmem:s29+$0xFFFFFF20]  }
.Ltmp9:
0x1a2: {  	[tilespmem:s29+$0xFFFFFEC0] =	vst v4;
	v7 =	vmul.f32 v7, v9;
	v6 =	vld [tilespmem:s29+$0xFFFFFF30];
	(pc) =	sbr.rel @p2 .LBB2_13-.Ltmp9, $4  }
0x1a3: {  	v4 =	vmul.f32 v11, v1;
	[tilespmem:s29+$0xFFFFFED0] =	vst v5;
	v8 =	vmul.f32 v8, v9;
	v5 =	vld [tilespmem:s29+$0xFFFFFF40]  }
0x1a4: {  	s22 =	sadd.s32 $0x1, s11;
	v11 =	vmov s11;
	[tilespmem:s29+$0xFFFFFEE0] =	vst v7;
	v9 =	vmul.f32 v10, v9;
	v7 =	vld [tilespmem:s29+$0xFFFFFF50]  }
0x1a5: {  	v10 =	vand.u32 $0x7C, v11;
	v11 =	vmov s22;
	s22 =	sadd.s32 $0x2, s11;
	[tilespmem:s29+$0xFFFFFEF0] =	vst v8;
	v14 =	vmul.f32 v4, v12;
	v8 =	vld [tilespmem:s29+$0xFFFFFF60]  }
0x1a6: {  	v10 =	vor.u32 v3, v10;
	v13 =	vmov s22;
	s22 =	sadd.s32 $0x3, s11;
	s11 =	sadd.s32 $0x4, s11;
	[tilespmem:s29+$0xFFFFFF00] =	vst v9;
	v12 =	vmul.f32 v15, v4;
	v9 =	vld [tilespmem:s29+$0xFFFFFF70]  }
0x1a7: {  	v15 =	vld [tilespmem:s29+$0xFFFFFF80]  }
0x1a8: {  	v16 =	vld [tilespmem:s29+$0xFFFFFF90]  }
0x1a9: {  	v17 =	vld [tilespmem:s29+$0xFFFFFFA0]  }
0x1aa: {  	v18 =	vld [tilespmem:s29+$0xFFFFFFB0]  }
0x1ab: {  	[tilespmem:s29+$0xFFFFFF10] =	vst v14;
	v10 =	vbroadcast v10, $0x0;
	v6 =	vmul.f32 v6, v4;
	v54 =	vld [tilespmem:s29+$0xFFFFFFC0]  }
0x1ac: {  	v55 =	vld [tilespmem:s29+$0xFFFFFFD0];
	[tilespmem:s29+$0xFFFFFF20] =	vst v12;
	v5 =	vmul.f32 v5, v4  }
0x1ad: {  	v57 =	vld [tilespmem:s29+$0xFFFFFFE0];
	[tilespmem:s29+$0xFFFFFF30] =	vst v6;
	v56 =	vmul.f32 v7, v4  }
0x1ae: {  	v59 =	vld [tilespmem:s29+$0xFFFFFFF0];
	s11 =	sadd.s32 $0x200, s29;
	[tilespmem:s29+$0xFFFFFF40] =	vst v5;
	v58 =	vmul.f32 v8, v4  }
0x1af: {  	v22 =	vld [tilespmem:s11+$0xFFFFFE10];
	[tilespmem:s29+$0xFFFFFF50] =	vst v56;
	v60 =	vmul.f32 v9, v4  }
0x1b0: {  	v24 =	vld [tilespmem:s11+$0xFFFFFE20];
	[tilespmem:s29+$0xFFFFFF60] =	vst v58;
	v62 =	vmul.f32 v15, v4  }
0x1b1: {  	v11 =	vand.u32 $0x7D, v11;
	v15 =	vmul.f32 v2, v16;
	v61 =	vld.idx.msk [tilespmem:v10+s21+$0x0], $0xffff;
	[tilespmem:s29+$0xFFFFFF70] =	vst v60  }
0x1b2: {  	v11 =	vor.u32 v3, v11;
	v26 =	vld [tilespmem:s11+$0xFFFFFE30];
	v17 =	vmul.f32 v17, v2;
	[tilespmem:s29+$0xFFFFFF80] =	vst v62  }
0x1b3: {  	v28 =	vld [tilespmem:s11+$0xFFFFFE40];
	v11 =	vbroadcast v11, $0x0;
	v19 =	vmul.f32 v18, v2;
	[tilespmem:s29+$0xFFFFFF90] =	vst v15  }
0x1b4: {  	v29 =	vld [tilespmem:s11+$0xFFFFFE50];
	v21 =	vmul.f32 v54, v2;
	[tilespmem:s29+$0xFFFFFFA0] =	vst v17  }
0x1b5: {  	v31 =	vld [tilespmem:s11+$0xFFFFFE60];
	v23 =	vmul.f32 v55, v2;
	v25 =	vmul.f32 v57, v2;
	[tilespmem:s29+$0xFFFFFFB0] =	vst v19  }
0x1b6: {  	v32 =	vld [tilespmem:s11+$0xFFFFFE70];
	v2 =	vmul.f32 v59, v2;
	[tilespmem:s14+$0xFFFFFFC0] =	vst v21;
	v27 =	vmul.f32 v61, v1  }
0x1b7: {  	v33 =	vld [tilespmem:s11+$0xFFFFFE80];
	[tilespmem:s14+$0xFFFFFFD0] =	vst v23  }
0x1b8: {  	v53 =	vmov s22;
	v34 =	vld [tilespmem:s11+$0xFFFFFE90];
	[tilespmem:s14+$0xFFFFFFF0] =	vst v2;
	v2 =	vmul.f32 v27, v22  }
0x1b9: {  	v14 =	vand.u32 $0x7F, v53;
	v16 =	vld.idx.msk [tilespmem:v11+s21+$0x0], $0xffff;
	[tilespmem:s14+$0xFFFFFFE0] =	vst v25;
	v12 =	vmul.f32 v24, v27  }
0x1ba: {  	v13 =	vand.u32 $0x7E, v13;
	v35 =	vld [tilespmem:s11+$0xFFFFFEA0];
	v14 =	vor.u32 v3, v14;
	v8 =	vmul.f32 v28, v27;
	[tilespmem:s11+$0xFFFFFE10] =	vst v2  }
0x1bb: {  	v37 =	vld [tilespmem:s11+$0xFFFFFEB0];
	v3 =	vor.u32 v3, v13;
	v14 =	vbroadcast v14, $0x0;
	v2 =	vmul.f32 v26, v27;
	[tilespmem:s11+$0xFFFFFE20] =	vst v12  }
0x1bc: {  	v38 =	vld [tilespmem:s11+$0xFFFFFEC0];
	v3 =	vbroadcast v3, $0x0;
	v36 =	vmul.f32 v31, v27;
	[tilespmem:s11+$0xFFFFFE40] =	vst v8  }
0x1bd: {  	v39 =	vld [tilespmem:s11+$0xFFFFFED0];
	[tilespmem:s11+$0xFFFFFE30] =	vst v2;
	v2 =	vmul.f32 v29, v27  }
0x1be: {  	v40 =	vld [tilespmem:s11+$0xFFFFFEE0];
	v10 =	vmul.f32 v16, v1;
	v6 =	vmul.f32 v33, v27;
	[tilespmem:s11+$0xFFFFFE60] =	vst v36  }
0x1bf: {  	v41 =	vld [tilespmem:s11+$0xFFFFFEF0];
	[tilespmem:s11+$0xFFFFFE50] =	vst v2;
	v2 =	vmul.f32 v32, v27  }
0x1c0: {  	v42 =	vld [tilespmem:s11+$0xFFFFFF00];
	[tilespmem:s11+$0xFFFFFE80] =	vst v6;
	v4 =	vmul.f32 v35, v10  }
0x1c1: {  	v63 =	vld.idx.msk [tilespmem:v14+s21+$0x0], $0xffff;
	[tilespmem:s11+$0xFFFFFE70] =	vst v2;
	v2 =	vmul.f32 v10, v34  }
0x1c2: {  	v3 =	vld.idx.msk [tilespmem:v3+s21+$0x0], $0xffff;
	v43 =	vmul.f32 v38, v10;
	[tilespmem:s11+$0xFFFFFEA0] =	vst v4  }
0x1c3: {  	v20 =	vld [tilespmem:s11+$0x0];
	[tilespmem:s11+$0xFFFFFE90] =	vst v2;
	v2 =	vmul.f32 v37, v10  }
0x1c4: {  	v44 =	vld [tilespmem:s11+$0xFFFFFF10];
	v46 =	vmul.f32 v40, v10;
	[tilespmem:s11+$0xFFFFFEC0] =	vst v43  }
0x1c5: {  	v45 =	vld [tilespmem:s11+$0xFFFFFF20];
	[tilespmem:s11+$0xFFFFFEB0] =	vst v2;
	v2 =	vmul.f32 v39, v10  }
0x1c6: {  	v47 =	vld [tilespmem:s11+$0xFFFFFF30];
	v5 =	vmul.f32 v63, v1;
	v49 =	vmul.f32 v42, v10;
	[tilespmem:s11+$0xFFFFFEE0] =	vst v46  }
0x1c7: {  	v48 =	vld [tilespmem:s11+$0xFFFFFF40];
	v3 =	vmul.f32 v3, v1;
	[tilespmem:s11+$0xFFFFFED0] =	vst v2;
	v2 =	vmul.f32 v41, v10  }
0x1c8: {  	v50 =	vld [tilespmem:s11+$0xFFFFFF50];
	v30 =	vmul.f32 v20, v5;
	[tilespmem:s11+$0xFFFFFF00] =	vst v49  }
0x1c9: {  	v51 =	vld [tilespmem:s11+$0xFFFFFF60];
	[tilespmem:s11+$0xFFFFFEF0] =	vst v2;
	v2 =	vmul.f32 v3, v44  }
0x1ca: {  	v53 =	vld [tilespmem:s11+$0xFFFFFF70];
	v52 =	vmul.f32 v45, v3;
	[tilespmem:s11+$0x0] =	vst v30  }
0x1cb: {  	v54 =	vld [tilespmem:s11+$0xFFFFFF80];
	[tilespmem:s11+$0xFFFFFF10] =	vst v2;
	v2 =	vmul.f32 v47, v3  }
0x1cc: {  	v56 =	vld [tilespmem:s11+$0xFFFFFF90];
	v55 =	vmul.f32 v48, v3;
	[tilespmem:s11+$0xFFFFFF20] =	vst v52  }
0x1cd: {  	v57 =	vld [tilespmem:s11+$0xFFFFFFA0];
	[tilespmem:s11+$0xFFFFFF30] =	vst v2;
	v2 =	vmul.f32 v50, v3  }
0x1ce: {  	v59 =	vld [tilespmem:s11+$0xFFFFFFB0];
	v58 =	vmul.f32 v51, v3;
	[tilespmem:s11+$0xFFFFFF40] =	vst v55  }
0x1cf: {  	v60 =	vld [tilespmem:s11+$0xFFFFFFC0];
	[tilespmem:s11+$0xFFFFFF50] =	vst v2;
	v2 =	vmul.f32 v53, v3  }
0x1d0: {  	v61 =	vld [tilespmem:s11+$0xFFFFFFD0];
	[tilespmem:s11+$0xFFFFFF60] =	vst v58;
	v3 =	vmul.f32 v54, v3  }
0x1d1: {  	v62 =	vld [tilespmem:s11+$0xFFFFFFE0];
	[tilespmem:s11+$0xFFFFFF70] =	vst v2;
	v2 =	vmul.f32 v5, v56  }
0x1d2: {  	v63 =	vld [tilespmem:s11+$0xFFFFFFF0];
	[tilespmem:s11+$0xFFFFFF80] =	vst v3;
	v3 =	vmul.f32 v57, v5  }
0x1d3: {  	[tilespmem:s11+$0xFFFFFF90] =	vst v2;
	v2 =	vmul.f32 v59, v5  }
0x1d4: {  	[tilespmem:s11+$0xFFFFFFA0] =	vst v3;
	v3 =	vmul.f32 v60, v5  }
0x1d5: {  	[tilespmem:s11+$0xFFFFFFB0] =	vst v2;
	v2 =	vmul.f32 v61, v5  }
0x1d6: {  	[tilespmem:s11+$0xFFFFFFC0] =	vst v3;
	v3 =	vmul.f32 v62, v5  }
0x1d7: {  	s9 =	sshll.u32 s9, $0x7;
	[tilespmem:s11+$0xFFFFFFD0] =	vst v2;
	v2 =	vmul.f32 v63, v5  }
0x1d8: {  	s9 =	sand.u32 $0x3FFFFF80, s9;
	[tilespmem:s11+$0xFFFFFFE0] =	vst v3  }
.Ltmp10:
0x1d9: {  	s9 =	sadd.s32 s9, s18;
	[tilespmem:s11+$0xFFFFFFF0] =	vst v2;
	(pc) =	sbr.rel @!p1 .LBB2_15-.Ltmp10, $4  }
0x1da: {  	[spmem:s4] =	stream.indirect.scatter.add.f32 [tilespmem:s28], [sflag:$0x7], $0x80, s9, s23, $0xb8;
	[tilespmem:$0x1E480] =	vst v63  }
0x1db: {  	_ =	swait.ge [sflag:s16], $0x1800  }
0x1dc: {  	[sflag:s16] =	ssyncset.done $0x0  }
0x1dd: {  	[sflag:s16] =	ssyncadd.s32 $0xFFFFE800  }
.Ltmp11:
0x1de: {  	(pc) =	sbr.rel @p0 .LBB2_18-.Ltmp11, $4  }
.Ltmp12:
0x1df: {  	(pc) =	sbr.rel @!p0 .LBB2_17-.Ltmp12, $4  }
0x1e0: {  	_ = 	snop  }
0x1e1: {  	_ = 	snop  }
0x1e2: {  	s9 =	smov.u32 s5  }
0x1e3: {  	_ = 	snop  }
.LBB2_15:
0x1e4: {  	s9 =	sadd.s32 s3, s15  }
0x1e5: {  	s9 =	sadd.s32 $0x280, s9  }
.LBB2_17:
0x1e6: {  	[tilespmem:s26], [sflag:$0x2] =	stream.indirect.gather [hbm4b:s1+s23], $0x80, s9, s23, $0xb8;
	[tilespmem:$0x1E480] =	vst v63  }
.LBB2_18:
0x1e7: {  	s7 =	sadd.s32 s19, s7;
	s9 =	simm.s32 $0x0  }
0x1e8: {  	s30 =	simm.s32 $0x3;
	s7 =	sshll.u32 s7, $0x7;
	v2 =	vmov s9  }
0x1e9: {  	v4 =	vmov s30;
	v3 =	vmov s7;
	v2 =	vand.u32 $0x7C, v2  }
0x1ea: {  	v4 =	vand.u32 $0x7F, v4;
	v2 =	vor.u32 v3, v2  }
0x1eb: {  	v4 =	vor.u32 v3, v4;
	v2 =	vbroadcast v2, $0x0  }
0x1ec: {  	_ =	swait.ge [sflag:s8], $0x1800;
	v4 =	vbroadcast v4, $0x0  }
0x1ed: {  	[sflag:s8] =	ssyncset.done $0x0  }
0x1ee: {  	s11 =	simm.s32 $0x1;
	[sflag:s8] =	ssyncadd.s32 $0xFFFFE800;
	s7 =	simm.s32 $0x8E70  }
0x1ef: {  	v5 =	vmov s11;
	v6 =	vld [tilespmem:s7+$0x0]  }
0x1f0: {  	v5 =	vand.u32 $0x7D, v5;
	v7 =	vld [tilespmem:s7+$0xFFFFFE10]  }
0x1f1: {  	v5 =	vor.u32 v3, v5;
	v2 =	vld.idx.msk [tilespmem:v2+s21+$0x0], $0xffff  }
0x1f2: {  	v5 =	vbroadcast v5, $0x0;
	v4 =	vld.idx.msk [tilespmem:v4+s21+$0x0], $0xffff  }
0x1f3: {  	v8 =	vld [tilespmem:s7+$0xFFFFFE20]  }
0x1f4: {  	v9 =	vld [tilespmem:s7+$0xFFFFFE30]  }
0x1f5: {  	v11 =	vld [tilespmem:s7+$0xFFFFFE40]  }
0x1f6: {  	v12 =	vld [tilespmem:s7+$0xFFFFFE50];
	v10 =	vmul.f32 v2, v1  }
0x1f7: {  	v13 =	vld [tilespmem:s7+$0xFFFFFE70];
	v2 =	vmul.f32 v4, v1  }
0x1f8: {  	s14 =	simm.s32 $0x2;
	v5 =	vld.idx.msk [tilespmem:v5+s21+$0x0], $0xffff;
	v4 =	vmul.f32 v10, v7  }
0x1f9: {  	v14 =	vmov s14;
	v7 =	vld [tilespmem:s7+$0xFFFFFE60];
	v6 =	vmul.f32 v6, v2  }
0x1fa: {  	v8 =	vmul.f32 v8, v10;
	[tilespmem:s7+$0xFFFFFE10] =	vst v4;
	v4 =	vand.u32 $0x7E, v14;
	v14 =	vld [tilespmem:s7+$0xFFFFFE80]  }
0x1fb: {  	[tilespmem:s7+$0x0] =	vst v6;
	v6 =	vmul.f32 v9, v10;
	v9 =	vld [tilespmem:s7+$0xFFFFFE90];
	v4 =	vor.u32 v3, v4  }
0x1fc: {  	[tilespmem:s7+$0xFFFFFE20] =	vst v8;
	v8 =	vmul.f32 v11, v10;
	v11 =	vld [tilespmem:s7+$0xFFFFFEA0];
	v4 =	vbroadcast v4, $0x0  }
0x1fd: {  	[tilespmem:s7+$0xFFFFFE30] =	vst v6;
	v6 =	vmul.f32 v12, v10;
	v12 =	vld [tilespmem:s7+$0xFFFFFEB0]  }
0x1fe: {  	[tilespmem:s7+$0xFFFFFE40] =	vst v8;
	v8 =	vmul.f32 v5, v1;
	v5 =	vld [tilespmem:s7+$0xFFFFFEC0];
	v7 =	vmul.f32 v7, v10  }
0x1ff: {  	[tilespmem:s7+$0xFFFFFE50] =	vst v6;
	v6 =	vmul.f32 v13, v10;
	v13 =	vld [tilespmem:s7+$0xFFFFFED0]  }
0x200: {  	[tilespmem:s7+$0xFFFFFE60] =	vst v7;
	v7 =	vmul.f32 v8, v9;
	v9 =	vld [tilespmem:s7+$0xFFFFFEE0]  }
0x201: {  	v10 =	vmul.f32 v14, v10;
	v14 =	vld [tilespmem:s7+$0xFFFFFEF0];
	[tilespmem:s7+$0xFFFFFE70] =	vst v6  }
0x202: {  	v6 =	vmul.f32 v11, v8;
	[tilespmem:s7+$0xFFFFFE90] =	vst v7;
	v4 =	vld.idx.msk [tilespmem:v4+s21+$0x0], $0xffff  }
0x203: {  	[tilespmem:s7+$0xFFFFFE80] =	vst v10;
	v7 =	vmul.f32 v12, v8;
	v10 =	vld [tilespmem:s7+$0xFFFFFF00]  }
0x204: {  	v5 =	vmul.f32 v5, v8;
	v12 =	vld [tilespmem:s7+$0xFFFFFF10];
	[tilespmem:s7+$0xFFFFFEA0] =	vst v6  }
0x205: {  	v15 =	vld [tilespmem:s7+$0xFFFFFF20];
	[tilespmem:s7+$0xFFFFFEB0] =	vst v7;
	v7 =	vmul.f32 v13, v8  }
0x206: {  	v6 =	vld [tilespmem:s7+$0xFFFFFF30];
	[tilespmem:s7+$0xFFFFFEC0] =	vst v5;
	v9 =	vmul.f32 v9, v8  }
0x207: {  	s22 =	simm.s32 $0x4;
	v5 =	vld [tilespmem:s7+$0xFFFFFF40];
	v13 =	vmul.f32 v14, v8;
	[tilespmem:s7+$0xFFFFFED0] =	vst v7;
	v4 =	vmul.f32 v4, v1  }
0x208: {  	s29 =	simm.s32 $0x5;
	v11 =	vmov s22;
	v7 =	vld [tilespmem:s7+$0xFFFFFF50];
	[tilespmem:s7+$0xFFFFFEE0] =	vst v9;
	v9 =	vmul.f32 v10, v8  }
0x209: {  	s30 =	simm.s32 $0x6;
	v10 =	vand.u32 $0x7C, v11;
	v11 =	vmov s29;
	[tilespmem:s7+$0xFFFFFEF0] =	vst v13;
	v8 =	vld [tilespmem:s7+$0xFFFFFF60];
	v14 =	vmul.f32 v4, v12  }
0x20a: {  	s14 =	simm.s32 $0x7;
	s11 =	simm.s32 $0x8;
	s9 =	simm.s32 $0x8E70;
	v13 =	vmov s30;
	v10 =	vor.u32 v3, v10;
	[tilespmem:s7+$0xFFFFFF00] =	vst v9;
	v9 =	vld [tilespmem:s7+$0xFFFFFF70];
	v12 =	vmul.f32 v15, v4  }
.LBB2_19:
0x20b: {  	p1 =	slt.u32 s11, $0x2C;
	v11 =	vand.u32 $0x7D, v11;
	v15 =	vmov s14;
	[tilespmem:s7+$0xFFFFFF10] =	vst v14;
	v6 =	vmul.f32 v6, v4;
	v14 =	vld [tilespmem:s7+$0xFFFFFF80]  }
0x20c: {  	v13 =	vand.u32 $0x7E, v13;
	v15 =	vand.u32 $0x7F, v15;
	[tilespmem:s7+$0xFFFFFF20] =	vst v12;
	v5 =	vmul.f32 v5, v4;
	v12 =	vld [tilespmem:s7+$0xFFFFFF90]  }
0x20d: {  	v10 =	vbroadcast v10, $0x0;
	v15 =	vor.u32 v3, v15;
	[tilespmem:s7+$0xFFFFFF30] =	vst v6;
	v6 =	vmul.f32 v7, v4;
	v7 =	vld [tilespmem:s7+$0xFFFFFFA0]  }
0x20e: {  	v11 =	vor.u32 v3, v11;
	v15 =	vbroadcast v15, $0x0;
	[tilespmem:s7+$0xFFFFFF40] =	vst v5;
	v5 =	vmul.f32 v8, v4;
	v8 =	vld [tilespmem:s7+$0xFFFFFFB0]  }
0x20f: {  	v13 =	vor.u32 v3, v13;
	v11 =	vbroadcast v11, $0x0;
	[tilespmem:s7+$0xFFFFFF50] =	vst v6;
	v6 =	vmul.f32 v9, v4;
	v9 =	vld [tilespmem:s7+$0xFFFFFFC0]  }
0x210: {  	v13 =	vbroadcast v13, $0x0;
	[tilespmem:s7+$0xFFFFFF60] =	vst v5;
	v4 =	vmul.f32 v14, v4;
	v5 =	vld [tilespmem:s7+$0xFFFFFFD0]  }
0x211: {  	[tilespmem:s7+$0xFFFFFF70] =	vst v6;
	v6 =	vmul.f32 v2, v12;
	v12 =	vld [tilespmem:s7+$0xFFFFFFE0]  }
0x212: {  	[tilespmem:s7+$0xFFFFFF80] =	vst v4;
	v4 =	vmul.f32 v7, v2;
	v7 =	vld [tilespmem:s7+$0xFFFFFFF0]  }
0x213: {  	v10 =	vld.idx.msk [tilespmem:v10+s21+$0x0], $0xffff;
	[tilespmem:s7+$0xFFFFFF90] =	vst v6;
	v6 =	vmul.f32 v8, v2  }
0x214: {  	v8 =	vld.idx.msk [tilespmem:v15+s21+$0x0], $0xffff;
	[tilespmem:s7+$0xFFFFFFA0] =	vst v4;
	v4 =	vmul.f32 v9, v2  }
0x215: {  	v9 =	vld.idx.msk [tilespmem:v11+s21+$0x0], $0xffff;
	[tilespmem:s7+$0xFFFFFFB0] =	vst v6;
	v5 =	vmul.f32 v5, v2  }
0x216: {  	s7 =	sadd.s32 $0x200, s7;
	v11 =	vld.idx.msk [tilespmem:v13+s21+$0x0], $0xffff;
	[tilespmem:s9+$0xFFFFFFC0] =	vst v4;
	v4 =	vmul.f32 v12, v2  }
0x217: {  	v6 =	vld [tilespmem:s7+$0x0];
	[tilespmem:s9+$0xFFFFFFD0] =	vst v5;
	v2 =	vmul.f32 v7, v2  }
0x218: {  	v5 =	vld [tilespmem:s7+$0xFFFFFE10];
	[tilespmem:s9+$0xFFFFFFE0] =	vst v4  }
0x219: {  	v4 =	vld [tilespmem:s7+$0xFFFFFE20];
	[tilespmem:s9+$0xFFFFFFF0] =	vst v2;
	s9 =	smov.u32 s7  }
0x21a: {  	v2 =	vmul.f32 v8, v1;
	v7 =	vld [tilespmem:s7+$0xFFFFFE30]  }
0x21b: {  	v8 =	vmul.f32 v10, v1;
	v10 =	vld [tilespmem:s7+$0xFFFFFE40]  }
0x21c: {  	v12 =	vld [tilespmem:s7+$0xFFFFFE50];
	v6 =	vmul.f32 v6, v2  }
0x21d: {  	v5 =	vmul.f32 v8, v5;
	v13 =	vld [tilespmem:s7+$0xFFFFFE60]  }
0x21e: {  	v4 =	vmul.f32 v4, v8;
	v14 =	vld [tilespmem:s7+$0xFFFFFE70];
	[tilespmem:s7+$0x0] =	vst v6  }
0x21f: {  	[tilespmem:s7+$0xFFFFFE10] =	vst v5;
	v5 =	vmul.f32 v7, v8;
	v6 =	vld [tilespmem:s7+$0xFFFFFE80]  }
0x220: {  	[tilespmem:s7+$0xFFFFFE20] =	vst v4;
	v4 =	vmul.f32 v10, v8;
	v7 =	vld [tilespmem:s7+$0xFFFFFE90]  }
0x221: {  	[tilespmem:s7+$0xFFFFFE30] =	vst v5;
	v5 =	vmul.f32 v12, v8;
	v10 =	vld [tilespmem:s7+$0xFFFFFEA0]  }
0x222: {  	[tilespmem:s7+$0xFFFFFE40] =	vst v4;
	v4 =	vmul.f32 v13, v8;
	v12 =	vld [tilespmem:s7+$0xFFFFFEB0]  }
0x223: {  	v9 =	vmul.f32 v9, v1;
	[tilespmem:s7+$0xFFFFFE50] =	vst v5;
	v5 =	vmul.f32 v14, v8;
	v13 =	vld [tilespmem:s7+$0xFFFFFEC0]  }
0x224: {  	[tilespmem:s7+$0xFFFFFE60] =	vst v4;
	v4 =	vmul.f32 v6, v8;
	v6 =	vld [tilespmem:s7+$0xFFFFFED0]  }
0x225: {  	[tilespmem:s7+$0xFFFFFE70] =	vst v5;
	v5 =	vmul.f32 v9, v7;
	v7 =	vld [tilespmem:s7+$0xFFFFFEE0]  }
0x226: {  	[tilespmem:s7+$0xFFFFFE80] =	vst v4;
	v4 =	vmul.f32 v10, v9;
	v8 =	vld [tilespmem:s7+$0xFFFFFEF0]  }
0x227: {  	[tilespmem:s7+$0xFFFFFE90] =	vst v5;
	v5 =	vmul.f32 v12, v9;
	v10 =	vld [tilespmem:s7+$0xFFFFFF00]  }
0x228: {  	[tilespmem:s7+$0xFFFFFEA0] =	vst v4;
	v4 =	vmul.f32 v13, v9;
	v12 =	vld [tilespmem:s7+$0xFFFFFF10]  }
0x229: {  	[tilespmem:s7+$0xFFFFFEB0] =	vst v5;
	v5 =	vmul.f32 v6, v9;
	v15 =	vld [tilespmem:s7+$0xFFFFFF20]  }
.Ltmp13:
0x22a: {  	[tilespmem:s7+$0xFFFFFEC0] =	vst v4;
	v7 =	vmul.f32 v7, v9;
	v6 =	vld [tilespmem:s7+$0xFFFFFF30];
	(pc) =	sbr.rel @p1 .LBB2_19-.Ltmp13, $4  }
0x22b: {  	v4 =	vmul.f32 v11, v1;
	[tilespmem:s7+$0xFFFFFED0] =	vst v5;
	v8 =	vmul.f32 v8, v9;
	v5 =	vld [tilespmem:s7+$0xFFFFFF40]  }
0x22c: {  	s14 =	sadd.s32 $0x1, s11;
	v11 =	vmov s11;
	[tilespmem:s7+$0xFFFFFEE0] =	vst v7;
	v9 =	vmul.f32 v10, v9;
	v7 =	vld [tilespmem:s7+$0xFFFFFF50]  }
0x22d: {  	v10 =	vand.u32 $0x7C, v11;
	v11 =	vmov s14;
	s14 =	sadd.s32 $0x2, s11;
	[tilespmem:s7+$0xFFFFFEF0] =	vst v8;
	v14 =	vmul.f32 v4, v12;
	v8 =	vld [tilespmem:s7+$0xFFFFFF60]  }
0x22e: {  	v10 =	vor.u32 v3, v10;
	v13 =	vmov s14;
	s14 =	sadd.s32 $0x3, s11;
	s11 =	sadd.s32 $0x4, s11;
	[tilespmem:s7+$0xFFFFFF00] =	vst v9;
	v12 =	vmul.f32 v15, v4;
	v9 =	vld [tilespmem:s7+$0xFFFFFF70]  }
0x22f: {  	v15 =	vld [tilespmem:s7+$0xFFFFFF80]  }
0x230: {  	v16 =	vld [tilespmem:s7+$0xFFFFFF90]  }
0x231: {  	v17 =	vld [tilespmem:s7+$0xFFFFFFA0]  }
0x232: {  	v18 =	vld [tilespmem:s7+$0xFFFFFFB0]  }
0x233: {  	[tilespmem:s7+$0xFFFFFF10] =	vst v14;
	v10 =	vbroadcast v10, $0x0;
	v6 =	vmul.f32 v6, v4;
	v54 =	vld [tilespmem:s7+$0xFFFFFFC0]  }
0x234: {  	v55 =	vld [tilespmem:s7+$0xFFFFFFD0];
	[tilespmem:s7+$0xFFFFFF20] =	vst v12;
	v5 =	vmul.f32 v5, v4  }
0x235: {  	v57 =	vld [tilespmem:s7+$0xFFFFFFE0];
	[tilespmem:s7+$0xFFFFFF30] =	vst v6;
	v56 =	vmul.f32 v7, v4  }
0x236: {  	v59 =	vld [tilespmem:s7+$0xFFFFFFF0];
	s11 =	sadd.s32 $0x200, s7;
	[tilespmem:s7+$0xFFFFFF40] =	vst v5;
	v58 =	vmul.f32 v8, v4  }
0x237: {  	v22 =	vld [tilespmem:s11+$0xFFFFFE10];
	[tilespmem:s7+$0xFFFFFF50] =	vst v56;
	v60 =	vmul.f32 v9, v4  }
0x238: {  	v24 =	vld [tilespmem:s11+$0xFFFFFE20];
	[tilespmem:s7+$0xFFFFFF60] =	vst v58;
	v62 =	vmul.f32 v15, v4  }
0x239: {  	v11 =	vand.u32 $0x7D, v11;
	v15 =	vmul.f32 v2, v16;
	v61 =	vld.idx.msk [tilespmem:v10+s21+$0x0], $0xffff;
	[tilespmem:s7+$0xFFFFFF70] =	vst v60  }
0x23a: {  	v11 =	vor.u32 v3, v11;
	v26 =	vld [tilespmem:s11+$0xFFFFFE30];
	v17 =	vmul.f32 v17, v2;
	[tilespmem:s7+$0xFFFFFF80] =	vst v62  }
0x23b: {  	v28 =	vld [tilespmem:s11+$0xFFFFFE40];
	v11 =	vbroadcast v11, $0x0;
	v19 =	vmul.f32 v18, v2;
	[tilespmem:s7+$0xFFFFFF90] =	vst v15  }
0x23c: {  	v29 =	vld [tilespmem:s11+$0xFFFFFE50];
	v21 =	vmul.f32 v54, v2;
	[tilespmem:s7+$0xFFFFFFA0] =	vst v17  }
0x23d: {  	v31 =	vld [tilespmem:s11+$0xFFFFFE60];
	v23 =	vmul.f32 v55, v2;
	v25 =	vmul.f32 v57, v2;
	[tilespmem:s7+$0xFFFFFFB0] =	vst v19  }
0x23e: {  	v32 =	vld [tilespmem:s11+$0xFFFFFE70];
	v2 =	vmul.f32 v59, v2;
	[tilespmem:s9+$0xFFFFFFC0] =	vst v21;
	v27 =	vmul.f32 v61, v1  }
0x23f: {  	v33 =	vld [tilespmem:s11+$0xFFFFFE80];
	[tilespmem:s9+$0xFFFFFFD0] =	vst v23  }
0x240: {  	v53 =	vmov s14;
	v34 =	vld [tilespmem:s11+$0xFFFFFE90];
	[tilespmem:s9+$0xFFFFFFF0] =	vst v2;
	v2 =	vmul.f32 v27, v22  }
0x241: {  	v14 =	vand.u32 $0x7F, v53;
	v16 =	vld.idx.msk [tilespmem:v11+s21+$0x0], $0xffff;
	[tilespmem:s9+$0xFFFFFFE0] =	vst v25;
	v12 =	vmul.f32 v24, v27  }
0x242: {  	v13 =	vand.u32 $0x7E, v13;
	v35 =	vld [tilespmem:s11+$0xFFFFFEA0];
	v14 =	vor.u32 v3, v14;
	v8 =	vmul.f32 v28, v27;
	[tilespmem:s11+$0xFFFFFE10] =	vst v2  }
0x243: {  	v37 =	vld [tilespmem:s11+$0xFFFFFEB0];
	v3 =	vor.u32 v3, v13;
	v14 =	vbroadcast v14, $0x0;
	v2 =	vmul.f32 v26, v27;
	[tilespmem:s11+$0xFFFFFE20] =	vst v12  }
0x244: {  	v38 =	vld [tilespmem:s11+$0xFFFFFEC0];
	v3 =	vbroadcast v3, $0x0;
	v36 =	vmul.f32 v31, v27;
	[tilespmem:s11+$0xFFFFFE40] =	vst v8  }
0x245: {  	v39 =	vld [tilespmem:s11+$0xFFFFFED0];
	[tilespmem:s11+$0xFFFFFE30] =	vst v2;
	v2 =	vmul.f32 v29, v27  }
0x246: {  	v40 =	vld [tilespmem:s11+$0xFFFFFEE0];
	v10 =	vmul.f32 v16, v1;
	v6 =	vmul.f32 v33, v27;
	[tilespmem:s11+$0xFFFFFE60] =	vst v36  }
0x247: {  	v41 =	vld [tilespmem:s11+$0xFFFFFEF0];
	[tilespmem:s11+$0xFFFFFE50] =	vst v2;
	v2 =	vmul.f32 v32, v27  }
0x248: {  	v42 =	vld [tilespmem:s11+$0xFFFFFF00];
	[tilespmem:s11+$0xFFFFFE80] =	vst v6;
	v4 =	vmul.f32 v35, v10  }
0x249: {  	v63 =	vld.idx.msk [tilespmem:v14+s21+$0x0], $0xffff;
	[tilespmem:s11+$0xFFFFFE70] =	vst v2;
	v2 =	vmul.f32 v10, v34  }
0x24a: {  	v3 =	vld.idx.msk [tilespmem:v3+s21+$0x0], $0xffff;
	v43 =	vmul.f32 v38, v10;
	[tilespmem:s11+$0xFFFFFEA0] =	vst v4  }
0x24b: {  	v20 =	vld [tilespmem:s11+$0x0];
	[tilespmem:s11+$0xFFFFFE90] =	vst v2;
	v2 =	vmul.f32 v37, v10  }
0x24c: {  	v44 =	vld [tilespmem:s11+$0xFFFFFF10];
	v46 =	vmul.f32 v40, v10;
	[tilespmem:s11+$0xFFFFFEC0] =	vst v43  }
0x24d: {  	v45 =	vld [tilespmem:s11+$0xFFFFFF20];
	[tilespmem:s11+$0xFFFFFEB0] =	vst v2;
	v2 =	vmul.f32 v39, v10  }
0x24e: {  	v47 =	vld [tilespmem:s11+$0xFFFFFF30];
	v5 =	vmul.f32 v63, v1;
	v49 =	vmul.f32 v42, v10;
	[tilespmem:s11+$0xFFFFFEE0] =	vst v46  }
0x24f: {  	v48 =	vld [tilespmem:s11+$0xFFFFFF40];
	v3 =	vmul.f32 v3, v1;
	[tilespmem:s11+$0xFFFFFED0] =	vst v2;
	v2 =	vmul.f32 v41, v10  }
0x250: {  	v50 =	vld [tilespmem:s11+$0xFFFFFF50];
	v30 =	vmul.f32 v20, v5;
	[tilespmem:s11+$0xFFFFFF00] =	vst v49  }
0x251: {  	v51 =	vld [tilespmem:s11+$0xFFFFFF60];
	[tilespmem:s11+$0xFFFFFEF0] =	vst v2;
	v2 =	vmul.f32 v3, v44  }
0x252: {  	v53 =	vld [tilespmem:s11+$0xFFFFFF70];
	v52 =	vmul.f32 v45, v3;
	[tilespmem:s11+$0x0] =	vst v30  }
0x253: {  	v54 =	vld [tilespmem:s11+$0xFFFFFF80];
	[tilespmem:s11+$0xFFFFFF10] =	vst v2;
	v2 =	vmul.f32 v47, v3  }
0x254: {  	v56 =	vld [tilespmem:s11+$0xFFFFFF90];
	v55 =	vmul.f32 v48, v3;
	[tilespmem:s11+$0xFFFFFF20] =	vst v52  }
0x255: {  	v57 =	vld [tilespmem:s11+$0xFFFFFFA0];
	[tilespmem:s11+$0xFFFFFF30] =	vst v2;
	v2 =	vmul.f32 v50, v3  }
0x256: {  	v59 =	vld [tilespmem:s11+$0xFFFFFFB0];
	v58 =	vmul.f32 v51, v3;
	[tilespmem:s11+$0xFFFFFF40] =	vst v55  }
0x257: {  	v60 =	vld [tilespmem:s11+$0xFFFFFFC0];
	[tilespmem:s11+$0xFFFFFF50] =	vst v2;
	v2 =	vmul.f32 v53, v3  }
0x258: {  	v61 =	vld [tilespmem:s11+$0xFFFFFFD0];
	[tilespmem:s11+$0xFFFFFF60] =	vst v58;
	v3 =	vmul.f32 v54, v3  }
0x259: {  	v62 =	vld [tilespmem:s11+$0xFFFFFFE0];
	[tilespmem:s11+$0xFFFFFF70] =	vst v2;
	v2 =	vmul.f32 v5, v56  }
0x25a: {  	v63 =	vld [tilespmem:s11+$0xFFFFFFF0];
	[tilespmem:s11+$0xFFFFFF80] =	vst v3;
	v3 =	vmul.f32 v57, v5  }
0x25b: {  	[tilespmem:s11+$0xFFFFFF90] =	vst v2;
	v2 =	vmul.f32 v59, v5  }
0x25c: {  	[tilespmem:s11+$0xFFFFFFA0] =	vst v3;
	v3 =	vmul.f32 v60, v5  }
0x25d: {  	[tilespmem:s11+$0xFFFFFFB0] =	vst v2;
	v2 =	vmul.f32 v61, v5  }
0x25e: {  	[tilespmem:s11+$0xFFFFFFC0] =	vst v3;
	v3 =	vmul.f32 v62, v5  }
0x25f: {  	[tilespmem:s11+$0xFFFFFFD0] =	vst v2;
	v2 =	vmul.f32 v63, v5  }
0x260: {  	p1 =	sne.s32 s12, $0x4;
	[tilespmem:s11+$0xFFFFFFE0] =	vst v3  }
.Ltmp14:
0x261: {  	s6 =	sadd.s32 s6, s18;
	[tilespmem:s11+$0xFFFFFFF0] =	vst v2;
	(pc) =	sbr.rel @!p1 .LBB2_21-.Ltmp14, $4  }
0x262: {  	[spmem:s4] =	stream.indirect.scatter.add.f32 [tilespmem:s0], [sflag:$0x8], $0x80, s6, s23, $0xb8;
	[tilespmem:$0x1E480] =	vst v63  }
0x263: {  	_ =	swait.ge [sflag:s10], $0x1800  }
0x264: {  	[sflag:s10] =	ssyncset.done $0x0  }
0x265: {  	[sflag:s10] =	ssyncadd.s32 $0xFFFFE800  }
.Ltmp15:
0x266: {  	(pc) =	sbr.rel .LBB2_3-.Ltmp15, $4  }
0x267: {  	_ = 	snop  }
0x268: {  	s3 =	sadd.s32 s3, s15  }
0x269: {  	s12 =	sadd.s32 $0x1, s12;
	s3 =	sadd.s32 $0x300, s3  }
0x26a: {  	[tilespmem:s28], [sflag:$0x3] =	stream.indirect.gather [hbm4b:s1+s23], $0x80, s3, s23, $0xb8;
	[tilespmem:$0x1E480] =	vst v63  }
.LBB2_23:
0x26b: {  	_ =	sfence.sel $0x180000  }
0x26c: {  	[bflag:$0x0] =	sbarrier.arrive $0xFFFF  }
0x26d: {  	_ =	strace $0x90000047  }
0x26e: {  	s0 =	stileid.u32;
	[bflag:$0x2] =	sbarrier.arrive $0xFFFF  }
0x26f: {  	p0 =	sne.s32 s0, $0x0;
	s0 =	rddreg [dreg:$0x4]  }
0x270: {  	s0 =	sadd.s32 @!p0 $0x100000, s0  }
0x271: {  	[sflag:s0] =	ssyncadd.tile.s32 @!p0 $0x1;
	_ =	shalt  }
.Lfunc_end2:
_tile_overlayer_lowered:
.L_overlay_start_2:
0x272: {  	(tag) =	ssettag $0x2  }
0x273: {  	s0 =	rddreg [dreg:$0x0];
	s2 =	stileid.u32  }
0x274: {  	s1 =	rddreg [dreg:$0x1];
	p0 =	sne.s32 s2, $0x0  }
0x275: {  	s3 =	rddreg [dreg:$0x2];
	[bflag:$0x3] =	sbarrier.arrive $0xFFFF;
	s2 =	simm.s32 @!p0 $0x1C0C  }
0x276: {  	[timem:s3], [sflag:s2] =	dma.local @!p0 [hbm:s0], s1  }
0x277: {  	s0 =	simm.s32 @!p0 $0xC  }
0x278: {  	_ =	swait.ge @!p0 [sflag:s0], s1  }
0x279: {  	s1 =	ssub.s32 @!p0 $0x0, s1;
	[sflag:s0] =	ssyncset.done @!p0 $0x0  }
0x27a: {  	[sflag:s0] =	ssyncadd.s32 @!p0 s1  }
0x27b: {  	[bflag:$0x3] =	sbarrier.arrive $0xFFFF  }
0x27c: {  	_ =	shalt  }

</sc_bundles>
